<compile_context>
chip_gen: v7x
topology: tpu7x:2x2x1
jax: 0.10.2.dev20260603
libtpu: 0.0.44.dev20260713+nightly
codegen_flags: <defaults>
</compile_context>

<pallas_src>
import functools

import jax
import jax.numpy as jnp
from jax import lax
from jax.experimental import pallas as pl
from jax.experimental.pallas import tpu as pltpu
from jax.experimental.pallas import tpu_sc as plsc

N = 10000
E = 160000
IN_DIM = 256
NCLS = 40
F = 48
NLAYER = 4
NC, NS = 2, 16
NW = NC * NS
B = 512
EPW = E // NW
NB = -(-EPW // B)
PAD_ROW = N
NPAD = 10240
NACC = NPAD
RPS = NPAD // NS
DEGW = 16
NBX = NB


def _mesh():
    return plsc.VectorSubcoreMesh(core_axis_name="c", subcore_axis_name="s")


@functools.partial(
    pl.kernel,
    out_type=jax.ShapeDtypeStruct((NC, NPAD, DEGW), jnp.float32),
    mesh=_mesh(),
    scratch_types=[
        pltpu.VMEM((NBX, B), jnp.int32),
        pltpu.VMEM((B, DEGW), jnp.float32),
        pltpu.VMEM_SHARED((NACC, DEGW), jnp.float32),
    ],
    compiler_params=pltpu.CompilerParams(use_tc_tiling_on_sc=False),
)
def _deg_sc(dstb, ones_rows, zero_rows, pdeg, dst_v, ones_v, acc):
    c = lax.axis_index("c")
    s = lax.axis_index("s")
    w = c * NS + s
    pltpu.sync_copy(zero_rows, acc.at[pl.ds(s * RPS, RPS)])
    pltpu.sync_copy(ones_rows, ones_v)
    pltpu.sync_copy(dstb.at[w], dst_v)
    plsc.subcore_barrier()

    def body(j, carry):
        pltpu.sync_copy(ones_v, acc.at[dst_v.at[j]], add=True)
        return carry

    lax.fori_loop(0, NB, body, 0)
    plsc.subcore_barrier()
    pltpu.sync_copy(acc.at[pl.ds(s * RPS, RPS)], pdeg.at[c, pl.ds(s * RPS, RPS)])


@functools.partial(
    pl.kernel,
    out_type=jax.ShapeDtypeStruct((NC, NPAD, F), jnp.float32),
    mesh=_mesh(),
    scratch_types=[
        pltpu.VMEM((NBX, B), jnp.int32),
        pltpu.VMEM((NBX, B), jnp.int32),
        pltpu.VMEM((B, F), jnp.float32),
        pltpu.VMEM_SHARED((NACC, F), jnp.float32),
        pltpu.SemaphoreType.DMA,
    ],
    compiler_params=pltpu.CompilerParams(use_tc_tiling_on_sc=False),
)
def _sa_sc(g, srcb, dstb, zero_rows, p, src_v, dst_v, rows_v, acc, sem):
    c = lax.axis_index("c")
    s = lax.axis_index("s")
    w = c * NS + s
    pltpu.sync_copy(zero_rows, acc.at[pl.ds(s * RPS, RPS)])
    pltpu.sync_copy(srcb.at[w], src_v)
    pltpu.sync_copy(dstb.at[w], dst_v)
    plsc.subcore_barrier()

    def body(j, carry):
        pltpu.async_copy(g.at[src_v.at[j]], rows_v, sem).wait()
        pltpu.sync_copy(rows_v, acc.at[dst_v.at[j]], add=True)
        return carry

    lax.fori_loop(0, NB, body, 0)
    plsc.subcore_barrier()
    pltpu.sync_copy(acc.at[pl.ds(s * RPS, RPS)], p.at[c, pl.ds(s * RPS, RPS)])


RZ = 1000


def _z_body(x_ref, wT_ref, b_ref, qT_ref, pdeg_ref,
            z0_ref, z1_ref, z2_ref, z3_ref, g4_ref, dinv_ref, dinv2_ref):
    h0 = jnp.maximum(
        jnp.dot(x_ref[...], wT_ref[...], preferred_element_type=jnp.float32)
        + b_ref[...], 0.0)
    z = jnp.dot(h0, qT_ref[...], preferred_element_type=jnp.float32)
    deg = 1.0 + pdeg_ref[0, :, 0:1] + pdeg_ref[1, :, 0:1]
    dinv = lax.rsqrt(deg)
    z0_ref[...] = z[:, 0:F]
    z1_ref[...] = z[:, F:2 * F] * dinv
    z2_ref[...] = z[:, 2 * F:3 * F] * dinv
    z3_ref[...] = z[:, 3 * F:4 * F] * dinv
    g4_ref[...] = z[:, 4 * F:5 * F] * dinv
    dinv_ref[...] = dinv
    dinv2_ref[...] = 1.0 / deg


def _z_tc(x, thetaT, theta_b2, qT, pdeg):
    shp = jax.ShapeDtypeStruct((N, F), jnp.float32)
    shp1 = jax.ShapeDtypeStruct((N, 1), jnp.float32)
    return pl.pallas_call(
        _z_body,
        grid=(N // RZ,),
        in_specs=[
            pl.BlockSpec((RZ, IN_DIM), lambda i: (i, 0)),
            pl.BlockSpec((IN_DIM, IN_DIM), lambda i: (0, 0)),
            pl.BlockSpec((1, IN_DIM), lambda i: (0, 0)),
            pl.BlockSpec((IN_DIM, 5 * F), lambda i: (0, 0)),
            pl.BlockSpec((NC, RZ, DEGW), lambda i: (0, i, 0)),
        ],
        out_specs=[
            pl.BlockSpec((RZ, F), lambda i: (i, 0)),
            pl.BlockSpec((RZ, F), lambda i: (i, 0)),
            pl.BlockSpec((RZ, F), lambda i: (i, 0)),
            pl.BlockSpec((RZ, F), lambda i: (i, 0)),
            pl.BlockSpec((RZ, F), lambda i: (i, 0)),
            pl.BlockSpec((RZ, 1), lambda i: (i, 0)),
            pl.BlockSpec((RZ, 1), lambda i: (i, 0)),
        ],
        out_shape=[shp, shp, shp, shp, shp, shp1, shp1],
    )(x, thetaT, theta_b2, qT, pdeg)


RC = 2000


def _comb_body(p_ref, g_ref, zh_ref, dinv2_ref, out_ref):
    out_ref[...] = (dinv2_ref[...] * (p_ref[0] + p_ref[1] + g_ref[...])
                    + zh_ref[...])


def _comb_tc(p, g, zh, dinv2):
    return pl.pallas_call(
        _comb_body,
        grid=(N // RC,),
        in_specs=[
            pl.BlockSpec((NC, RC, F), lambda i: (0, i, 0)),
            pl.BlockSpec((RC, F), lambda i: (i, 0)),
            pl.BlockSpec((RC, F), lambda i: (i, 0)),
            pl.BlockSpec((RC, 1), lambda i: (i, 0)),
        ],
        out_specs=pl.BlockSpec((RC, F), lambda i: (i, 0)),
        out_shape=jax.ShapeDtypeStruct((N, F), jnp.float32),
    )(p, g, zh, dinv2)


def _fin_body(p_ref, g_ref, z0_ref, dinv_ref, pb_ref, out_ref):
    t = dinv_ref[...] * (p_ref[0] + p_ref[1] + g_ref[...]) + z0_ref[...]
    logits = t[:, :NCLS] + pb_ref[...]
    m = jnp.max(logits, axis=1, keepdims=True)
    lse = jnp.log(jnp.sum(jnp.exp(logits - m), axis=1, keepdims=True))
    out_ref[...] = logits - m - lse


def _fin_tc(p, g, z0, dinv, pb2):
    return pl.pallas_call(
        _fin_body,
        grid=(N // RC,),
        in_specs=[
            pl.BlockSpec((NC, RC, F), lambda i: (0, i, 0)),
            pl.BlockSpec((RC, F), lambda i: (i, 0)),
            pl.BlockSpec((RC, F), lambda i: (i, 0)),
            pl.BlockSpec((RC, 1), lambda i: (i, 0)),
            pl.BlockSpec((1, NCLS), lambda i: (0, 0)),
        ],
        out_specs=pl.BlockSpec((RC, NCLS), lambda i: (i, 0)),
        out_shape=jax.ShapeDtypeStruct((N, NCLS), jnp.float32),
    )(p, g, z0, dinv, pb2)


def kernel(x, edge_index, lambdas, theta_W, theta_b, pred_W, pred_b):
    src = edge_index[0].astype(jnp.int32)
    dst = edge_index[1].astype(jnp.int32)
    padn = NBX * B - EPW
    srcb = jnp.concatenate(
        [src.reshape(NW, EPW), jnp.zeros((NW, padn), jnp.int32)],
        axis=1).reshape(NW, NBX, B)
    dstb = jnp.concatenate(
        [dst.reshape(NW, EPW), jnp.full((NW, padn), PAD_ROW, jnp.int32)],
        axis=1).reshape(NW, NBX, B)

    zero_f = jnp.zeros((RPS, F), jnp.float32)
    zero_d = jnp.zeros((RPS, DEGW), jnp.float32)
    ones_d = jnp.ones((B, DEGW), jnp.float32)

    pdeg = _deg_sc(dstb, ones_d, zero_d)

    lam = 1.0 + jax.nn.relu(lambdas)
    alpha = (2.0 * lam - 2.0) / lam
    beta = 2.0 / lam
    rows = [jnp.zeros((NLAYER + 1,), jnp.float32).at[0].set(1.0)]
    for k in range(NLAYER):
        prev = rows[-1]
        shifted = jnp.concatenate([jnp.zeros((1,), jnp.float32), prev[:-1]])
        rows.append(alpha[k] * prev + beta[k] * shifted)
    cmat = jnp.stack(rows[1:])
    Pk = pred_W.reshape(NCLS, NLAYER, IN_DIM)
    Q = jnp.einsum("kj,ckf->jcf", cmat, Pk)
    qT = jnp.pad(Q, ((0, 0), (0, F - NCLS), (0, 0))).reshape(5 * F, IN_DIM).T

    z0, z1, z2, z3, g, dinv, dinv2 = _z_tc(
        x, theta_W.T, theta_b.reshape(1, IN_DIM), qT, pdeg)

    zh = [None, z1, z2, z3]
    for j in range(NLAYER - 1, 0, -1):
        p = _sa_sc(g, srcb, dstb, zero_f)
        g = _comb_tc(p, g, zh[j], dinv2)
    p = _sa_sc(g, srcb, dstb, zero_f)
    return _fin_tc(p, g, z0, dinv, pred_b.reshape(1, NCLS))

# --- scband reference (transcript-rebuilt; emitter-appended) ---
"""Pipeline reference for scband-akgnn-601295422148 (READ-ONLY COPY).

The authoritative reference and input builder live on the scoring server;
editing this copy changes nothing except your own understanding.
"""

import jax, jax.numpy as jnp
import numpy as np

N_LAYER = 4
IN_DIM = 256
H_DIM = 256
N_CLASS = 40
N_NODES = 10000
N_EDGES = 160000


def setup_inputs(seed: int = 0) -> dict:
    key = jax.random.key(seed)
    k1, k2, k3, k4, k5, k6 = jax.random.split(key, 6)
    x = jax.random.normal(k1, (N_NODES, IN_DIM), dtype=jnp.float32)
    edge_index = jax.random.randint(k2, (2, N_EDGES), 0, N_NODES, dtype=jnp.int64)
    stdv_t = 1.0 / np.sqrt(IN_DIM)
    theta_W = jax.random.uniform(k3, (H_DIM, IN_DIM), minval=-stdv_t, maxval=stdv_t, dtype=jnp.float32)
    theta_b = jax.random.uniform(k4, (H_DIM,), minval=-stdv_t, maxval=stdv_t, dtype=jnp.float32)
    stdv_p = 1.0 / np.sqrt(H_DIM * N_LAYER)
    pred_W = jax.random.uniform(k5, (N_CLASS, H_DIM * N_LAYER), minval=-stdv_p, maxval=stdv_p, dtype=jnp.float32)
    pred_b = jax.random.uniform(k6, (N_CLASS,), minval=-stdv_p, maxval=stdv_p, dtype=jnp.float32)
    lambdas = jnp.ones((N_LAYER,), dtype=jnp.float32)
    return {"x": x, "edge_index": edge_index, "lambdas": lambdas,
            "theta_W": theta_W, "theta_b": theta_b, "pred_W": pred_W, "pred_b": pred_b}


def reference(x, edge_index, lambdas, theta_W, theta_b, pred_W, pred_b):
    N = x.shape[0]
    # Build symmetrically-normalized adjacency with self-loops: A_hat = D^-1/2 (A + I) D^-1/2
    loop = jnp.arange(N, dtype=edge_index.dtype)
    src = jnp.concatenate([edge_index[0], loop])
    dst = jnp.concatenate([edge_index[1], loop])
    deg = jnp.zeros((N,), dtype=jnp.float32).at[dst].add(1.0)
    dinv = 1.0 / jnp.sqrt(deg)
    w = dinv[src] * dinv[dst]
    # theta + activation (eval mode: dropout is identity)
    h = jax.nn.relu(x @ theta_W.T + theta_b)
    h_list = []
    for k in range(N_LAYER):
        lam = 1.0 + jax.nn.relu(lambdas[k])
        # AKConv: ((2*lam-2)/lam) * I + (2/lam) * A_hat, applied via gather + scatter-add
        msg = h[src] * w[:, None]
        agg = jnp.zeros_like(h).at[dst].add(msg)
        h = ((2.0 * lam - 2.0) / lam) * h + (2.0 / lam) * agg
        h_list.append(h)
    hc = jnp.concatenate(h_list, axis=1)
    logits = hc @ pred_W.T + pred_b
    return jax.nn.log_softmax(logits, axis=1)

if __name__ == "__main__":
    import jax
    _d = setup_inputs()
    print(jax.jit(kernel)(*tuple(_d.values())))

</pallas_src>

<mosaic_0001>
#map = affine_map<(d0, d1) -> (0, 0)>
#map1 = affine_map<(d0, d1) -> (0, 0, 0)>
module attributes {stable_mosaic.version = 14 : i64} {
  func.func @_sa_sc(%arg0: i32, %arg1: i32, %arg2: memref<10000x48xf32, #tpu.memory_space<hbm>>, %arg3: memref<32x10x512xi32, #tpu.memory_space<hbm>>, %arg4: memref<32x10x512xi32, #tpu.memory_space<hbm>>, %arg5: memref<640x48xf32, #tpu.memory_space<hbm>>, %arg6: memref<2x10240x48xf32, #tpu.memory_space<hbm>>, %arg7: memref<10x512xi32, #tpu.memory_space<vmem>>, %arg8: memref<10x512xi32, #tpu.memory_space<vmem>>, %arg9: memref<512x48xf32, #tpu.memory_space<vmem>>, %arg10: memref<10240x48xf32, #tpu.memory_space<vmem_shared>>, %arg11: memref<!tpu.dma_semaphore, #tpu.memory_space<semaphore_mem>>) attributes {dimension_semantics = [#tpu.dimension_semantics<core_parallel>, #tpu.dimension_semantics<subcore_parallel>], iteration_bounds = array<i64: 2, 16>, scalar_prefetch = 0 : i64, scratch_operands = 5 : i64, tpu.core_type = #tpu.core_type<sc_vector_subcore>, window_params = [{transform_indices = #map}, {transform_indices = #map1}, {transform_indices = #map1}, {transform_indices = #map}, {transform_indices = #map1}]} {
    %mul3A = arith.constant 16 : i32
    %mul3A_0 = arith.muli %arg0, %mul3A : i32
    %add3A = arith.addi %mul3A_0, %arg1 : i32
    %mul3A_1 = arith.constant 640 : i32
    %mul3A_2 = arith.muli %arg1, %mul3A_1 : i32
    "tpu.region"() ({
      %run_scoped3A = tpu.sem_alloc : memref<!tpu.dma_semaphore, #tpu.memory_space<semaphore_mem>>
      %dma_start3A = arith.constant 0 : i32
      %dma_start3A_13 = tpu.memref_slice %arg10[%mul3A_2, %dma_start3A] : memref<10240x48xf32, #tpu.memory_space<vmem_shared>> -> memref<640x48xf32, #tpu.memory_space<vmem_shared>>
      tpu.enqueue_dma source(%arg5 : memref<640x48xf32, #tpu.memory_space<hbm>>) target(%dma_start3A_13 : memref<640x48xf32, #tpu.memory_space<vmem_shared>>) target_semaphore(%run_scoped3A : memref<!tpu.dma_semaphore, #tpu.memory_space<semaphore_mem>>)
      %dma_wait3A = arith.constant 0 : i32
      %dma_wait3A_14 = tpu.memref_slice %arg10[%mul3A_2, %dma_wait3A] : memref<10240x48xf32, #tpu.memory_space<vmem_shared>> -> memref<640x48xf32, #tpu.memory_space<vmem_shared>>
      tpu.wait_dma2 semaphore(%run_scoped3A : memref<!tpu.dma_semaphore, #tpu.memory_space<semaphore_mem>>) src(%arg5 : memref<640x48xf32, #tpu.memory_space<hbm>>) dst(%dma_wait3A_14 : memref<640x48xf32, #tpu.memory_space<vmem_shared>>)
      tpu.yield
    }) : () -> ()
    "tpu.region"() ({
      %run_scoped3A = tpu.sem_alloc : memref<!tpu.dma_semaphore, #tpu.memory_space<semaphore_mem>>
      %dma_start3A = arith.constant 0 : i32
      %dma_start3A_13 = arith.constant 0 : i32
      %dma_start3A_14 = tpu.memref_slice %arg3[%add3A, %dma_start3A, %dma_start3A_13] : memref<32x10x512xi32, #tpu.memory_space<hbm>> -> memref<1x10x512xi32, #tpu.memory_space<hbm>>
      %dma_start3A_15 = tpu.memref_squeeze %dma_start3A_14 : memref<1x10x512xi32, #tpu.memory_space<hbm>> -> memref<10x512xi32, #tpu.memory_space<hbm>>
      %dma_start3A_16 = arith.constant 0 : i32
      %dma_start3A_17 = arith.constant 0 : i32
      %dma_start3A_18 = tpu.memref_slice %arg3[%add3A, %dma_start3A_16, %dma_start3A_17] : memref<32x10x512xi32, #tpu.memory_space<hbm>> -> memref<1x10x512xi32, #tpu.memory_space<hbm>>
      %dma_start3A_19 = tpu.memref_squeeze %dma_start3A_18 : memref<1x10x512xi32, #tpu.memory_space<hbm>> -> memref<10x512xi32, #tpu.memory_space<hbm>>
      tpu.enqueue_dma source(%dma_start3A_19 : memref<10x512xi32, #tpu.memory_space<hbm>>) target(%arg7 : memref<10x512xi32, #tpu.memory_space<vmem>>) target_semaphore(%run_scoped3A : memref<!tpu.dma_semaphore, #tpu.memory_space<semaphore_mem>>)
      %dma_wait3A = arith.constant 0 : i32
      %dma_wait3A_20 = arith.constant 0 : i32
      %dma_wait3A_21 = tpu.memref_slice %arg3[%add3A, %dma_wait3A, %dma_wait3A_20] : memref<32x10x512xi32, #tpu.memory_space<hbm>> -> memref<1x10x512xi32, #tpu.memory_space<hbm>>
      %dma_wait3A_22 = tpu.memref_squeeze %dma_wait3A_21 : memref<1x10x512xi32, #tpu.memory_space<hbm>> -> memref<10x512xi32, #tpu.memory_space<hbm>>
      %dma_wait3A_23 = arith.constant 0 : i32
      %dma_wait3A_24 = arith.constant 0 : i32
      %dma_wait3A_25 = tpu.memref_slice %arg3[%add3A, %dma_wait3A_23, %dma_wait3A_24] : memref<32x10x512xi32, #tpu.memory_space<hbm>> -> memref<1x10x512xi32, #tpu.memory_space<hbm>>
      %dma_wait3A_26 = tpu.memref_squeeze %dma_wait3A_25 : memref<1x10x512xi32, #tpu.memory_space<hbm>> -> memref<10x512xi32, #tpu.memory_space<hbm>>
      tpu.wait_dma2 semaphore(%run_scoped3A : memref<!tpu.dma_semaphore, #tpu.memory_space<semaphore_mem>>) src(%dma_wait3A_26 : memref<10x512xi32, #tpu.memory_space<hbm>>) dst(%arg7 : memref<10x512xi32, #tpu.memory_space<vmem>>)
      tpu.yield
    }) : () -> ()
    "tpu.region"() ({
      %run_scoped3A = tpu.sem_alloc : memref<!tpu.dma_semaphore, #tpu.memory_space<semaphore_mem>>
      %dma_start3A = arith.constant 0 : i32
      %dma_start3A_13 = arith.constant 0 : i32
      %dma_start3A_14 = tpu.memref_slice %arg4[%add3A, %dma_start3A, %dma_start3A_13] : memref<32x10x512xi32, #tpu.memory_space<hbm>> -> memref<1x10x512xi32, #tpu.memory_space<hbm>>
      %dma_start3A_15 = tpu.memref_squeeze %dma_start3A_14 : memref<1x10x512xi32, #tpu.memory_space<hbm>> -> memref<10x512xi32, #tpu.memory_space<hbm>>
      %dma_start3A_16 = arith.constant 0 : i32
      %dma_start3A_17 = arith.constant 0 : i32
      %dma_start3A_18 = tpu.memref_slice %arg4[%add3A, %dma_start3A_16, %dma_start3A_17] : memref<32x10x512xi32, #tpu.memory_space<hbm>> -> memref<1x10x512xi32, #tpu.memory_space<hbm>>
      %dma_start3A_19 = tpu.memref_squeeze %dma_start3A_18 : memref<1x10x512xi32, #tpu.memory_space<hbm>> -> memref<10x512xi32, #tpu.memory_space<hbm>>
      tpu.enqueue_dma source(%dma_start3A_19 : memref<10x512xi32, #tpu.memory_space<hbm>>) target(%arg8 : memref<10x512xi32, #tpu.memory_space<vmem>>) target_semaphore(%run_scoped3A : memref<!tpu.dma_semaphore, #tpu.memory_space<semaphore_mem>>)
      %dma_wait3A = arith.constant 0 : i32
      %dma_wait3A_20 = arith.constant 0 : i32
      %dma_wait3A_21 = tpu.memref_slice %arg4[%add3A, %dma_wait3A, %dma_wait3A_20] : memref<32x10x512xi32, #tpu.memory_space<hbm>> -> memref<1x10x512xi32, #tpu.memory_space<hbm>>
      %dma_wait3A_22 = tpu.memref_squeeze %dma_wait3A_21 : memref<1x10x512xi32, #tpu.memory_space<hbm>> -> memref<10x512xi32, #tpu.memory_space<hbm>>
      %dma_wait3A_23 = arith.constant 0 : i32
      %dma_wait3A_24 = arith.constant 0 : i32
      %dma_wait3A_25 = tpu.memref_slice %arg4[%add3A, %dma_wait3A_23, %dma_wait3A_24] : memref<32x10x512xi32, #tpu.memory_space<hbm>> -> memref<1x10x512xi32, #tpu.memory_space<hbm>>
      %dma_wait3A_26 = tpu.memref_squeeze %dma_wait3A_25 : memref<1x10x512xi32, #tpu.memory_space<hbm>> -> memref<10x512xi32, #tpu.memory_space<hbm>>
      tpu.wait_dma2 semaphore(%run_scoped3A : memref<!tpu.dma_semaphore, #tpu.memory_space<semaphore_mem>>) src(%dma_wait3A_26 : memref<10x512xi32, #tpu.memory_space<hbm>>) dst(%arg8 : memref<10x512xi32, #tpu.memory_space<vmem>>)
      tpu.yield
    }) : () -> ()
    %barrier3A = arith.constant 0 : index
    tpu.barrier barrier_id(%barrier3A)
    %scan3A = arith.constant 0 : i32
    %scan3A_3 = arith.constant 0 : i32
    %scan3A_4 = arith.constant 10 : i32
    %scan3A_5 = arith.addi %scan3A_3, %scan3A_4 : i32
    %scan3A_6 = arith.constant 1 : i32
    scf.for %scan3A_13 = %scan3A_3 to %scan3A_5 step %scan3A_6  : i32 {
      %dma_start3A = arith.constant 0 : i32
      %dma_start3A_14 = tpu.memref_slice %arg7[%scan3A_13, %dma_start3A] : memref<10x512xi32, #tpu.memory_space<vmem>> -> memref<1x512xi32, #tpu.memory_space<vmem>>
      %dma_start3A_15 = tpu.memref_squeeze %dma_start3A_14 : memref<1x512xi32, #tpu.memory_space<vmem>> -> memref<512xi32, #tpu.memory_space<vmem>>
      %dma_start3A_16 = arith.constant 0 : i32
      %dma_start3A_17 = arith.constant 0 : i32
      %dma_start3A_18 = tpu.memref_slice %arg2[%dma_start3A_16, %dma_start3A_17] : memref<10000x48xf32, #tpu.memory_space<hbm>> -> memref<10000x48xf32, #tpu.memory_space<hbm>>
      tpu.enqueue_indirect_dma source(%dma_start3A_18 : memref<10000x48xf32, #tpu.memory_space<hbm>>) target(%arg9 : memref<512x48xf32, #tpu.memory_space<vmem>>) offsets(%dma_start3A_15 : memref<512xi32, #tpu.memory_space<vmem>>) semaphore(%arg11 : memref<!tpu.dma_semaphore, #tpu.memory_space<semaphore_mem>>)
      %dma_wait3A = arith.constant 0 : i32
      %dma_wait3A_19 = tpu.memref_slice %arg7[%scan3A_13, %dma_wait3A] : memref<10x512xi32, #tpu.memory_space<vmem>> -> memref<1x512xi32, #tpu.memory_space<vmem>>
      %dma_wait3A_20 = tpu.memref_squeeze %dma_wait3A_19 : memref<1x512xi32, #tpu.memory_space<vmem>> -> memref<512xi32, #tpu.memory_space<vmem>>
      %dma_wait3A_21 = arith.constant 0 : i32
      %dma_wait3A_22 = arith.constant 0 : i32
      %dma_wait3A_23 = tpu.memref_slice %arg2[%dma_wait3A_21, %dma_wait3A_22] : memref<10000x48xf32, #tpu.memory_space<hbm>> -> memref<10000x48xf32, #tpu.memory_space<hbm>>
      tpu.wait_indirect_dma semaphore(%arg11 : memref<!tpu.dma_semaphore, #tpu.memory_space<semaphore_mem>>) src(%dma_wait3A_23 : memref<10000x48xf32, #tpu.memory_space<hbm>>) dst(%arg9 : memref<512x48xf32, #tpu.memory_space<vmem>>)
      "tpu.region"() ({
        %run_scoped3A = tpu.sem_alloc : memref<!tpu.dma_semaphore, #tpu.memory_space<semaphore_mem>>
        %dma_start3A_24 = arith.constant 0 : i32
        %dma_start3A_25 = tpu.memref_slice %arg8[%scan3A_13, %dma_start3A_24] : memref<10x512xi32, #tpu.memory_space<vmem>> -> memref<1x512xi32, #tpu.memory_space<vmem>>
        %dma_start3A_26 = tpu.memref_squeeze %dma_start3A_25 : memref<1x512xi32, #tpu.memory_space<vmem>> -> memref<512xi32, #tpu.memory_space<vmem>>
        %dma_start3A_27 = arith.constant 0 : i32
        %dma_start3A_28 = arith.constant 0 : i32
        %dma_start3A_29 = tpu.memref_slice %arg10[%dma_start3A_27, %dma_start3A_28] : memref<10240x48xf32, #tpu.memory_space<vmem_shared>> -> memref<10240x48xf32, #tpu.memory_space<vmem_shared>>
        tpu.enqueue_indirect_dma source(%arg9 : memref<512x48xf32, #tpu.memory_space<vmem>>) target(%dma_start3A_29 : memref<10240x48xf32, #tpu.memory_space<vmem_shared>>) offsets(%dma_start3A_26 : memref<512xi32, #tpu.memory_space<vmem>>) semaphore(%run_scoped3A : memref<!tpu.dma_semaphore, #tpu.memory_space<semaphore_mem>>) {add = true}
        %dma_wait3A_30 = arith.constant 0 : i32
        %dma_wait3A_31 = tpu.memref_slice %arg8[%scan3A_13, %dma_wait3A_30] : memref<10x512xi32, #tpu.memory_space<vmem>> -> memref<1x512xi32, #tpu.memory_space<vmem>>
        %dma_wait3A_32 = tpu.memref_squeeze %dma_wait3A_31 : memref<1x512xi32, #tpu.memory_space<vmem>> -> memref<512xi32, #tpu.memory_space<vmem>>
        %dma_wait3A_33 = arith.constant 0 : i32
        %dma_wait3A_34 = arith.constant 0 : i32
        %dma_wait3A_35 = tpu.memref_slice %arg10[%dma_wait3A_33, %dma_wait3A_34] : memref<10240x48xf32, #tpu.memory_space<vmem_shared>> -> memref<10240x48xf32, #tpu.memory_space<vmem_shared>>
        tpu.wait_indirect_dma semaphore(%run_scoped3A : memref<!tpu.dma_semaphore, #tpu.memory_space<semaphore_mem>>) src(%arg9 : memref<512x48xf32, #tpu.memory_space<vmem>>) dst(%dma_wait3A_35 : memref<10240x48xf32, #tpu.memory_space<vmem_shared>>)
        tpu.yield
      }) : () -> ()
    }
    %scan3A_7 = arith.constant 10 : i32
    %barrier3A_8 = arith.constant 0 : index
    tpu.barrier barrier_id(%barrier3A_8)
    %mul3A_9 = arith.constant 640 : i32
    %mul3A_10 = arith.muli %arg1, %mul3A_9 : i32
    %mul3A_11 = arith.constant 640 : i32
    %mul3A_12 = arith.muli %arg1, %mul3A_11 : i32
    "tpu.region"() ({
      %run_scoped3A = tpu.sem_alloc : memref<!tpu.dma_semaphore, #tpu.memory_space<semaphore_mem>>
      %dma_start3A = arith.constant 0 : i32
      %dma_start3A_13 = tpu.memref_slice %arg6[%arg0, %mul3A_12, %dma_start3A] : memref<2x10240x48xf32, #tpu.memory_space<hbm>> -> memref<1x640x48xf32, #tpu.memory_space<hbm>>
      %dma_start3A_14 = tpu.memref_squeeze %dma_start3A_13 : memref<1x640x48xf32, #tpu.memory_space<hbm>> -> memref<640x48xf32, #tpu.memory_space<hbm>>
      %dma_start3A_15 = arith.constant 0 : i32
      %dma_start3A_16 = tpu.memref_slice %arg10[%mul3A_10, %dma_start3A_15] : memref<10240x48xf32, #tpu.memory_space<vmem_shared>> -> memref<640x48xf32, #tpu.memory_space<vmem_shared>>
      tpu.enqueue_dma source(%dma_start3A_16 : memref<640x48xf32, #tpu.memory_space<vmem_shared>>) target(%dma_start3A_14 : memref<640x48xf32, #tpu.memory_space<hbm>>) target_semaphore(%run_scoped3A : memref<!tpu.dma_semaphore, #tpu.memory_space<semaphore_mem>>)
      %dma_wait3A = arith.constant 0 : i32
      %dma_wait3A_17 = tpu.memref_slice %arg6[%arg0, %mul3A_12, %dma_wait3A] : memref<2x10240x48xf32, #tpu.memory_space<hbm>> -> memref<1x640x48xf32, #tpu.memory_space<hbm>>
      %dma_wait3A_18 = tpu.memref_squeeze %dma_wait3A_17 : memref<1x640x48xf32, #tpu.memory_space<hbm>> -> memref<640x48xf32, #tpu.memory_space<hbm>>
      %dma_wait3A_19 = arith.constant 0 : i32
      %dma_wait3A_20 = tpu.memref_slice %arg10[%mul3A_10, %dma_wait3A_19] : memref<10240x48xf32, #tpu.memory_space<vmem_shared>> -> memref<640x48xf32, #tpu.memory_space<vmem_shared>>
      tpu.wait_dma2 semaphore(%run_scoped3A : memref<!tpu.dma_semaphore, #tpu.memory_space<semaphore_mem>>) src(%dma_wait3A_20 : memref<640x48xf32, #tpu.memory_space<vmem_shared>>) dst(%dma_wait3A_18 : memref<640x48xf32, #tpu.memory_space<hbm>>)
      tpu.yield
    }) : () -> ()
    return
  }
}

#map = affine_map<(d0, d1) -> (0, 0, 0)>
#map1 = affine_map<(d0, d1) -> (0, 0)>
module attributes {stable_mosaic.version = 14 : i64} {
  func.func @_deg_sc(%arg0: i32, %arg1: i32, %arg2: memref<32x10x512xi32, #tpu.memory_space<hbm>>, %arg3: memref<512x16xf32, #tpu.memory_space<hbm>>, %arg4: memref<640x16xf32, #tpu.memory_space<hbm>>, %arg5: memref<2x10240x16xf32, #tpu.memory_space<hbm>>, %arg6: memref<10x512xi32, #tpu.memory_space<vmem>>, %arg7: memref<512x16xf32, #tpu.memory_space<vmem>>, %arg8: memref<10240x16xf32, #tpu.memory_space<vmem_shared>>) attributes {dimension_semantics = [#tpu.dimension_semantics<core_parallel>, #tpu.dimension_semantics<subcore_parallel>], iteration_bounds = array<i64: 2, 16>, scalar_prefetch = 0 : i64, scratch_operands = 3 : i64, tpu.core_type = #tpu.core_type<sc_vector_subcore>, window_params = [{transform_indices = #map}, {transform_indices = #map1}, {transform_indices = #map1}, {transform_indices = #map}]} {
    %mul3A = arith.constant 16 : i32
    %mul3A_0 = arith.muli %arg0, %mul3A : i32
    %add3A = arith.addi %mul3A_0, %arg1 : i32
    %mul3A_1 = arith.constant 640 : i32
    %mul3A_2 = arith.muli %arg1, %mul3A_1 : i32
    "tpu.region"() ({
      %run_scoped3A = tpu.sem_alloc : memref<!tpu.dma_semaphore, #tpu.memory_space<semaphore_mem>>
      %dma_start3A = arith.constant 0 : i32
      %dma_start3A_13 = tpu.memref_slice %arg8[%mul3A_2, %dma_start3A] : memref<10240x16xf32, #tpu.memory_space<vmem_shared>> -> memref<640x16xf32, #tpu.memory_space<vmem_shared>>
      tpu.enqueue_dma source(%arg4 : memref<640x16xf32, #tpu.memory_space<hbm>>) target(%dma_start3A_13 : memref<640x16xf32, #tpu.memory_space<vmem_shared>>) target_semaphore(%run_scoped3A : memref<!tpu.dma_semaphore, #tpu.memory_space<semaphore_mem>>)
      %dma_wait3A = arith.constant 0 : i32
      %dma_wait3A_14 = tpu.memref_slice %arg8[%mul3A_2, %dma_wait3A] : memref<10240x16xf32, #tpu.memory_space<vmem_shared>> -> memref<640x16xf32, #tpu.memory_space<vmem_shared>>
      tpu.wait_dma2 semaphore(%run_scoped3A : memref<!tpu.dma_semaphore, #tpu.memory_space<semaphore_mem>>) src(%arg4 : memref<640x16xf32, #tpu.memory_space<hbm>>) dst(%dma_wait3A_14 : memref<640x16xf32, #tpu.memory_space<vmem_shared>>)
      tpu.yield
    }) : () -> ()
    "tpu.region"() ({
      %run_scoped3A = tpu.sem_alloc : memref<!tpu.dma_semaphore, #tpu.memory_space<semaphore_mem>>
      tpu.enqueue_dma source(%arg3 : memref<512x16xf32, #tpu.memory_space<hbm>>) target(%arg7 : memref<512x16xf32, #tpu.memory_space<vmem>>) target_semaphore(%run_scoped3A : memref<!tpu.dma_semaphore, #tpu.memory_space<semaphore_mem>>)
      tpu.wait_dma2 semaphore(%run_scoped3A : memref<!tpu.dma_semaphore, #tpu.memory_space<semaphore_mem>>) src(%arg3 : memref<512x16xf32, #tpu.memory_space<hbm>>) dst(%arg7 : memref<512x16xf32, #tpu.memory_space<vmem>>)
      tpu.yield
    }) : () -> ()
    "tpu.region"() ({
      %run_scoped3A = tpu.sem_alloc : memref<!tpu.dma_semaphore, #tpu.memory_space<semaphore_mem>>
      %dma_start3A = arith.constant 0 : i32
      %dma_start3A_13 = arith.constant 0 : i32
      %dma_start3A_14 = tpu.memref_slice %arg2[%add3A, %dma_start3A, %dma_start3A_13] : memref<32x10x512xi32, #tpu.memory_space<hbm>> -> memref<1x10x512xi32, #tpu.memory_space<hbm>>
      %dma_start3A_15 = tpu.memref_squeeze %dma_start3A_14 : memref<1x10x512xi32, #tpu.memory_space<hbm>> -> memref<10x512xi32, #tpu.memory_space<hbm>>
      %dma_start3A_16 = arith.constant 0 : i32
      %dma_start3A_17 = arith.constant 0 : i32
      %dma_start3A_18 = tpu.memref_slice %arg2[%add3A, %dma_start3A_16, %dma_start3A_17] : memref<32x10x512xi32, #tpu.memory_space<hbm>> -> memref<1x10x512xi32, #tpu.memory_space<hbm>>
      %dma_start3A_19 = tpu.memref_squeeze %dma_start3A_18 : memref<1x10x512xi32, #tpu.memory_space<hbm>> -> memref<10x512xi32, #tpu.memory_space<hbm>>
      tpu.enqueue_dma source(%dma_start3A_19 : memref<10x512xi32, #tpu.memory_space<hbm>>) target(%arg6 : memref<10x512xi32, #tpu.memory_space<vmem>>) target_semaphore(%run_scoped3A : memref<!tpu.dma_semaphore, #tpu.memory_space<semaphore_mem>>)
      %dma_wait3A = arith.constant 0 : i32
      %dma_wait3A_20 = arith.constant 0 : i32
      %dma_wait3A_21 = tpu.memref_slice %arg2[%add3A, %dma_wait3A, %dma_wait3A_20] : memref<32x10x512xi32, #tpu.memory_space<hbm>> -> memref<1x10x512xi32, #tpu.memory_space<hbm>>
      %dma_wait3A_22 = tpu.memref_squeeze %dma_wait3A_21 : memref<1x10x512xi32, #tpu.memory_space<hbm>> -> memref<10x512xi32, #tpu.memory_space<hbm>>
      %dma_wait3A_23 = arith.constant 0 : i32
      %dma_wait3A_24 = arith.constant 0 : i32
      %dma_wait3A_25 = tpu.memref_slice %arg2[%add3A, %dma_wait3A_23, %dma_wait3A_24] : memref<32x10x512xi32, #tpu.memory_space<hbm>> -> memref<1x10x512xi32, #tpu.memory_space<hbm>>
      %dma_wait3A_26 = tpu.memref_squeeze %dma_wait3A_25 : memref<1x10x512xi32, #tpu.memory_space<hbm>> -> memref<10x512xi32, #tpu.memory_space<hbm>>
      tpu.wait_dma2 semaphore(%run_scoped3A : memref<!tpu.dma_semaphore, #tpu.memory_space<semaphore_mem>>) src(%dma_wait3A_26 : memref<10x512xi32, #tpu.memory_space<hbm>>) dst(%arg6 : memref<10x512xi32, #tpu.memory_space<vmem>>)
      tpu.yield
    }) : () -> ()
    %barrier3A = arith.constant 0 : index
    tpu.barrier barrier_id(%barrier3A)
    %scan3A = arith.constant 0 : i32
    %scan3A_3 = arith.constant 0 : i32
    %scan3A_4 = arith.constant 10 : i32
    %scan3A_5 = arith.addi %scan3A_3, %scan3A_4 : i32
    %scan3A_6 = arith.constant 1 : i32
    scf.for %scan3A_13 = %scan3A_3 to %scan3A_5 step %scan3A_6  : i32 {
      "tpu.region"() ({
        %run_scoped3A = tpu.sem_alloc : memref<!tpu.dma_semaphore, #tpu.memory_space<semaphore_mem>>
        %dma_start3A = arith.constant 0 : i32
        %dma_start3A_14 = tpu.memref_slice %arg6[%scan3A_13, %dma_start3A] : memref<10x512xi32, #tpu.memory_space<vmem>> -> memref<1x512xi32, #tpu.memory_space<vmem>>
        %dma_start3A_15 = tpu.memref_squeeze %dma_start3A_14 : memref<1x512xi32, #tpu.memory_space<vmem>> -> memref<512xi32, #tpu.memory_space<vmem>>
        %dma_start3A_16 = arith.constant 0 : i32
        %dma_start3A_17 = arith.constant 0 : i32
        %dma_start3A_18 = tpu.memref_slice %arg8[%dma_start3A_16, %dma_start3A_17] : memref<10240x16xf32, #tpu.memory_space<vmem_shared>> -> memref<10240x16xf32, #tpu.memory_space<vmem_shared>>
        tpu.enqueue_indirect_dma source(%arg7 : memref<512x16xf32, #tpu.memory_space<vmem>>) target(%dma_start3A_18 : memref<10240x16xf32, #tpu.memory_space<vmem_shared>>) offsets(%dma_start3A_15 : memref<512xi32, #tpu.memory_space<vmem>>) semaphore(%run_scoped3A : memref<!tpu.dma_semaphore, #tpu.memory_space<semaphore_mem>>) {add = true}
        %dma_wait3A = arith.constant 0 : i32
        %dma_wait3A_19 = tpu.memref_slice %arg6[%scan3A_13, %dma_wait3A] : memref<10x512xi32, #tpu.memory_space<vmem>> -> memref<1x512xi32, #tpu.memory_space<vmem>>
        %dma_wait3A_20 = tpu.memref_squeeze %dma_wait3A_19 : memref<1x512xi32, #tpu.memory_space<vmem>> -> memref<512xi32, #tpu.memory_space<vmem>>
        %dma_wait3A_21 = arith.constant 0 : i32
        %dma_wait3A_22 = arith.constant 0 : i32
        %dma_wait3A_23 = tpu.memref_slice %arg8[%dma_wait3A_21, %dma_wait3A_22] : memref<10240x16xf32, #tpu.memory_space<vmem_shared>> -> memref<10240x16xf32, #tpu.memory_space<vmem_shared>>
        tpu.wait_indirect_dma semaphore(%run_scoped3A : memref<!tpu.dma_semaphore, #tpu.memory_space<semaphore_mem>>) src(%arg7 : memref<512x16xf32, #tpu.memory_space<vmem>>) dst(%dma_wait3A_23 : memref<10240x16xf32, #tpu.memory_space<vmem_shared>>)
        tpu.yield
      }) : () -> ()
    }
    %scan3A_7 = arith.constant 10 : i32
    %barrier3A_8 = arith.constant 0 : index
    tpu.barrier barrier_id(%barrier3A_8)
    %mul3A_9 = arith.constant 640 : i32
    %mul3A_10 = arith.muli %arg1, %mul3A_9 : i32
    %mul3A_11 = arith.constant 640 : i32
    %mul3A_12 = arith.muli %arg1, %mul3A_11 : i32
    "tpu.region"() ({
      %run_scoped3A = tpu.sem_alloc : memref<!tpu.dma_semaphore, #tpu.memory_space<semaphore_mem>>
      %dma_start3A = arith.constant 0 : i32
      %dma_start3A_13 = tpu.memref_slice %arg5[%arg0, %mul3A_12, %dma_start3A] : memref<2x10240x16xf32, #tpu.memory_space<hbm>> -> memref<1x640x16xf32, #tpu.memory_space<hbm>>
      %dma_start3A_14 = tpu.memref_squeeze %dma_start3A_13 : memref<1x640x16xf32, #tpu.memory_space<hbm>> -> memref<640x16xf32, #tpu.memory_space<hbm>>
      %dma_start3A_15 = arith.constant 0 : i32
      %dma_start3A_16 = tpu.memref_slice %arg8[%mul3A_10, %dma_start3A_15] : memref<10240x16xf32, #tpu.memory_space<vmem_shared>> -> memref<640x16xf32, #tpu.memory_space<vmem_shared>>
      tpu.enqueue_dma source(%dma_start3A_16 : memref<640x16xf32, #tpu.memory_space<vmem_shared>>) target(%dma_start3A_14 : memref<640x16xf32, #tpu.memory_space<hbm>>) target_semaphore(%run_scoped3A : memref<!tpu.dma_semaphore, #tpu.memory_space<semaphore_mem>>)
      %dma_wait3A = arith.constant 0 : i32
      %dma_wait3A_17 = tpu.memref_slice %arg5[%arg0, %mul3A_12, %dma_wait3A] : memref<2x10240x16xf32, #tpu.memory_space<hbm>> -> memref<1x640x16xf32, #tpu.memory_space<hbm>>
      %dma_wait3A_18 = tpu.memref_squeeze %dma_wait3A_17 : memref<1x640x16xf32, #tpu.memory_space<hbm>> -> memref<640x16xf32, #tpu.memory_space<hbm>>
      %dma_wait3A_19 = arith.constant 0 : i32
      %dma_wait3A_20 = tpu.memref_slice %arg8[%mul3A_10, %dma_wait3A_19] : memref<10240x16xf32, #tpu.memory_space<vmem_shared>> -> memref<640x16xf32, #tpu.memory_space<vmem_shared>>
      tpu.wait_dma2 semaphore(%run_scoped3A : memref<!tpu.dma_semaphore, #tpu.memory_space<semaphore_mem>>) src(%dma_wait3A_20 : memref<640x16xf32, #tpu.memory_space<vmem_shared>>) dst(%dma_wait3A_18 : memref<640x16xf32, #tpu.memory_space<hbm>>)
      tpu.yield
    }) : () -> ()
    return
  }
}

#map = affine_map<(d0, d1) -> (0, 0)>
#map1 = affine_map<(d0, d1) -> (0, 0, 0)>
module attributes {stable_mosaic.version = 14 : i64} {
  func.func @_sa_sc(%arg0: i32, %arg1: i32, %arg2: memref<10000x48xf32, #tpu.memory_space<hbm>>, %arg3: memref<32x10x512xi32, #tpu.memory_space<hbm>>, %arg4: memref<32x10x512xi32, #tpu.memory_space<hbm>>, %arg5: memref<640x48xf32, #tpu.memory_space<hbm>>, %arg6: memref<2x10240x48xf32, #tpu.memory_space<hbm>>, %arg7: memref<10x512xi32, #tpu.memory_space<vmem>>, %arg8: memref<10x512xi32, #tpu.memory_space<vmem>>, %arg9: memref<512x48xf32, #tpu.memory_space<vmem>>, %arg10: memref<10240x48xf32, #tpu.memory_space<vmem_shared>>, %arg11: memref<!tpu.dma_semaphore, #tpu.memory_space<semaphore_mem>>) attributes {dimension_semantics = [#tpu.dimension_semantics<core_parallel>, #tpu.dimension_semantics<subcore_parallel>], iteration_bounds = array<i64: 2, 16>, scalar_prefetch = 0 : i64, scratch_operands = 5 : i64, tpu.core_type = #tpu.core_type<sc_vector_subcore>, window_params = [{transform_indices = #map}, {transform_indices = #map1}, {transform_indices = #map1}, {transform_indices = #map}, {transform_indices = #map1}]} {
    %mul3A = arith.constant 16 : i32
    %mul3A_0 = arith.muli %arg0, %mul3A : i32
    %add3A = arith.addi %mul3A_0, %arg1 : i32
    %mul3A_1 = arith.constant 640 : i32
    %mul3A_2 = arith.muli %arg1, %mul3A_1 : i32
    "tpu.region"() ({
      %run_scoped3A = tpu.sem_alloc : memref<!tpu.dma_semaphore, #tpu.memory_space<semaphore_mem>>
      %dma_start3A = arith.constant 0 : i32
      %dma_start3A_13 = tpu.memref_slice %arg10[%mul3A_2, %dma_start3A] : memref<10240x48xf32, #tpu.memory_space<vmem_shared>> -> memref<640x48xf32, #tpu.memory_space<vmem_shared>>
      tpu.enqueue_dma source(%arg5 : memref<640x48xf32, #tpu.memory_space<hbm>>) target(%dma_start3A_13 : memref<640x48xf32, #tpu.memory_space<vmem_shared>>) target_semaphore(%run_scoped3A : memref<!tpu.dma_semaphore, #tpu.memory_space<semaphore_mem>>)
      %dma_wait3A = arith.constant 0 : i32
      %dma_wait3A_14 = tpu.memref_slice %arg10[%mul3A_2, %dma_wait3A] : memref<10240x48xf32, #tpu.memory_space<vmem_shared>> -> memref<640x48xf32, #tpu.memory_space<vmem_shared>>
      tpu.wait_dma2 semaphore(%run_scoped3A : memref<!tpu.dma_semaphore, #tpu.memory_space<semaphore_mem>>) src(%arg5 : memref<640x48xf32, #tpu.memory_space<hbm>>) dst(%dma_wait3A_14 : memref<640x48xf32, #tpu.memory_space<vmem_shared>>)
      tpu.yield
    }) : () -> ()
    "tpu.region"() ({
      %run_scoped3A = tpu.sem_alloc : memref<!tpu.dma_semaphore, #tpu.memory_space<semaphore_mem>>
      %dma_start3A = arith.constant 0 : i32
      %dma_start3A_13 = arith.constant 0 : i32
      %dma_start3A_14 = tpu.memref_slice %arg3[%add3A, %dma_start3A, %dma_start3A_13] : memref<32x10x512xi32, #tpu.memory_space<hbm>> -> memref<1x10x512xi32, #tpu.memory_space<hbm>>
      %dma_start3A_15 = tpu.memref_squeeze %dma_start3A_14 : memref<1x10x512xi32, #tpu.memory_space<hbm>> -> memref<10x512xi32, #tpu.memory_space<hbm>>
      %dma_start3A_16 = arith.constant 0 : i32
      %dma_start3A_17 = arith.constant 0 : i32
      %dma_start3A_18 = tpu.memref_slice %arg3[%add3A, %dma_start3A_16, %dma_start3A_17] : memref<32x10x512xi32, #tpu.memory_space<hbm>> -> memref<1x10x512xi32, #tpu.memory_space<hbm>>
      %dma_start3A_19 = tpu.memref_squeeze %dma_start3A_18 : memref<1x10x512xi32, #tpu.memory_space<hbm>> -> memref<10x512xi32, #tpu.memory_space<hbm>>
      tpu.enqueue_dma source(%dma_start3A_19 : memref<10x512xi32, #tpu.memory_space<hbm>>) target(%arg7 : memref<10x512xi32, #tpu.memory_space<vmem>>) target_semaphore(%run_scoped3A : memref<!tpu.dma_semaphore, #tpu.memory_space<semaphore_mem>>)
      %dma_wait3A = arith.constant 0 : i32
      %dma_wait3A_20 = arith.constant 0 : i32
      %dma_wait3A_21 = tpu.memref_slice %arg3[%add3A, %dma_wait3A, %dma_wait3A_20] : memref<32x10x512xi32, #tpu.memory_space<hbm>> -> memref<1x10x512xi32, #tpu.memory_space<hbm>>
      %dma_wait3A_22 = tpu.memref_squeeze %dma_wait3A_21 : memref<1x10x512xi32, #tpu.memory_space<hbm>> -> memref<10x512xi32, #tpu.memory_space<hbm>>
      %dma_wait3A_23 = arith.constant 0 : i32
      %dma_wait3A_24 = arith.constant 0 : i32
      %dma_wait3A_25 = tpu.memref_slice %arg3[%add3A, %dma_wait3A_23, %dma_wait3A_24] : memref<32x10x512xi32, #tpu.memory_space<hbm>> -> memref<1x10x512xi32, #tpu.memory_space<hbm>>
      %dma_wait3A_26 = tpu.memref_squeeze %dma_wait3A_25 : memref<1x10x512xi32, #tpu.memory_space<hbm>> -> memref<10x512xi32, #tpu.memory_space<hbm>>
      tpu.wait_dma2 semaphore(%run_scoped3A : memref<!tpu.dma_semaphore, #tpu.memory_space<semaphore_mem>>) src(%dma_wait3A_26 : memref<10x512xi32, #tpu.memory_space<hbm>>) dst(%arg7 : memref<10x512xi32, #tpu.memory_space<vmem>>)
      tpu.yield
    }) : () -> ()
    "tpu.region"() ({
      %run_scoped3A = tpu.sem_alloc : memref<!tpu.dma_semaphore, #tpu.memory_space<semaphore_mem>>
      %dma_start3A = arith.constant 0 : i32
      %dma_start3A_13 = arith.constant 0 : i32
      %dma_start3A_14 = tpu.memref_slice %arg4[%add3A, %dma_start3A, %dma_start3A_13] : memref<32x10x512xi32, #tpu.memory_space<hbm>> -> memref<1x10x512xi32, #tpu.memory_space<hbm>>
      %dma_start3A_15 = tpu.memref_squeeze %dma_start3A_14 : memref<1x10x512xi32, #tpu.memory_space<hbm>> -> memref<10x512xi32, #tpu.memory_space<hbm>>
      %dma_start3A_16 = arith.constant 0 : i32
      %dma_start3A_17 = arith.constant 0 : i32
      %dma_start3A_18 = tpu.memref_slice %arg4[%add3A, %dma_start3A_16, %dma_start3A_17] : memref<32x10x512xi32, #tpu.memory_space<hbm>> -> memref<1x10x512xi32, #tpu.memory_space<hbm>>
      %dma_start3A_19 = tpu.memref_squeeze %dma_start3A_18 : memref<1x10x512xi32, #tpu.memory_space<hbm>> -> memref<10x512xi32, #tpu.memory_space<hbm>>
      tpu.enqueue_dma source(%dma_start3A_19 : memref<10x512xi32, #tpu.memory_space<hbm>>) target(%arg8 : memref<10x512xi32, #tpu.memory_space<vmem>>) target_semaphore(%run_scoped3A : memref<!tpu.dma_semaphore, #tpu.memory_space<semaphore_mem>>)
      %dma_wait3A = arith.constant 0 : i32
      %dma_wait3A_20 = arith.constant 0 : i32
      %dma_wait3A_21 = tpu.memref_slice %arg4[%add3A, %dma_wait3A, %dma_wait3A_20] : memref<32x10x512xi32, #tpu.memory_space<hbm>> -> memref<1x10x512xi32, #tpu.memory_space<hbm>>
      %dma_wait3A_22 = tpu.memref_squeeze %dma_wait3A_21 : memref<1x10x512xi32, #tpu.memory_space<hbm>> -> memref<10x512xi32, #tpu.memory_space<hbm>>
      %dma_wait3A_23 = arith.constant 0 : i32
      %dma_wait3A_24 = arith.constant 0 : i32
      %dma_wait3A_25 = tpu.memref_slice %arg4[%add3A, %dma_wait3A_23, %dma_wait3A_24] : memref<32x10x512xi32, #tpu.memory_space<hbm>> -> memref<1x10x512xi32, #tpu.memory_space<hbm>>
      %dma_wait3A_26 = tpu.memref_squeeze %dma_wait3A_25 : memref<1x10x512xi32, #tpu.memory_space<hbm>> -> memref<10x512xi32, #tpu.memory_space<hbm>>
      tpu.wait_dma2 semaphore(%run_scoped3A : memref<!tpu.dma_semaphore, #tpu.memory_space<semaphore_mem>>) src(%dma_wait3A_26 : memref<10x512xi32, #tpu.memory_space<hbm>>) dst(%arg8 : memref<10x512xi32, #tpu.memory_space<vmem>>)
      tpu.yield
    }) : () -> ()
    %barrier3A = arith.constant 0 : index
    tpu.barrier barrier_id(%barrier3A)
    %scan3A = arith.constant 0 : i32
    %scan3A_3 = arith.constant 0 : i32
    %scan3A_4 = arith.constant 10 : i32
    %scan3A_5 = arith.addi %scan3A_3, %scan3A_4 : i32
    %scan3A_6 = arith.constant 1 : i32
    scf.for %scan3A_13 = %scan3A_3 to %scan3A_5 step %scan3A_6  : i32 {
      %dma_start3A = arith.constant 0 : i32
      %dma_start3A_14 = tpu.memref_slice %arg7[%scan3A_13, %dma_start3A] : memref<10x512xi32, #tpu.memory_space<vmem>> -> memref<1x512xi32, #tpu.memory_space<vmem>>
      %dma_start3A_15 = tpu.memref_squeeze %dma_start3A_14 : memref<1x512xi32, #tpu.memory_space<vmem>> -> memref<512xi32, #tpu.memory_space<vmem>>
      %dma_start3A_16 = arith.constant 0 : i32
      %dma_start3A_17 = arith.constant 0 : i32
      %dma_start3A_18 = tpu.memref_slice %arg2[%dma_start3A_16, %dma_start3A_17] : memref<10000x48xf32, #tpu.memory_space<hbm>> -> memref<10000x48xf32, #tpu.memory_space<hbm>>
      tpu.enqueue_indirect_dma source(%dma_start3A_18 : memref<10000x48xf32, #tpu.memory_space<hbm>>) target(%arg9 : memref<512x48xf32, #tpu.memory_space<vmem>>) offsets(%dma_start3A_15 : memref<512xi32, #tpu.memory_space<vmem>>) semaphore(%arg11 : memref<!tpu.dma_semaphore, #tpu.memory_space<semaphore_mem>>)
      %dma_wait3A = arith.constant 0 : i32
      %dma_wait3A_19 = tpu.memref_slice %arg7[%scan3A_13, %dma_wait3A] : memref<10x512xi32, #tpu.memory_space<vmem>> -> memref<1x512xi32, #tpu.memory_space<vmem>>
      %dma_wait3A_20 = tpu.memref_squeeze %dma_wait3A_19 : memref<1x512xi32, #tpu.memory_space<vmem>> -> memref<512xi32, #tpu.memory_space<vmem>>
      %dma_wait3A_21 = arith.constant 0 : i32
      %dma_wait3A_22 = arith.constant 0 : i32
      %dma_wait3A_23 = tpu.memref_slice %arg2[%dma_wait3A_21, %dma_wait3A_22] : memref<10000x48xf32, #tpu.memory_space<hbm>> -> memref<10000x48xf32, #tpu.memory_space<hbm>>
      tpu.wait_indirect_dma semaphore(%arg11 : memref<!tpu.dma_semaphore, #tpu.memory_space<semaphore_mem>>) src(%dma_wait3A_23 : memref<10000x48xf32, #tpu.memory_space<hbm>>) dst(%arg9 : memref<512x48xf32, #tpu.memory_space<vmem>>)
      "tpu.region"() ({
        %run_scoped3A = tpu.sem_alloc : memref<!tpu.dma_semaphore, #tpu.memory_space<semaphore_mem>>
        %dma_start3A_24 = arith.constant 0 : i32
        %dma_start3A_25 = tpu.memref_slice %arg8[%scan3A_13, %dma_start3A_24] : memref<10x512xi32, #tpu.memory_space<vmem>> -> memref<1x512xi32, #tpu.memory_space<vmem>>
        %dma_start3A_26 = tpu.memref_squeeze %dma_start3A_25 : memref<1x512xi32, #tpu.memory_space<vmem>> -> memref<512xi32, #tpu.memory_space<vmem>>
        %dma_start3A_27 = arith.constant 0 : i32
        %dma_start3A_28 = arith.constant 0 : i32
        %dma_start3A_29 = tpu.memref_slice %arg10[%dma_start3A_27, %dma_start3A_28] : memref<10240x48xf32, #tpu.memory_space<vmem_shared>> -> memref<10240x48xf32, #tpu.memory_space<vmem_shared>>
        tpu.enqueue_indirect_dma source(%arg9 : memref<512x48xf32, #tpu.memory_space<vmem>>) target(%dma_start3A_29 : memref<10240x48xf32, #tpu.memory_space<vmem_shared>>) offsets(%dma_start3A_26 : memref<512xi32, #tpu.memory_space<vmem>>) semaphore(%run_scoped3A : memref<!tpu.dma_semaphore, #tpu.memory_space<semaphore_mem>>) {add = true}
        %dma_wait3A_30 = arith.constant 0 : i32
        %dma_wait3A_31 = tpu.memref_slice %arg8[%scan3A_13, %dma_wait3A_30] : memref<10x512xi32, #tpu.memory_space<vmem>> -> memref<1x512xi32, #tpu.memory_space<vmem>>
        %dma_wait3A_32 = tpu.memref_squeeze %dma_wait3A_31 : memref<1x512xi32, #tpu.memory_space<vmem>> -> memref<512xi32, #tpu.memory_space<vmem>>
        %dma_wait3A_33 = arith.constant 0 : i32
        %dma_wait3A_34 = arith.constant 0 : i32
        %dma_wait3A_35 = tpu.memref_slice %arg10[%dma_wait3A_33, %dma_wait3A_34] : memref<10240x48xf32, #tpu.memory_space<vmem_shared>> -> memref<10240x48xf32, #tpu.memory_space<vmem_shared>>
        tpu.wait_indirect_dma semaphore(%run_scoped3A : memref<!tpu.dma_semaphore, #tpu.memory_space<semaphore_mem>>) src(%arg9 : memref<512x48xf32, #tpu.memory_space<vmem>>) dst(%dma_wait3A_35 : memref<10240x48xf32, #tpu.memory_space<vmem_shared>>)
        tpu.yield
      }) : () -> ()
    }
    %scan3A_7 = arith.constant 10 : i32
    %barrier3A_8 = arith.constant 0 : index
    tpu.barrier barrier_id(%barrier3A_8)
    %mul3A_9 = arith.constant 640 : i32
    %mul3A_10 = arith.muli %arg1, %mul3A_9 : i32
    %mul3A_11 = arith.constant 640 : i32
    %mul3A_12 = arith.muli %arg1, %mul3A_11 : i32
    "tpu.region"() ({
      %run_scoped3A = tpu.sem_alloc : memref<!tpu.dma_semaphore, #tpu.memory_space<semaphore_mem>>
      %dma_start3A = arith.constant 0 : i32
      %dma_start3A_13 = tpu.memref_slice %arg6[%arg0, %mul3A_12, %dma_start3A] : memref<2x10240x48xf32, #tpu.memory_space<hbm>> -> memref<1x640x48xf32, #tpu.memory_space<hbm>>
      %dma_start3A_14 = tpu.memref_squeeze %dma_start3A_13 : memref<1x640x48xf32, #tpu.memory_space<hbm>> -> memref<640x48xf32, #tpu.memory_space<hbm>>
      %dma_start3A_15 = arith.constant 0 : i32
      %dma_start3A_16 = tpu.memref_slice %arg10[%mul3A_10, %dma_start3A_15] : memref<10240x48xf32, #tpu.memory_space<vmem_shared>> -> memref<640x48xf32, #tpu.memory_space<vmem_shared>>
      tpu.enqueue_dma source(%dma_start3A_16 : memref<640x48xf32, #tpu.memory_space<vmem_shared>>) target(%dma_start3A_14 : memref<640x48xf32, #tpu.memory_space<hbm>>) target_semaphore(%run_scoped3A : memref<!tpu.dma_semaphore, #tpu.memory_space<semaphore_mem>>)
      %dma_wait3A = arith.constant 0 : i32
      %dma_wait3A_17 = tpu.memref_slice %arg6[%arg0, %mul3A_12, %dma_wait3A] : memref<2x10240x48xf32, #tpu.memory_space<hbm>> -> memref<1x640x48xf32, #tpu.memory_space<hbm>>
      %dma_wait3A_18 = tpu.memref_squeeze %dma_wait3A_17 : memref<1x640x48xf32, #tpu.memory_space<hbm>> -> memref<640x48xf32, #tpu.memory_space<hbm>>
      %dma_wait3A_19 = arith.constant 0 : i32
      %dma_wait3A_20 = tpu.memref_slice %arg10[%mul3A_10, %dma_wait3A_19] : memref<10240x48xf32, #tpu.memory_space<vmem_shared>> -> memref<640x48xf32, #tpu.memory_space<vmem_shared>>
      tpu.wait_dma2 semaphore(%run_scoped3A : memref<!tpu.dma_semaphore, #tpu.memory_space<semaphore_mem>>) src(%dma_wait3A_20 : memref<640x48xf32, #tpu.memory_space<vmem_shared>>) dst(%dma_wait3A_18 : memref<640x48xf32, #tpu.memory_space<hbm>>)
      tpu.yield
    }) : () -> ()
    return
  }
}

#map = affine_map<(d0, d1) -> (0, 0)>
#map1 = affine_map<(d0, d1) -> (0, 0, 0)>
module attributes {stable_mosaic.version = 14 : i64} {
  func.func @_sa_sc(%arg0: i32, %arg1: i32, %arg2: memref<10000x48xf32, #tpu.memory_space<hbm>>, %arg3: memref<32x10x512xi32, #tpu.memory_space<hbm>>, %arg4: memref<32x10x512xi32, #tpu.memory_space<hbm>>, %arg5: memref<640x48xf32, #tpu.memory_space<hbm>>, %arg6: memref<2x10240x48xf32, #tpu.memory_space<hbm>>, %arg7: memref<10x512xi32, #tpu.memory_space<vmem>>, %arg8: memref<10x512xi32, #tpu.memory_space<vmem>>, %arg9: memref<512x48xf32, #tpu.memory_space<vmem>>, %arg10: memref<10240x48xf32, #tpu.memory_space<vmem_shared>>, %arg11: memref<!tpu.dma_semaphore, #tpu.memory_space<semaphore_mem>>) attributes {dimension_semantics = [#tpu.dimension_semantics<core_parallel>, #tpu.dimension_semantics<subcore_parallel>], iteration_bounds = array<i64: 2, 16>, scalar_prefetch = 0 : i64, scratch_operands = 5 : i64, tpu.core_type = #tpu.core_type<sc_vector_subcore>, window_params = [{transform_indices = #map}, {transform_indices = #map1}, {transform_indices = #map1}, {transform_indices = #map}, {transform_indices = #map1}]} {
    %mul3A = arith.constant 16 : i32
    %mul3A_0 = arith.muli %arg0, %mul3A : i32
    %add3A = arith.addi %mul3A_0, %arg1 : i32
    %mul3A_1 = arith.constant 640 : i32
    %mul3A_2 = arith.muli %arg1, %mul3A_1 : i32
    "tpu.region"() ({
      %run_scoped3A = tpu.sem_alloc : memref<!tpu.dma_semaphore, #tpu.memory_space<semaphore_mem>>
      %dma_start3A = arith.constant 0 : i32
      %dma_start3A_13 = tpu.memref_slice %arg10[%mul3A_2, %dma_start3A] : memref<10240x48xf32, #tpu.memory_space<vmem_shared>> -> memref<640x48xf32, #tpu.memory_space<vmem_shared>>
      tpu.enqueue_dma source(%arg5 : memref<640x48xf32, #tpu.memory_space<hbm>>) target(%dma_start3A_13 : memref<640x48xf32, #tpu.memory_space<vmem_shared>>) target_semaphore(%run_scoped3A : memref<!tpu.dma_semaphore, #tpu.memory_space<semaphore_mem>>)
      %dma_wait3A = arith.constant 0 : i32
      %dma_wait3A_14 = tpu.memref_slice %arg10[%mul3A_2, %dma_wait3A] : memref<10240x48xf32, #tpu.memory_space<vmem_shared>> -> memref<640x48xf32, #tpu.memory_space<vmem_shared>>
      tpu.wait_dma2 semaphore(%run_scoped3A : memref<!tpu.dma_semaphore, #tpu.memory_space<semaphore_mem>>) src(%arg5 : memref<640x48xf32, #tpu.memory_space<hbm>>) dst(%dma_wait3A_14 : memref<640x48xf32, #tpu.memory_space<vmem_shared>>)
      tpu.yield
    }) : () -> ()
    "tpu.region"() ({
      %run_scoped3A = tpu.sem_alloc : memref<!tpu.dma_semaphore, #tpu.memory_space<semaphore_mem>>
      %dma_start3A = arith.constant 0 : i32
      %dma_start3A_13 = arith.constant 0 : i32
      %dma_start3A_14 = tpu.memref_slice %arg3[%add3A, %dma_start3A, %dma_start3A_13] : memref<32x10x512xi32, #tpu.memory_space<hbm>> -> memref<1x10x512xi32, #tpu.memory_space<hbm>>
      %dma_start3A_15 = tpu.memref_squeeze %dma_start3A_14 : memref<1x10x512xi32, #tpu.memory_space<hbm>> -> memref<10x512xi32, #tpu.memory_space<hbm>>
      %dma_start3A_16 = arith.constant 0 : i32
      %dma_start3A_17 = arith.constant 0 : i32
      %dma_start3A_18 = tpu.memref_slice %arg3[%add3A, %dma_start3A_16, %dma_start3A_17] : memref<32x10x512xi32, #tpu.memory_space<hbm>> -> memref<1x10x512xi32, #tpu.memory_space<hbm>>
      %dma_start3A_19 = tpu.memref_squeeze %dma_start3A_18 : memref<1x10x512xi32, #tpu.memory_space<hbm>> -> memref<10x512xi32, #tpu.memory_space<hbm>>
      tpu.enqueue_dma source(%dma_start3A_19 : memref<10x512xi32, #tpu.memory_space<hbm>>) target(%arg7 : memref<10x512xi32, #tpu.memory_space<vmem>>) target_semaphore(%run_scoped3A : memref<!tpu.dma_semaphore, #tpu.memory_space<semaphore_mem>>)
      %dma_wait3A = arith.constant 0 : i32
      %dma_wait3A_20 = arith.constant 0 : i32
      %dma_wait3A_21 = tpu.memref_slice %arg3[%add3A, %dma_wait3A, %dma_wait3A_20] : memref<32x10x512xi32, #tpu.memory_space<hbm>> -> memref<1x10x512xi32, #tpu.memory_space<hbm>>
      %dma_wait3A_22 = tpu.memref_squeeze %dma_wait3A_21 : memref<1x10x512xi32, #tpu.memory_space<hbm>> -> memref<10x512xi32, #tpu.memory_space<hbm>>
      %dma_wait3A_23 = arith.constant 0 : i32
      %dma_wait3A_24 = arith.constant 0 : i32
      %dma_wait3A_25 = tpu.memref_slice %arg3[%add3A, %dma_wait3A_23, %dma_wait3A_24] : memref<32x10x512xi32, #tpu.memory_space<hbm>> -> memref<1x10x512xi32, #tpu.memory_space<hbm>>
      %dma_wait3A_26 = tpu.memref_squeeze %dma_wait3A_25 : memref<1x10x512xi32, #tpu.memory_space<hbm>> -> memref<10x512xi32, #tpu.memory_space<hbm>>
      tpu.wait_dma2 semaphore(%run_scoped3A : memref<!tpu.dma_semaphore, #tpu.memory_space<semaphore_mem>>) src(%dma_wait3A_26 : memref<10x512xi32, #tpu.memory_space<hbm>>) dst(%arg7 : memref<10x512xi32, #tpu.memory_space<vmem>>)
      tpu.yield
    }) : () -> ()
    "tpu.region"() ({
      %run_scoped3A = tpu.sem_alloc : memref<!tpu.dma_semaphore, #tpu.memory_space<semaphore_mem>>
      %dma_start3A = arith.constant 0 : i32
      %dma_start3A_13 = arith.constant 0 : i32
      %dma_start3A_14 = tpu.memref_slice %arg4[%add3A, %dma_start3A, %dma_start3A_13] : memref<32x10x512xi32, #tpu.memory_space<hbm>> -> memref<1x10x512xi32, #tpu.memory_space<hbm>>
      %dma_start3A_15 = tpu.memref_squeeze %dma_start3A_14 : memref<1x10x512xi32, #tpu.memory_space<hbm>> -> memref<10x512xi32, #tpu.memory_space<hbm>>
      %dma_start3A_16 = arith.constant 0 : i32
      %dma_start3A_17 = arith.constant 0 : i32
      %dma_start3A_18 = tpu.memref_slice %arg4[%add3A, %dma_start3A_16, %dma_start3A_17] : memref<32x10x512xi32, #tpu.memory_space<hbm>> -> memref<1x10x512xi32, #tpu.memory_space<hbm>>
      %dma_start3A_19 = tpu.memref_squeeze %dma_start3A_18 : memref<1x10x512xi32, #tpu.memory_space<hbm>> -> memref<10x512xi32, #tpu.memory_space<hbm>>
      tpu.enqueue_dma source(%dma_start3A_19 : memref<10x512xi32, #tpu.memory_space<hbm>>) target(%arg8 : memref<10x512xi32, #tpu.memory_space<vmem>>) target_semaphore(%run_scoped3A : memref<!tpu.dma_semaphore, #tpu.memory_space<semaphore_mem>>)
      %dma_wait3A = arith.constant 0 : i32
      %dma_wait3A_20 = arith.constant 0 : i32
      %dma_wait3A_21 = tpu.memref_slice %arg4[%add3A, %dma_wait3A, %dma_wait3A_20] : memref<32x10x512xi32, #tpu.memory_space<hbm>> -> memref<1x10x512xi32, #tpu.memory_space<hbm>>
      %dma_wait3A_22 = tpu.memref_squeeze %dma_wait3A_21 : memref<1x10x512xi32, #tpu.memory_space<hbm>> -> memref<10x512xi32, #tpu.memory_space<hbm>>
      %dma_wait3A_23 = arith.constant 0 : i32
      %dma_wait3A_24 = arith.constant 0 : i32
      %dma_wait3A_25 = tpu.memref_slice %arg4[%add3A, %dma_wait3A_23, %dma_wait3A_24] : memref<32x10x512xi32, #tpu.memory_space<hbm>> -> memref<1x10x512xi32, #tpu.memory_space<hbm>>
      %dma_wait3A_26 = tpu.memref_squeeze %dma_wait3A_25 : memref<1x10x512xi32, #tpu.memory_space<hbm>> -> memref<10x512xi32, #tpu.memory_space<hbm>>
      tpu.wait_dma2 semaphore(%run_scoped3A : memref<!tpu.dma_semaphore, #tpu.memory_space<semaphore_mem>>) src(%dma_wait3A_26 : memref<10x512xi32, #tpu.memory_space<hbm>>) dst(%arg8 : memref<10x512xi32, #tpu.memory_space<vmem>>)
      tpu.yield
    }) : () -> ()
    %barrier3A = arith.constant 0 : index
    tpu.barrier barrier_id(%barrier3A)
    %scan3A = arith.constant 0 : i32
    %scan3A_3 = arith.constant 0 : i32
    %scan3A_4 = arith.constant 10 : i32
    %scan3A_5 = arith.addi %scan3A_3, %scan3A_4 : i32
    %scan3A_6 = arith.constant 1 : i32
    scf.for %scan3A_13 = %scan3A_3 to %scan3A_5 step %scan3A_6  : i32 {
      %dma_start3A = arith.constant 0 : i32
      %dma_start3A_14 = tpu.memref_slice %arg7[%scan3A_13, %dma_start3A] : memref<10x512xi32, #tpu.memory_space<vmem>> -> memref<1x512xi32, #tpu.memory_space<vmem>>
      %dma_start3A_15 = tpu.memref_squeeze %dma_start3A_14 : memref<1x512xi32, #tpu.memory_space<vmem>> -> memref<512xi32, #tpu.memory_space<vmem>>
      %dma_start3A_16 = arith.constant 0 : i32
      %dma_start3A_17 = arith.constant 0 : i32
      %dma_start3A_18 = tpu.memref_slice %arg2[%dma_start3A_16, %dma_start3A_17] : memref<10000x48xf32, #tpu.memory_space<hbm>> -> memref<10000x48xf32, #tpu.memory_space<hbm>>
      tpu.enqueue_indirect_dma source(%dma_start3A_18 : memref<10000x48xf32, #tpu.memory_space<hbm>>) target(%arg9 : memref<512x48xf32, #tpu.memory_space<vmem>>) offsets(%dma_start3A_15 : memref<512xi32, #tpu.memory_space<vmem>>) semaphore(%arg11 : memref<!tpu.dma_semaphore, #tpu.memory_space<semaphore_mem>>)
      %dma_wait3A = arith.constant 0 : i32
      %dma_wait3A_19 = tpu.memref_slice %arg7[%scan3A_13, %dma_wait3A] : memref<10x512xi32, #tpu.memory_space<vmem>> -> memref<1x512xi32, #tpu.memory_space<vmem>>
      %dma_wait3A_20 = tpu.memref_squeeze %dma_wait3A_19 : memref<1x512xi32, #tpu.memory_space<vmem>> -> memref<512xi32, #tpu.memory_space<vmem>>
      %dma_wait3A_21 = arith.constant 0 : i32
      %dma_wait3A_22 = arith.constant 0 : i32
      %dma_wait3A_23 = tpu.memref_slice %arg2[%dma_wait3A_21, %dma_wait3A_22] : memref<10000x48xf32, #tpu.memory_space<hbm>> -> memref<10000x48xf32, #tpu.memory_space<hbm>>
      tpu.wait_indirect_dma semaphore(%arg11 : memref<!tpu.dma_semaphore, #tpu.memory_space<semaphore_mem>>) src(%dma_wait3A_23 : memref<10000x48xf32, #tpu.memory_space<hbm>>) dst(%arg9 : memref<512x48xf32, #tpu.memory_space<vmem>>)
      "tpu.region"() ({
        %run_scoped3A = tpu.sem_alloc : memref<!tpu.dma_semaphore, #tpu.memory_space<semaphore_mem>>
        %dma_start3A_24 = arith.constant 0 : i32
        %dma_start3A_25 = tpu.memref_slice %arg8[%scan3A_13, %dma_start3A_24] : memref<10x512xi32, #tpu.memory_space<vmem>> -> memref<1x512xi32, #tpu.memory_space<vmem>>
        %dma_start3A_26 = tpu.memref_squeeze %dma_start3A_25 : memref<1x512xi32, #tpu.memory_space<vmem>> -> memref<512xi32, #tpu.memory_space<vmem>>
        %dma_start3A_27 = arith.constant 0 : i32
        %dma_start3A_28 = arith.constant 0 : i32
        %dma_start3A_29 = tpu.memref_slice %arg10[%dma_start3A_27, %dma_start3A_28] : memref<10240x48xf32, #tpu.memory_space<vmem_shared>> -> memref<10240x48xf32, #tpu.memory_space<vmem_shared>>
        tpu.enqueue_indirect_dma source(%arg9 : memref<512x48xf32, #tpu.memory_space<vmem>>) target(%dma_start3A_29 : memref<10240x48xf32, #tpu.memory_space<vmem_shared>>) offsets(%dma_start3A_26 : memref<512xi32, #tpu.memory_space<vmem>>) semaphore(%run_scoped3A : memref<!tpu.dma_semaphore, #tpu.memory_space<semaphore_mem>>) {add = true}
        %dma_wait3A_30 = arith.constant 0 : i32
        %dma_wait3A_31 = tpu.memref_slice %arg8[%scan3A_13, %dma_wait3A_30] : memref<10x512xi32, #tpu.memory_space<vmem>> -> memref<1x512xi32, #tpu.memory_space<vmem>>
        %dma_wait3A_32 = tpu.memref_squeeze %dma_wait3A_31 : memref<1x512xi32, #tpu.memory_space<vmem>> -> memref<512xi32, #tpu.memory_space<vmem>>
        %dma_wait3A_33 = arith.constant 0 : i32
        %dma_wait3A_34 = arith.constant 0 : i32
        %dma_wait3A_35 = tpu.memref_slice %arg10[%dma_wait3A_33, %dma_wait3A_34] : memref<10240x48xf32, #tpu.memory_space<vmem_shared>> -> memref<10240x48xf32, #tpu.memory_space<vmem_shared>>
        tpu.wait_indirect_dma semaphore(%run_scoped3A : memref<!tpu.dma_semaphore, #tpu.memory_space<semaphore_mem>>) src(%arg9 : memref<512x48xf32, #tpu.memory_space<vmem>>) dst(%dma_wait3A_35 : memref<10240x48xf32, #tpu.memory_space<vmem_shared>>)
        tpu.yield
      }) : () -> ()
    }
    %scan3A_7 = arith.constant 10 : i32
    %barrier3A_8 = arith.constant 0 : index
    tpu.barrier barrier_id(%barrier3A_8)
    %mul3A_9 = arith.constant 640 : i32
    %mul3A_10 = arith.muli %arg1, %mul3A_9 : i32
    %mul3A_11 = arith.constant 640 : i32
    %mul3A_12 = arith.muli %arg1, %mul3A_11 : i32
    "tpu.region"() ({
      %run_scoped3A = tpu.sem_alloc : memref<!tpu.dma_semaphore, #tpu.memory_space<semaphore_mem>>
      %dma_start3A = arith.constant 0 : i32
      %dma_start3A_13 = tpu.memref_slice %arg6[%arg0, %mul3A_12, %dma_start3A] : memref<2x10240x48xf32, #tpu.memory_space<hbm>> -> memref<1x640x48xf32, #tpu.memory_space<hbm>>
      %dma_start3A_14 = tpu.memref_squeeze %dma_start3A_13 : memref<1x640x48xf32, #tpu.memory_space<hbm>> -> memref<640x48xf32, #tpu.memory_space<hbm>>
      %dma_start3A_15 = arith.constant 0 : i32
      %dma_start3A_16 = tpu.memref_slice %arg10[%mul3A_10, %dma_start3A_15] : memref<10240x48xf32, #tpu.memory_space<vmem_shared>> -> memref<640x48xf32, #tpu.memory_space<vmem_shared>>
      tpu.enqueue_dma source(%dma_start3A_16 : memref<640x48xf32, #tpu.memory_space<vmem_shared>>) target(%dma_start3A_14 : memref<640x48xf32, #tpu.memory_space<hbm>>) target_semaphore(%run_scoped3A : memref<!tpu.dma_semaphore, #tpu.memory_space<semaphore_mem>>)
      %dma_wait3A = arith.constant 0 : i32
      %dma_wait3A_17 = tpu.memref_slice %arg6[%arg0, %mul3A_12, %dma_wait3A] : memref<2x10240x48xf32, #tpu.memory_space<hbm>> -> memref<1x640x48xf32, #tpu.memory_space<hbm>>
      %dma_wait3A_18 = tpu.memref_squeeze %dma_wait3A_17 : memref<1x640x48xf32, #tpu.memory_space<hbm>> -> memref<640x48xf32, #tpu.memory_space<hbm>>
      %dma_wait3A_19 = arith.constant 0 : i32
      %dma_wait3A_20 = tpu.memref_slice %arg10[%mul3A_10, %dma_wait3A_19] : memref<10240x48xf32, #tpu.memory_space<vmem_shared>> -> memref<640x48xf32, #tpu.memory_space<vmem_shared>>
      tpu.wait_dma2 semaphore(%run_scoped3A : memref<!tpu.dma_semaphore, #tpu.memory_space<semaphore_mem>>) src(%dma_wait3A_20 : memref<640x48xf32, #tpu.memory_space<vmem_shared>>) dst(%dma_wait3A_18 : memref<640x48xf32, #tpu.memory_space<hbm>>)
      tpu.yield
    }) : () -> ()
    return
  }
}

#map = affine_map<(d0, d1) -> (0, 0)>
#map1 = affine_map<(d0, d1) -> (0, 0, 0)>
module attributes {stable_mosaic.version = 14 : i64} {
  func.func @_sa_sc(%arg0: i32, %arg1: i32, %arg2: memref<10000x48xf32, #tpu.memory_space<hbm>>, %arg3: memref<32x10x512xi32, #tpu.memory_space<hbm>>, %arg4: memref<32x10x512xi32, #tpu.memory_space<hbm>>, %arg5: memref<640x48xf32, #tpu.memory_space<hbm>>, %arg6: memref<2x10240x48xf32, #tpu.memory_space<hbm>>, %arg7: memref<10x512xi32, #tpu.memory_space<vmem>>, %arg8: memref<10x512xi32, #tpu.memory_space<vmem>>, %arg9: memref<512x48xf32, #tpu.memory_space<vmem>>, %arg10: memref<10240x48xf32, #tpu.memory_space<vmem_shared>>, %arg11: memref<!tpu.dma_semaphore, #tpu.memory_space<semaphore_mem>>) attributes {dimension_semantics = [#tpu.dimension_semantics<core_parallel>, #tpu.dimension_semantics<subcore_parallel>], iteration_bounds = array<i64: 2, 16>, scalar_prefetch = 0 : i64, scratch_operands = 5 : i64, tpu.core_type = #tpu.core_type<sc_vector_subcore>, window_params = [{transform_indices = #map}, {transform_indices = #map1}, {transform_indices = #map1}, {transform_indices = #map}, {transform_indices = #map1}]} {
    %mul3A = arith.constant 16 : i32
    %mul3A_0 = arith.muli %arg0, %mul3A : i32
    %add3A = arith.addi %mul3A_0, %arg1 : i32
    %mul3A_1 = arith.constant 640 : i32
    %mul3A_2 = arith.muli %arg1, %mul3A_1 : i32
    "tpu.region"() ({
      %run_scoped3A = tpu.sem_alloc : memref<!tpu.dma_semaphore, #tpu.memory_space<semaphore_mem>>
      %dma_start3A = arith.constant 0 : i32
      %dma_start3A_13 = tpu.memref_slice %arg10[%mul3A_2, %dma_start3A] : memref<10240x48xf32, #tpu.memory_space<vmem_shared>> -> memref<640x48xf32, #tpu.memory_space<vmem_shared>>
      tpu.enqueue_dma source(%arg5 : memref<640x48xf32, #tpu.memory_space<hbm>>) target(%dma_start3A_13 : memref<640x48xf32, #tpu.memory_space<vmem_shared>>) target_semaphore(%run_scoped3A : memref<!tpu.dma_semaphore, #tpu.memory_space<semaphore_mem>>)
      %dma_wait3A = arith.constant 0 : i32
      %dma_wait3A_14 = tpu.memref_slice %arg10[%mul3A_2, %dma_wait3A] : memref<10240x48xf32, #tpu.memory_space<vmem_shared>> -> memref<640x48xf32, #tpu.memory_space<vmem_shared>>
      tpu.wait_dma2 semaphore(%run_scoped3A : memref<!tpu.dma_semaphore, #tpu.memory_space<semaphore_mem>>) src(%arg5 : memref<640x48xf32, #tpu.memory_space<hbm>>) dst(%dma_wait3A_14 : memref<640x48xf32, #tpu.memory_space<vmem_shared>>)
      tpu.yield
    }) : () -> ()
    "tpu.region"() ({
      %run_scoped3A = tpu.sem_alloc : memref<!tpu.dma_semaphore, #tpu.memory_space<semaphore_mem>>
      %dma_start3A = arith.constant 0 : i32
      %dma_start3A_13 = arith.constant 0 : i32
      %dma_start3A_14 = tpu.memref_slice %arg3[%add3A, %dma_start3A, %dma_start3A_13] : memref<32x10x512xi32, #tpu.memory_space<hbm>> -> memref<1x10x512xi32, #tpu.memory_space<hbm>>
      %dma_start3A_15 = tpu.memref_squeeze %dma_start3A_14 : memref<1x10x512xi32, #tpu.memory_space<hbm>> -> memref<10x512xi32, #tpu.memory_space<hbm>>
      %dma_start3A_16 = arith.constant 0 : i32
      %dma_start3A_17 = arith.constant 0 : i32
      %dma_start3A_18 = tpu.memref_slice %arg3[%add3A, %dma_start3A_16, %dma_start3A_17] : memref<32x10x512xi32, #tpu.memory_space<hbm>> -> memref<1x10x512xi32, #tpu.memory_space<hbm>>
      %dma_start3A_19 = tpu.memref_squeeze %dma_start3A_18 : memref<1x10x512xi32, #tpu.memory_space<hbm>> -> memref<10x512xi32, #tpu.memory_space<hbm>>
      tpu.enqueue_dma source(%dma_start3A_19 : memref<10x512xi32, #tpu.memory_space<hbm>>) target(%arg7 : memref<10x512xi32, #tpu.memory_space<vmem>>) target_semaphore(%run_scoped3A : memref<!tpu.dma_semaphore, #tpu.memory_space<semaphore_mem>>)
      %dma_wait3A = arith.constant 0 : i32
      %dma_wait3A_20 = arith.constant 0 : i32
      %dma_wait3A_21 = tpu.memref_slice %arg3[%add3A, %dma_wait3A, %dma_wait3A_20] : memref<32x10x512xi32, #tpu.memory_space<hbm>> -> memref<1x10x512xi32, #tpu.memory_space<hbm>>
      %dma_wait3A_22 = tpu.memref_squeeze %dma_wait3A_21 : memref<1x10x512xi32, #tpu.memory_space<hbm>> -> memref<10x512xi32, #tpu.memory_space<hbm>>
      %dma_wait3A_23 = arith.constant 0 : i32
      %dma_wait3A_24 = arith.constant 0 : i32
      %dma_wait3A_25 = tpu.memref_slice %arg3[%add3A, %dma_wait3A_23, %dma_wait3A_24] : memref<32x10x512xi32, #tpu.memory_space<hbm>> -> memref<1x10x512xi32, #tpu.memory_space<hbm>>
      %dma_wait3A_26 = tpu.memref_squeeze %dma_wait3A_25 : memref<1x10x512xi32, #tpu.memory_space<hbm>> -> memref<10x512xi32, #tpu.memory_space<hbm>>
      tpu.wait_dma2 semaphore(%run_scoped3A : memref<!tpu.dma_semaphore, #tpu.memory_space<semaphore_mem>>) src(%dma_wait3A_26 : memref<10x512xi32, #tpu.memory_space<hbm>>) dst(%arg7 : memref<10x512xi32, #tpu.memory_space<vmem>>)
      tpu.yield
    }) : () -> ()
    "tpu.region"() ({
      %run_scoped3A = tpu.sem_alloc : memref<!tpu.dma_semaphore, #tpu.memory_space<semaphore_mem>>
      %dma_start3A = arith.constant 0 : i32
      %dma_start3A_13 = arith.constant 0 : i32
      %dma_start3A_14 = tpu.memref_slice %arg4[%add3A, %dma_start3A, %dma_start3A_13] : memref<32x10x512xi32, #tpu.memory_space<hbm>> -> memref<1x10x512xi32, #tpu.memory_space<hbm>>
      %dma_start3A_15 = tpu.memref_squeeze %dma_start3A_14 : memref<1x10x512xi32, #tpu.memory_space<hbm>> -> memref<10x512xi32, #tpu.memory_space<hbm>>
      %dma_start3A_16 = arith.constant 0 : i32
      %dma_start3A_17 = arith.constant 0 : i32
      %dma_start3A_18 = tpu.memref_slice %arg4[%add3A, %dma_start3A_16, %dma_start3A_17] : memref<32x10x512xi32, #tpu.memory_space<hbm>> -> memref<1x10x512xi32, #tpu.memory_space<hbm>>
      %dma_start3A_19 = tpu.memref_squeeze %dma_start3A_18 : memref<1x10x512xi32, #tpu.memory_space<hbm>> -> memref<10x512xi32, #tpu.memory_space<hbm>>
      tpu.enqueue_dma source(%dma_start3A_19 : memref<10x512xi32, #tpu.memory_space<hbm>>) target(%arg8 : memref<10x512xi32, #tpu.memory_space<vmem>>) target_semaphore(%run_scoped3A : memref<!tpu.dma_semaphore, #tpu.memory_space<semaphore_mem>>)
      %dma_wait3A = arith.constant 0 : i32
      %dma_wait3A_20 = arith.constant 0 : i32
      %dma_wait3A_21 = tpu.memref_slice %arg4[%add3A, %dma_wait3A, %dma_wait3A_20] : memref<32x10x512xi32, #tpu.memory_space<hbm>> -> memref<1x10x512xi32, #tpu.memory_space<hbm>>
      %dma_wait3A_22 = tpu.memref_squeeze %dma_wait3A_21 : memref<1x10x512xi32, #tpu.memory_space<hbm>> -> memref<10x512xi32, #tpu.memory_space<hbm>>
      %dma_wait3A_23 = arith.constant 0 : i32
      %dma_wait3A_24 = arith.constant 0 : i32
      %dma_wait3A_25 = tpu.memref_slice %arg4[%add3A, %dma_wait3A_23, %dma_wait3A_24] : memref<32x10x512xi32, #tpu.memory_space<hbm>> -> memref<1x10x512xi32, #tpu.memory_space<hbm>>
      %dma_wait3A_26 = tpu.memref_squeeze %dma_wait3A_25 : memref<1x10x512xi32, #tpu.memory_space<hbm>> -> memref<10x512xi32, #tpu.memory_space<hbm>>
      tpu.wait_dma2 semaphore(%run_scoped3A : memref<!tpu.dma_semaphore, #tpu.memory_space<semaphore_mem>>) src(%dma_wait3A_26 : memref<10x512xi32, #tpu.memory_space<hbm>>) dst(%arg8 : memref<10x512xi32, #tpu.memory_space<vmem>>)
      tpu.yield
    }) : () -> ()
    %barrier3A = arith.constant 0 : index
    tpu.barrier barrier_id(%barrier3A)
    %scan3A = arith.constant 0 : i32
    %scan3A_3 = arith.constant 0 : i32
    %scan3A_4 = arith.constant 10 : i32
    %scan3A_5 = arith.addi %scan3A_3, %scan3A_4 : i32
    %scan3A_6 = arith.constant 1 : i32
    scf.for %scan3A_13 = %scan3A_3 to %scan3A_5 step %scan3A_6  : i32 {
      %dma_start3A = arith.constant 0 : i32
      %dma_start3A_14 = tpu.memref_slice %arg7[%scan3A_13, %dma_start3A] : memref<10x512xi32, #tpu.memory_space<vmem>> -> memref<1x512xi32, #tpu.memory_space<vmem>>
      %dma_start3A_15 = tpu.memref_squeeze %dma_start3A_14 : memref<1x512xi32, #tpu.memory_space<vmem>> -> memref<512xi32, #tpu.memory_space<vmem>>
      %dma_start3A_16 = arith.constant 0 : i32
      %dma_start3A_17 = arith.constant 0 : i32
      %dma_start3A_18 = tpu.memref_slice %arg2[%dma_start3A_16, %dma_start3A_17] : memref<10000x48xf32, #tpu.memory_space<hbm>> -> memref<10000x48xf32, #tpu.memory_space<hbm>>
      tpu.enqueue_indirect_dma source(%dma_start3A_18 : memref<10000x48xf32, #tpu.memory_space<hbm>>) target(%arg9 : memref<512x48xf32, #tpu.memory_space<vmem>>) offsets(%dma_start3A_15 : memref<512xi32, #tpu.memory_space<vmem>>) semaphore(%arg11 : memref<!tpu.dma_semaphore, #tpu.memory_space<semaphore_mem>>)
      %dma_wait3A = arith.constant 0 : i32
      %dma_wait3A_19 = tpu.memref_slice %arg7[%scan3A_13, %dma_wait3A] : memref<10x512xi32, #tpu.memory_space<vmem>> -> memref<1x512xi32, #tpu.memory_space<vmem>>
      %dma_wait3A_20 = tpu.memref_squeeze %dma_wait3A_19 : memref<1x512xi32, #tpu.memory_space<vmem>> -> memref<512xi32, #tpu.memory_space<vmem>>
      %dma_wait3A_21 = arith.constant 0 : i32
      %dma_wait3A_22 = arith.constant 0 : i32
      %dma_wait3A_23 = tpu.memref_slice %arg2[%dma_wait3A_21, %dma_wait3A_22] : memref<10000x48xf32, #tpu.memory_space<hbm>> -> memref<10000x48xf32, #tpu.memory_space<hbm>>
      tpu.wait_indirect_dma semaphore(%arg11 : memref<!tpu.dma_semaphore, #tpu.memory_space<semaphore_mem>>) src(%dma_wait3A_23 : memref<10000x48xf32, #tpu.memory_space<hbm>>) dst(%arg9 : memref<512x48xf32, #tpu.memory_space<vmem>>)
      "tpu.region"() ({
        %run_scoped3A = tpu.sem_alloc : memref<!tpu.dma_semaphore, #tpu.memory_space<semaphore_mem>>
        %dma_start3A_24 = arith.constant 0 : i32
        %dma_start3A_25 = tpu.memref_slice %arg8[%scan3A_13, %dma_start3A_24] : memref<10x512xi32, #tpu.memory_space<vmem>> -> memref<1x512xi32, #tpu.memory_space<vmem>>
        %dma_start3A_26 = tpu.memref_squeeze %dma_start3A_25 : memref<1x512xi32, #tpu.memory_space<vmem>> -> memref<512xi32, #tpu.memory_space<vmem>>
        %dma_start3A_27 = arith.constant 0 : i32
        %dma_start3A_28 = arith.constant 0 : i32
        %dma_start3A_29 = tpu.memref_slice %arg10[%dma_start3A_27, %dma_start3A_28] : memref<10240x48xf32, #tpu.memory_space<vmem_shared>> -> memref<10240x48xf32, #tpu.memory_space<vmem_shared>>
        tpu.enqueue_indirect_dma source(%arg9 : memref<512x48xf32, #tpu.memory_space<vmem>>) target(%dma_start3A_29 : memref<10240x48xf32, #tpu.memory_space<vmem_shared>>) offsets(%dma_start3A_26 : memref<512xi32, #tpu.memory_space<vmem>>) semaphore(%run_scoped3A : memref<!tpu.dma_semaphore, #tpu.memory_space<semaphore_mem>>) {add = true}
        %dma_wait3A_30 = arith.constant 0 : i32
        %dma_wait3A_31 = tpu.memref_slice %arg8[%scan3A_13, %dma_wait3A_30] : memref<10x512xi32, #tpu.memory_space<vmem>> -> memref<1x512xi32, #tpu.memory_space<vmem>>
        %dma_wait3A_32 = tpu.memref_squeeze %dma_wait3A_31 : memref<1x512xi32, #tpu.memory_space<vmem>> -> memref<512xi32, #tpu.memory_space<vmem>>
        %dma_wait3A_33 = arith.constant 0 : i32
        %dma_wait3A_34 = arith.constant 0 : i32
        %dma_wait3A_35 = tpu.memref_slice %arg10[%dma_wait3A_33, %dma_wait3A_34] : memref<10240x48xf32, #tpu.memory_space<vmem_shared>> -> memref<10240x48xf32, #tpu.memory_space<vmem_shared>>
        tpu.wait_indirect_dma semaphore(%run_scoped3A : memref<!tpu.dma_semaphore, #tpu.memory_space<semaphore_mem>>) src(%arg9 : memref<512x48xf32, #tpu.memory_space<vmem>>) dst(%dma_wait3A_35 : memref<10240x48xf32, #tpu.memory_space<vmem_shared>>)
        tpu.yield
      }) : () -> ()
    }
    %scan3A_7 = arith.constant 10 : i32
    %barrier3A_8 = arith.constant 0 : index
    tpu.barrier barrier_id(%barrier3A_8)
    %mul3A_9 = arith.constant 640 : i32
    %mul3A_10 = arith.muli %arg1, %mul3A_9 : i32
    %mul3A_11 = arith.constant 640 : i32
    %mul3A_12 = arith.muli %arg1, %mul3A_11 : i32
    "tpu.region"() ({
      %run_scoped3A = tpu.sem_alloc : memref<!tpu.dma_semaphore, #tpu.memory_space<semaphore_mem>>
      %dma_start3A = arith.constant 0 : i32
      %dma_start3A_13 = tpu.memref_slice %arg6[%arg0, %mul3A_12, %dma_start3A] : memref<2x10240x48xf32, #tpu.memory_space<hbm>> -> memref<1x640x48xf32, #tpu.memory_space<hbm>>
      %dma_start3A_14 = tpu.memref_squeeze %dma_start3A_13 : memref<1x640x48xf32, #tpu.memory_space<hbm>> -> memref<640x48xf32, #tpu.memory_space<hbm>>
      %dma_start3A_15 = arith.constant 0 : i32
      %dma_start3A_16 = tpu.memref_slice %arg10[%mul3A_10, %dma_start3A_15] : memref<10240x48xf32, #tpu.memory_space<vmem_shared>> -> memref<640x48xf32, #tpu.memory_space<vmem_shared>>
      tpu.enqueue_dma source(%dma_start3A_16 : memref<640x48xf32, #tpu.memory_space<vmem_shared>>) target(%dma_start3A_14 : memref<640x48xf32, #tpu.memory_space<hbm>>) target_semaphore(%run_scoped3A : memref<!tpu.dma_semaphore, #tpu.memory_space<semaphore_mem>>)
      %dma_wait3A = arith.constant 0 : i32
      %dma_wait3A_17 = tpu.memref_slice %arg6[%arg0, %mul3A_12, %dma_wait3A] : memref<2x10240x48xf32, #tpu.memory_space<hbm>> -> memref<1x640x48xf32, #tpu.memory_space<hbm>>
      %dma_wait3A_18 = tpu.memref_squeeze %dma_wait3A_17 : memref<1x640x48xf32, #tpu.memory_space<hbm>> -> memref<640x48xf32, #tpu.memory_space<hbm>>
      %dma_wait3A_19 = arith.constant 0 : i32
      %dma_wait3A_20 = tpu.memref_slice %arg10[%mul3A_10, %dma_wait3A_19] : memref<10240x48xf32, #tpu.memory_space<vmem_shared>> -> memref<640x48xf32, #tpu.memory_space<vmem_shared>>
      tpu.wait_dma2 semaphore(%run_scoped3A : memref<!tpu.dma_semaphore, #tpu.memory_space<semaphore_mem>>) src(%dma_wait3A_20 : memref<640x48xf32, #tpu.memory_space<vmem_shared>>) dst(%dma_wait3A_18 : memref<640x48xf32, #tpu.memory_space<hbm>>)
      tpu.yield
    }) : () -> ()
    return
  }
}

module attributes {stable_mosaic.version = 14 : i64} {
  func.func @_z_body(%arg0: i32, %arg1: memref<1000x256xf32, #tpu.memory_space<vmem>>, %arg2: memref<256x256xf32, #tpu.memory_space<vmem>>, %arg3: memref<1x256xf32, #tpu.memory_space<vmem>>, %arg4: memref<256x240xf32, #tpu.memory_space<vmem>>, %arg5: memref<2x1000x16xf32, #tpu.memory_space<vmem>>, %arg6: memref<1000x48xf32, #tpu.memory_space<vmem>>, %arg7: memref<1000x48xf32, #tpu.memory_space<vmem>>, %arg8: memref<1000x48xf32, #tpu.memory_space<vmem>>, %arg9: memref<1000x48xf32, #tpu.memory_space<vmem>>, %arg10: memref<1000x48xf32, #tpu.memory_space<vmem>>, %arg11: memref<1000x1xf32, #tpu.memory_space<vmem>>, %arg12: memref<1000x1xf32, #tpu.memory_space<vmem>>) attributes {dimension_semantics = [#tpu.dimension_semantics<arbitrary>], iteration_bounds = array<i64: 10>, scalar_prefetch = 0 : i64, scratch_operands = 0 : i64, tpu.core_type = #tpu.core_type<tc>, window_params = [{transform_indices = @transform_0, window_bounds = array<i64: 1000, 256>}, {pipeline_mode = #tpu.pipeline_mode<synchronous>, transform_indices = @transform_1, window_bounds = array<i64: 256, 256>}, {pipeline_mode = #tpu.pipeline_mode<synchronous>, transform_indices = @transform_2, window_bounds = array<i64: 1, 256>}, {pipeline_mode = #tpu.pipeline_mode<synchronous>, transform_indices = @transform_3, window_bounds = array<i64: 256, 240>}, {transform_indices = @transform_4, window_bounds = array<i64: 2, 1000, 16>}, {transform_indices = @transform_5, window_bounds = array<i64: 1000, 48>}, {transform_indices = @transform_6, window_bounds = array<i64: 1000, 48>}, {transform_indices = @transform_7, window_bounds = array<i64: 1000, 48>}, {transform_indices = @transform_8, window_bounds = array<i64: 1000, 48>}, {transform_indices = @transform_9, window_bounds = array<i64: 1000, 48>}, {transform_indices = @transform_10, window_bounds = array<i64: 1000, 1>}, {transform_indices = @transform_11, window_bounds = array<i64: 1000, 1>}]} {
    %get3A = arith.constant 0 : index
    %get3A_0 = arith.constant 0 : index
    %get3A_1 = vector.load %arg1[%get3A, %get3A_0] : memref<1000x256xf32, #tpu.memory_space<vmem>>, vector<1000x256xf32>
    %get3A_2 = arith.constant 0 : index
    %get3A_3 = arith.constant 0 : index
    %get3A_4 = vector.load %arg2[%get3A_2, %get3A_3] : memref<256x256xf32, #tpu.memory_space<vmem>>, vector<256x256xf32>
    %dot_general3A = arith.constant dense<0.000000e+00> : vector<1000x256xf32>
    %dot_general3A_5 = tpu.matmul %get3A_1, %get3A_4, %dot_general3A {dimension_numbers = #tpu.dot_dimension_numbers<[1], [0], [0], [1], [0, 0, 1, 1], [], []>, transpose_lhs_hint = false} : vector<1000x256xf32>, vector<256x256xf32>, vector<1000x256xf32> -> vector<1000x256xf32>
    %get3A_6 = arith.constant 0 : index
    %get3A_7 = arith.constant 0 : index
    %get3A_8 = vector.load %arg3[%get3A_6, %get3A_7] : memref<1x256xf32, #tpu.memory_space<vmem>>, vector<1x256xf32>
    %add3A = vector.broadcast %get3A_8 : vector<1x256xf32> to vector<1000x256xf32>
    %add3A_9 = arith.addf %dot_general3A_5, %add3A : vector<1000x256xf32>
    %max3A = arith.constant 0.000000e+00 : f32
    %max3A_10 = vector.broadcast %max3A : f32 to vector<1000x256xf32>
    %max3A_11 = arith.maximumf %add3A_9, %max3A_10 : vector<1000x256xf32>
    %get3A_12 = arith.constant 0 : index
    %get3A_13 = arith.constant 0 : index
    %get3A_14 = vector.load %arg4[%get3A_12, %get3A_13] : memref<256x240xf32, #tpu.memory_space<vmem>>, vector<256x240xf32>
    %dot_general3A_15 = arith.constant dense<0.000000e+00> : vector<1000x240xf32>
    %dot_general3A_16 = tpu.matmul %max3A_11, %get3A_14, %dot_general3A_15 {dimension_numbers = #tpu.dot_dimension_numbers<[1], [0], [0], [1], [0, 0, 1, 1], [], []>, transpose_lhs_hint = false} : vector<1000x256xf32>, vector<256x240xf32>, vector<1000x240xf32> -> vector<1000x240xf32>
    %get3A_17 = arith.constant 0 : index
    %get3A_18 = arith.constant 0 : index
    %get3A_19 = arith.constant 0 : index
    %get3A_20 = vector.load %arg5[%get3A_17, %get3A_18, %get3A_19] : memref<2x1000x16xf32, #tpu.memory_space<vmem>>, vector<1x1000x1xf32>
    %get3A_21 = vector.shape_cast %get3A_20 : vector<1x1000x1xf32> to vector<1000x1xf32>
    %add3A_22 = arith.constant 1.000000e+00 : f32
    %add3A_23 = vector.broadcast %add3A_22 : f32 to vector<1000x1xf32>
    %add3A_24 = arith.addf %add3A_23, %get3A_21 : vector<1000x1xf32>
    %get3A_25 = arith.constant 1 : index
    %get3A_26 = arith.constant 0 : index
    %get3A_27 = arith.constant 0 : index
    %get3A_28 = vector.load %arg5[%get3A_25, %get3A_26, %get3A_27] : memref<2x1000x16xf32, #tpu.memory_space<vmem>>, vector<1x1000x1xf32>
    %get3A_29 = vector.shape_cast %get3A_28 : vector<1x1000x1xf32> to vector<1000x1xf32>
    %add3A_30 = arith.addf %add3A_24, %get3A_29 : vector<1000x1xf32>
    %rsqrt3A = math.rsqrt %add3A_30 : vector<1000x1xf32>
    %slice3A = vector.extract_strided_slice %dot_general3A_16 {offsets = [0, 0], sizes = [1000, 48], strides = [1, 1]} : vector<1000x240xf32> to vector<1000x48xf32>
    %swap3A = arith.constant 0 : index
    %swap3A_31 = arith.constant 0 : index
    %swap3A_32 = vector.load %arg6[%swap3A, %swap3A_31] : memref<1000x48xf32, #tpu.memory_space<vmem>>, vector<1000x48xf32>
    tpu.vector_store %arg6[%swap3A, %swap3A_31], %slice3A {strides = array<i32>} : memref<1000x48xf32, #tpu.memory_space<vmem>>, vector<1000x48xf32>,
    %slice3A_33 = vector.extract_strided_slice %dot_general3A_16 {offsets = [0, 48], sizes = [1000, 48], strides = [1, 1]} : vector<1000x240xf32> to vector<1000x48xf32>
    %mul3A = vector.broadcast %rsqrt3A : vector<1000x1xf32> to vector<1000x48xf32>
    %mul3A_34 = arith.mulf %slice3A_33, %mul3A : vector<1000x48xf32>
    %swap3A_35 = arith.constant 0 : index
    %swap3A_36 = arith.constant 0 : index
    %swap3A_37 = vector.load %arg7[%swap3A_35, %swap3A_36] : memref<1000x48xf32, #tpu.memory_space<vmem>>, vector<1000x48xf32>
    tpu.vector_store %arg7[%swap3A_35, %swap3A_36], %mul3A_34 {strides = array<i32>} : memref<1000x48xf32, #tpu.memory_space<vmem>>, vector<1000x48xf32>,
    %slice3A_38 = vector.extract_strided_slice %dot_general3A_16 {offsets = [0, 96], sizes = [1000, 48], strides = [1, 1]} : vector<1000x240xf32> to vector<1000x48xf32>
    %mul3A_39 = vector.broadcast %rsqrt3A : vector<1000x1xf32> to vector<1000x48xf32>
    %mul3A_40 = arith.mulf %slice3A_38, %mul3A_39 : vector<1000x48xf32>
    %swap3A_41 = arith.constant 0 : index
    %swap3A_42 = arith.constant 0 : index
    %swap3A_43 = vector.load %arg8[%swap3A_41, %swap3A_42] : memref<1000x48xf32, #tpu.memory_space<vmem>>, vector<1000x48xf32>
    tpu.vector_store %arg8[%swap3A_41, %swap3A_42], %mul3A_40 {strides = array<i32>} : memref<1000x48xf32, #tpu.memory_space<vmem>>, vector<1000x48xf32>,
    %slice3A_44 = vector.extract_strided_slice %dot_general3A_16 {offsets = [0, 144], sizes = [1000, 48], strides = [1, 1]} : vector<1000x240xf32> to vector<1000x48xf32>
    %mul3A_45 = vector.broadcast %rsqrt3A : vector<1000x1xf32> to vector<1000x48xf32>
    %mul3A_46 = arith.mulf %slice3A_44, %mul3A_45 : vector<1000x48xf32>
    %swap3A_47 = arith.constant 0 : index
    %swap3A_48 = arith.constant 0 : index
    %swap3A_49 = vector.load %arg9[%swap3A_47, %swap3A_48] : memref<1000x48xf32, #tpu.memory_space<vmem>>, vector<1000x48xf32>
    tpu.vector_store %arg9[%swap3A_47, %swap3A_48], %mul3A_46 {strides = array<i32>} : memref<1000x48xf32, #tpu.memory_space<vmem>>, vector<1000x48xf32>,
    %slice3A_50 = vector.extract_strided_slice %dot_general3A_16 {offsets = [0, 192], sizes = [1000, 48], strides = [1, 1]} : vector<1000x240xf32> to vector<1000x48xf32>
    %mul3A_51 = vector.broadcast %rsqrt3A : vector<1000x1xf32> to vector<1000x48xf32>
    %mul3A_52 = arith.mulf %slice3A_50, %mul3A_51 : vector<1000x48xf32>
    %swap3A_53 = arith.constant 0 : index
    %swap3A_54 = arith.constant 0 : index
    %swap3A_55 = vector.load %arg10[%swap3A_53, %swap3A_54] : memref<1000x48xf32, #tpu.memory_space<vmem>>, vector<1000x48xf32>
    tpu.vector_store %arg10[%swap3A_53, %swap3A_54], %mul3A_52 {strides = array<i32>} : memref<1000x48xf32, #tpu.memory_space<vmem>>, vector<1000x48xf32>,
    %swap3A_56 = arith.constant 0 : index
    %swap3A_57 = arith.constant 0 : index
    %swap3A_58 = vector.load %arg11[%swap3A_56, %swap3A_57] : memref<1000x1xf32, #tpu.memory_space<vmem>>, vector<1000x1xf32>
    tpu.vector_store %arg11[%swap3A_56, %swap3A_57], %rsqrt3A {strides = array<i32>} : memref<1000x1xf32, #tpu.memory_space<vmem>>, vector<1000x1xf32>,
    %div3A = arith.constant 1.000000e+00 : f32
    %div3A_59 = vector.broadcast %div3A : f32 to vector<1000x1xf32>
    %div3A_60 = arith.divf %div3A_59, %add3A_30 : vector<1000x1xf32>
    %swap3A_61 = arith.constant 0 : index
    %swap3A_62 = arith.constant 0 : index
    %swap3A_63 = vector.load %arg12[%swap3A_61, %swap3A_62] : memref<1000x1xf32, #tpu.memory_space<vmem>>, vector<1000x1xf32>
    tpu.vector_store %arg12[%swap3A_61, %swap3A_62], %div3A_60 {strides = array<i32>} : memref<1000x1xf32, #tpu.memory_space<vmem>>, vector<1000x1xf32>,
    return
  }
  func.func @transform_0(%arg0: i32) -> (i32, i32) {
    %c0_i32 = arith.constant 0 : i32
    %c0_i32_0 = arith.constant 0 : i32
    return %arg0, %c0_i32 : i32, i32
  }
  func.func @transform_1(%arg0: i32) -> (i32, i32) {
    %c0_i32 = arith.constant 0 : i32
    %c0_i32_0 = arith.constant 0 : i32
    %c0_i32_1 = arith.constant 0 : i32
    return %c0_i32, %c0_i32_0 : i32, i32
  }
  func.func @transform_2(%arg0: i32) -> (i32, i32) {
    %c0_i32 = arith.constant 0 : i32
    %c0_i32_0 = arith.constant 0 : i32
    %c0_i32_1 = arith.constant 0 : i32
    return %c0_i32, %c0_i32_0 : i32, i32
  }
  func.func @transform_3(%arg0: i32) -> (i32, i32) {
    %c0_i32 = arith.constant 0 : i32
    %c0_i32_0 = arith.constant 0 : i32
    %c0_i32_1 = arith.constant 0 : i32
    return %c0_i32, %c0_i32_0 : i32, i32
  }
  func.func @transform_4(%arg0: i32) -> (i32, i32, i32) {
    %c0_i32 = arith.constant 0 : i32
    %c0_i32_0 = arith.constant 0 : i32
    %c0_i32_1 = arith.constant 0 : i32
    return %c0_i32, %arg0, %c0_i32_0 : i32, i32, i32
  }
  func.func @transform_5(%arg0: i32) -> (i32, i32) {
    %c0_i32 = arith.constant 0 : i32
    %c0_i32_0 = arith.constant 0 : i32
    return %arg0, %c0_i32 : i32, i32
  }
  func.func @transform_6(%arg0: i32) -> (i32, i32) {
    %c0_i32 = arith.constant 0 : i32
    %c0_i32_0 = arith.constant 0 : i32
    return %arg0, %c0_i32 : i32, i32
  }
  func.func @transform_7(%arg0: i32) -> (i32, i32) {
    %c0_i32 = arith.constant 0 : i32
    %c0_i32_0 = arith.constant 0 : i32
    return %arg0, %c0_i32 : i32, i32
  }
  func.func @transform_8(%arg0: i32) -> (i32, i32) {
    %c0_i32 = arith.constant 0 : i32
    %c0_i32_0 = arith.constant 0 : i32
    return %arg0, %c0_i32 : i32, i32
  }
  func.func @transform_9(%arg0: i32) -> (i32, i32) {
    %c0_i32 = arith.constant 0 : i32
    %c0_i32_0 = arith.constant 0 : i32
    return %arg0, %c0_i32 : i32, i32
  }
  func.func @transform_10(%arg0: i32) -> (i32, i32) {
    %c0_i32 = arith.constant 0 : i32
    %c0_i32_0 = arith.constant 0 : i32
    return %arg0, %c0_i32 : i32, i32
  }
  func.func @transform_11(%arg0: i32) -> (i32, i32) {
    %c0_i32 = arith.constant 0 : i32
    %c0_i32_0 = arith.constant 0 : i32
    return %arg0, %c0_i32 : i32, i32
  }
}

module attributes {stable_mosaic.version = 14 : i64} {
  func.func @_comb_body(%arg0: i32, %arg1: memref<2x2000x48xf32, #tpu.memory_space<vmem>>, %arg2: memref<2000x48xf32, #tpu.memory_space<vmem>>, %arg3: memref<2000x48xf32, #tpu.memory_space<vmem>>, %arg4: memref<2000x1xf32, #tpu.memory_space<vmem>>, %arg5: memref<2000x48xf32, #tpu.memory_space<vmem>>) attributes {dimension_semantics = [#tpu.dimension_semantics<arbitrary>], iteration_bounds = array<i64: 5>, scalar_prefetch = 0 : i64, scratch_operands = 0 : i64, tpu.core_type = #tpu.core_type<tc>, window_params = [{transform_indices = @transform_0, window_bounds = array<i64: 2, 2000, 48>}, {transform_indices = @transform_1, window_bounds = array<i64: 2000, 48>}, {transform_indices = @transform_2, window_bounds = array<i64: 2000, 48>}, {transform_indices = @transform_3, window_bounds = array<i64: 2000, 1>}, {transform_indices = @transform_4, window_bounds = array<i64: 2000, 48>}]} {
    %get3A = arith.constant 0 : index
    %get3A_0 = arith.constant 0 : index
    %get3A_1 = vector.load %arg4[%get3A, %get3A_0] : memref<2000x1xf32, #tpu.memory_space<vmem>>, vector<2000x1xf32>
    %get3A_2 = arith.constant 0 : index
    %get3A_3 = arith.constant 0 : index
    %get3A_4 = arith.constant 0 : index
    %get3A_5 = vector.load %arg1[%get3A_2, %get3A_3, %get3A_4] : memref<2x2000x48xf32, #tpu.memory_space<vmem>>, vector<1x2000x48xf32>
    %get3A_6 = vector.shape_cast %get3A_5 : vector<1x2000x48xf32> to vector<2000x48xf32>
    %get3A_7 = arith.constant 1 : index
    %get3A_8 = arith.constant 0 : index
    %get3A_9 = arith.constant 0 : index
    %get3A_10 = vector.load %arg1[%get3A_7, %get3A_8, %get3A_9] : memref<2x2000x48xf32, #tpu.memory_space<vmem>>, vector<1x2000x48xf32>
    %get3A_11 = vector.shape_cast %get3A_10 : vector<1x2000x48xf32> to vector<2000x48xf32>
    %add3A = arith.addf %get3A_6, %get3A_11 : vector<2000x48xf32>
    %get3A_12 = arith.constant 0 : index
    %get3A_13 = arith.constant 0 : index
    %get3A_14 = vector.load %arg2[%get3A_12, %get3A_13] : memref<2000x48xf32, #tpu.memory_space<vmem>>, vector<2000x48xf32>
    %add3A_15 = arith.addf %add3A, %get3A_14 : vector<2000x48xf32>
    %mul3A = vector.broadcast %get3A_1 : vector<2000x1xf32> to vector<2000x48xf32>
    %mul3A_16 = arith.mulf %mul3A, %add3A_15 : vector<2000x48xf32>
    %get3A_17 = arith.constant 0 : index
    %get3A_18 = arith.constant 0 : index
    %get3A_19 = vector.load %arg3[%get3A_17, %get3A_18] : memref<2000x48xf32, #tpu.memory_space<vmem>>, vector<2000x48xf32>
    %add3A_20 = arith.addf %mul3A_16, %get3A_19 : vector<2000x48xf32>
    %swap3A = arith.constant 0 : index
    %swap3A_21 = arith.constant 0 : index
    %swap3A_22 = vector.load %arg5[%swap3A, %swap3A_21] : memref<2000x48xf32, #tpu.memory_space<vmem>>, vector<2000x48xf32>
    tpu.vector_store %arg5[%swap3A, %swap3A_21], %add3A_20 {strides = array<i32>} : memref<2000x48xf32, #tpu.memory_space<vmem>>, vector<2000x48xf32>,
    return
  }
  func.func @transform_0(%arg0: i32) -> (i32, i32, i32) {
    %c0_i32 = arith.constant 0 : i32
    %c0_i32_0 = arith.constant 0 : i32
    %c0_i32_1 = arith.constant 0 : i32
    return %c0_i32, %arg0, %c0_i32_0 : i32, i32, i32
  }
  func.func @transform_1(%arg0: i32) -> (i32, i32) {
    %c0_i32 = arith.constant 0 : i32
    %c0_i32_0 = arith.constant 0 : i32
    return %arg0, %c0_i32 : i32, i32
  }
  func.func @transform_2(%arg0: i32) -> (i32, i32) {
    %c0_i32 = arith.constant 0 : i32
    %c0_i32_0 = arith.constant 0 : i32
    return %arg0, %c0_i32 : i32, i32
  }
  func.func @transform_3(%arg0: i32) -> (i32, i32) {
    %c0_i32 = arith.constant 0 : i32
    %c0_i32_0 = arith.constant 0 : i32
    return %arg0, %c0_i32 : i32, i32
  }
  func.func @transform_4(%arg0: i32) -> (i32, i32) {
    %c0_i32 = arith.constant 0 : i32
    %c0_i32_0 = arith.constant 0 : i32
    return %arg0, %c0_i32 : i32, i32
  }
}

module attributes {stable_mosaic.version = 14 : i64} {
  func.func @_fin_body(%arg0: i32, %arg1: memref<2x2000x48xf32, #tpu.memory_space<vmem>>, %arg2: memref<2000x48xf32, #tpu.memory_space<vmem>>, %arg3: memref<2000x48xf32, #tpu.memory_space<vmem>>, %arg4: memref<2000x1xf32, #tpu.memory_space<vmem>>, %arg5: memref<1x40xf32, #tpu.memory_space<vmem>>, %arg6: memref<2000x40xf32, #tpu.memory_space<vmem>>) attributes {dimension_semantics = [#tpu.dimension_semantics<arbitrary>], iteration_bounds = array<i64: 5>, scalar_prefetch = 0 : i64, scratch_operands = 0 : i64, tpu.core_type = #tpu.core_type<tc>, window_params = [{transform_indices = @transform_0, window_bounds = array<i64: 2, 2000, 48>}, {transform_indices = @transform_1, window_bounds = array<i64: 2000, 48>}, {transform_indices = @transform_2, window_bounds = array<i64: 2000, 48>}, {transform_indices = @transform_3, window_bounds = array<i64: 2000, 1>}, {pipeline_mode = #tpu.pipeline_mode<synchronous>, transform_indices = @transform_4, window_bounds = array<i64: 1, 40>}, {transform_indices = @transform_5, window_bounds = array<i64: 2000, 40>}]} {
    %get3A = arith.constant 0 : index
    %get3A_0 = arith.constant 0 : index
    %get3A_1 = vector.load %arg4[%get3A, %get3A_0] : memref<2000x1xf32, #tpu.memory_space<vmem>>, vector<2000x1xf32>
    %get3A_2 = arith.constant 0 : index
    %get3A_3 = arith.constant 0 : index
    %get3A_4 = arith.constant 0 : index
    %get3A_5 = vector.load %arg1[%get3A_2, %get3A_3, %get3A_4] : memref<2x2000x48xf32, #tpu.memory_space<vmem>>, vector<1x2000x48xf32>
    %get3A_6 = vector.shape_cast %get3A_5 : vector<1x2000x48xf32> to vector<2000x48xf32>
    %get3A_7 = arith.constant 1 : index
    %get3A_8 = arith.constant 0 : index
    %get3A_9 = arith.constant 0 : index
    %get3A_10 = vector.load %arg1[%get3A_7, %get3A_8, %get3A_9] : memref<2x2000x48xf32, #tpu.memory_space<vmem>>, vector<1x2000x48xf32>
    %get3A_11 = vector.shape_cast %get3A_10 : vector<1x2000x48xf32> to vector<2000x48xf32>
    %add3A = arith.addf %get3A_6, %get3A_11 : vector<2000x48xf32>
    %get3A_12 = arith.constant 0 : index
    %get3A_13 = arith.constant 0 : index
    %get3A_14 = vector.load %arg2[%get3A_12, %get3A_13] : memref<2000x48xf32, #tpu.memory_space<vmem>>, vector<2000x48xf32>
    %add3A_15 = arith.addf %add3A, %get3A_14 : vector<2000x48xf32>
    %mul3A = vector.broadcast %get3A_1 : vector<2000x1xf32> to vector<2000x48xf32>
    %mul3A_16 = arith.mulf %mul3A, %add3A_15 : vector<2000x48xf32>
    %get3A_17 = arith.constant 0 : index
    %get3A_18 = arith.constant 0 : index
    %get3A_19 = vector.load %arg3[%get3A_17, %get3A_18] : memref<2000x48xf32, #tpu.memory_space<vmem>>, vector<2000x48xf32>
    %add3A_20 = arith.addf %mul3A_16, %get3A_19 : vector<2000x48xf32>
    %slice3A = vector.extract_strided_slice %add3A_20 {offsets = [0, 0], sizes = [2000, 40], strides = [1, 1]} : vector<2000x48xf32> to vector<2000x40xf32>
    %get3A_21 = arith.constant 0 : index
    %get3A_22 = arith.constant 0 : index
    %get3A_23 = vector.load %arg5[%get3A_21, %get3A_22] : memref<1x40xf32, #tpu.memory_space<vmem>>, vector<1x40xf32>
    %add3A_24 = vector.broadcast %get3A_23 : vector<1x40xf32> to vector<2000x40xf32>
    %add3A_25 = arith.addf %slice3A, %add3A_24 : vector<2000x40xf32>
    %reduce_max3A = arith.constant dense<0xFF800000> : vector<2000xf32>
    %reduce_max3A_26 = vector.multi_reduction <maximumf>, %add3A_25, %reduce_max3A [1] : vector<2000x40xf32> to vector<2000xf32>
    %broadcast_in_dim3A = vector.shape_cast %reduce_max3A_26 : vector<2000xf32> to vector<2000x1xf32>
    %sub3A = vector.broadcast %broadcast_in_dim3A : vector<2000x1xf32> to vector<2000x40xf32>
    %sub3A_27 = arith.subf %add3A_25, %sub3A : vector<2000x40xf32>
    %exp3A = math.exp %sub3A_27 : vector<2000x40xf32>
    %reduce_sum3A = arith.constant dense<0.000000e+00> : vector<2000xf32>
    %reduce_sum3A_28 = vector.multi_reduction <add>, %exp3A, %reduce_sum3A [1] : vector<2000x40xf32> to vector<2000xf32>
    %broadcast_in_dim3A_29 = vector.shape_cast %reduce_sum3A_28 : vector<2000xf32> to vector<2000x1xf32>
    %log3A = math.log %broadcast_in_dim3A_29 : vector<2000x1xf32>
    %sub3A_30 = vector.broadcast %broadcast_in_dim3A : vector<2000x1xf32> to vector<2000x40xf32>
    %sub3A_31 = arith.subf %add3A_25, %sub3A_30 : vector<2000x40xf32>
    %sub3A_32 = vector.broadcast %log3A : vector<2000x1xf32> to vector<2000x40xf32>
    %sub3A_33 = arith.subf %sub3A_31, %sub3A_32 : vector<2000x40xf32>
    %swap3A = arith.constant 0 : index
    %swap3A_34 = arith.constant 0 : index
    %swap3A_35 = vector.load %arg6[%swap3A, %swap3A_34] : memref<2000x40xf32, #tpu.memory_space<vmem>>, vector<2000x40xf32>
    tpu.vector_store %arg6[%swap3A, %swap3A_34], %sub3A_33 {strides = array<i32>} : memref<2000x40xf32, #tpu.memory_space<vmem>>, vector<2000x40xf32>,
    return
  }
  func.func @transform_0(%arg0: i32) -> (i32, i32, i32) {
    %c0_i32 = arith.constant 0 : i32
    %c0_i32_0 = arith.constant 0 : i32
    %c0_i32_1 = arith.constant 0 : i32
    return %c0_i32, %arg0, %c0_i32_0 : i32, i32, i32
  }
  func.func @transform_1(%arg0: i32) -> (i32, i32) {
    %c0_i32 = arith.constant 0 : i32
    %c0_i32_0 = arith.constant 0 : i32
    return %arg0, %c0_i32 : i32, i32
  }
  func.func @transform_2(%arg0: i32) -> (i32, i32) {
    %c0_i32 = arith.constant 0 : i32
    %c0_i32_0 = arith.constant 0 : i32
    return %arg0, %c0_i32 : i32, i32
  }
  func.func @transform_3(%arg0: i32) -> (i32, i32) {
    %c0_i32 = arith.constant 0 : i32
    %c0_i32_0 = arith.constant 0 : i32
    return %arg0, %c0_i32 : i32, i32
  }
  func.func @transform_4(%arg0: i32) -> (i32, i32) {
    %c0_i32 = arith.constant 0 : i32
    %c0_i32_0 = arith.constant 0 : i32
    %c0_i32_1 = arith.constant 0 : i32
    return %c0_i32, %c0_i32_0 : i32, i32
  }
  func.func @transform_5(%arg0: i32) -> (i32, i32) {
    %c0_i32 = arith.constant 0 : i32
    %c0_i32_0 = arith.constant 0 : i32
    return %arg0, %c0_i32 : i32, i32
  }
}

</mosaic_0001>

<sc_bundles>
// kernel: kernel.12.cloned.1.call-start
scs
__scs_entry_jumppad:
0x0: {  	(pc) =	sbr.rel $0x88, $3  }
0x1: {  	(tag) =	ssettag $0x0;
	lr =	simm.s32 $0x1  }
0x2: {  	[smem:$0x3F9A] =	sst lr;
	_ =	strace $0xD0000000  }
0x3: {  	_ = 	snop  }
0x4: {  	_ = 	snop  }
0x5: {  	_ = 	snop  }
0x6: {  	_ = 	snop  }
0x7: {  	_ = 	snop  }
__scs_overlays_trampoline_lowered:
0x8: {  	[smem:$0x3FA9] =	sst s0  }
0x9: {  	[smem:$0x3FAA] =	sst s1  }
0xa: {  	[smem:$0x3FAB] =	sst s2  }
0xb: {  	[smem:$0x3FAC] =	sst s3  }
0xc: {  	[smem:$0x3FAD] =	sst s4  }
0xd: {  	[smem:$0x3FAE] =	sst s5  }
0xe: {  	[smem:$0x3FAF] =	sst s6  }
0xf: {  	[smem:$0x3FB0] =	sst s7  }
0x10: {  	[smem:$0x3FB1] =	sst s8  }
0x11: {  	[smem:$0x3FB2] =	sst s9;
	s0 =	simm.s32 @!p0 $0x0  }
0x12: {  	s1 =	sld [smem:$0x3F98];
	s0 =	simm.s32 @p0 $0x1  }
0x13: {  	[smem:$0x3FB3] =	sst s0;
	s0 =	simm.s32 @!p1 $0x0  }
0x14: {  	s2 =	sld [smem:$0x3F97];
	s0 =	simm.s32 @p1 $0x1  }
0x15: {  	[smem:$0x3FB4] =	sst s0;
	s0 =	simm.s32 @!p2 $0x0  }
0x16: {  	s3 =	sld [smem:$0x3FDB];
	s0 =	simm.s32 @p2 $0x1  }
0x17: {  	s4 =	simm.s32 $0x1BF5;
	[smem:$0x3FB6] =	sst s0  }
0x18: {  	s0 =	sld [smem:$0x3F99];
	_ =	swait.ge [sflag:s4], $0x0  }
0x19: {  	s7 =	sld [smem:$0x3F9A]  }
0x1a: {  	s8 =	sadd.s32 $0xFFFFE003, lr  }
0x1b: {  	s9 =	sadd.s32 $0xFFFFFEF7, lr;
	s5 =	simm.s32 $0xFFFFFFFF;
	p2 =	slt.u32 s8, $0xFFFFF086  }
0x1c: {  	p1 =	slt.u32 s9, $0xF7A;
	s5 =	simm.s32 @!p2 $0x0  }
0x1d: {  	s5 =	simm.s32 @p1 $0x1;
	p0 =	seq.s32 s7, s2  }
0x1e: {  	s7 =	smul.u32 @!p0 $0xF7A, s2;
	p2 =	seq.s32 @!p0 s5, $0x0  }
0x1f: {  	s9 =	smul.u32 $0xF7A, s1;
	s8 =	simm.s32 @!p0 $0x1BF5;
	p2 =	por !p2, p0  }
0x20: {  	[sflag:s8] =	ssyncset.s32 @!p0 $0xFFFFF086;
	s6 =	sadd.s32 @!p0 s3, s7;
	s7 =	simm.s32 @!p0 $0x108  }
0x21: {  	s3 =	sadd.s32 s3, s9;
	s6 =	sadd.s32 @!p0 $0x88, s6;
	s7 =	simm.s32 @p2 $0x1082  }
0x22: {  	[simem:s7], [sflag:s8] =	dma.local @!p0 [hbm:s6], $0xF7A  }
0x23: {  	s9 =	sor.u32 $0xD0000000, s2;
	s6 =	simm.s32 $0x108;
	_ =	swait.ge @!p0 [sflag:s8], $0x0  }
0x24: {  	s3 =	sadd.s32 $0x88, s3;
	s6 =	simm.s32 @!p1 $0x1082;
	[sflag:s4] =	ssyncset.s32 $0xFFFFF086  }
0x25: {  	[simem:s6], [sflag:s4] =	dma.local [hbm:s3], $0xF7A  }
0x26: {  	[smem:$0x3F9A] =	sst s1;
	(tag) =	ssettag s2;
	_ =	strace s9  }
0x27: {  	s1 =	sld [smem:$0x3FAA]  }
0x28: {  	s2 =	sld [smem:$0x3FAB]  }
0x29: {  	s4 =	sld [smem:$0x3FAD]  }
0x2a: {  	p0 =	seq.s32 s5, $0x0;
	s5 =	sld [smem:$0x3FAE]  }
0x2b: {  	s6 =	sld [smem:$0x3FAF]  }
0x2c: {  	s7 =	sld [smem:$0x3FB0]  }
0x2d: {  	s3 =	simm.s32 $0x108;
	s8 =	sld [smem:$0x3FB1]  }
0x2e: {  	s3 =	simm.s32 @!p0 $0x1082;
	s9 =	sld [smem:$0x3FB2]  }
0x2f: {  	lr =	sadd.s32 s0, s3;
	s0 =	sld [smem:$0x3FA9]  }
0x30: {  	s3 =	sld [smem:$0x3FAC]  }
0x31: {  	[smem:$0x3FB5] =	sst s10  }
0x32: {  	s10 =	sld [smem:$0x3FB3];
	_ =	sdelay $0x3  }
0x33: {  	p0 =	seq.s32 s10, $0x1;
	s10 =	sld [smem:$0x3FB5];
	_ =	sdelay $0x3  }
0x34: {  	[smem:$0x3FB5] =	sst s10  }
0x35: {  	s10 =	sld [smem:$0x3FB4];
	_ =	sdelay $0x3  }
0x36: {  	p1 =	seq.s32 s10, $0x1;
	s10 =	sld [smem:$0x3FB5];
	_ =	sdelay $0x3  }
0x37: {  	[smem:$0x3FB5] =	sst s10  }
0x38: {  	s10 =	sld [smem:$0x3FB6]  }
0x39: {  	_ = 	snop;
	(pc) =	sbr.ind lr, $3  }
0x3a: {  	_ = 	snop  }
0x3b: {  	_ = 	snop  }
0x3c: {  	p2 =	seq.s32 s10, $0x1;
	s10 =	sld [smem:$0x3FB5]  }
0x3d: {  	_ =	shalt  }
0x3e: {  	_ =	shalt  }
0x3f: {  	_ =	shalt  }
0x40: {  	_ =	shalt  }
0x41: {  	_ =	shalt  }
0x42: {  	_ =	shalt  }
0x43: {  	_ =	shalt  }
0x44: {  	_ =	shalt  }
0x45: {  	_ =	shalt  }
0x46: {  	_ =	shalt  }
0x47: {  	_ =	shalt  }
0x48: {  	_ =	shalt  }
0x49: {  	_ =	shalt  }
0x4a: {  	_ =	shalt  }
0x4b: {  	_ =	shalt  }
0x4c: {  	_ =	shalt  }
0x4d: {  	_ =	shalt  }
0x4e: {  	_ =	shalt  }
0x4f: {  	_ =	shalt  }
0x50: {  	_ =	shalt  }
0x51: {  	_ =	shalt  }
0x52: {  	_ =	shalt  }
0x53: {  	_ =	shalt  }
0x54: {  	_ =	shalt  }
0x55: {  	_ =	shalt  }
0x56: {  	_ =	shalt  }
0x57: {  	_ =	shalt  }
0x58: {  	_ =	shalt  }
0x59: {  	_ =	shalt  }
0x5a: {  	_ =	shalt  }
0x5b: {  	_ =	shalt  }
0x5c: {  	_ =	shalt  }
0x5d: {  	_ =	shalt  }
0x5e: {  	_ =	shalt  }
0x5f: {  	_ =	shalt  }
0x60: {  	_ =	shalt  }
0x61: {  	_ =	shalt  }
0x62: {  	_ =	shalt  }
0x63: {  	_ =	shalt  }
0x64: {  	_ =	shalt  }
0x65: {  	_ =	shalt  }
0x66: {  	_ =	shalt  }
0x67: {  	_ =	shalt  }
0x68: {  	_ =	shalt  }
0x69: {  	_ =	shalt  }
0x6a: {  	_ =	shalt  }
0x6b: {  	_ =	shalt  }
0x6c: {  	_ =	shalt  }
0x6d: {  	_ =	shalt  }
0x6e: {  	_ =	shalt  }
0x6f: {  	_ =	shalt  }
0x70: {  	_ =	shalt  }
0x71: {  	_ =	shalt  }
0x72: {  	_ =	shalt  }
0x73: {  	_ =	shalt  }
0x74: {  	_ =	shalt  }
0x75: {  	_ =	shalt  }
0x76: {  	_ =	shalt  }
0x77: {  	_ =	shalt  }
0x78: {  	_ =	shalt  }
0x79: {  	_ =	shalt  }
0x7a: {  	_ =	shalt  }
0x7b: {  	_ =	shalt  }
0x7c: {  	_ =	shalt  }
0x7d: {  	_ =	shalt  }
0x7e: {  	_ =	shalt  }
0x7f: {  	_ =	shalt  }
0x80: {  	_ =	shalt  }
0x81: {  	_ =	shalt  }
0x82: {  	_ =	shalt  }
0x83: {  	_ =	shalt  }
0x84: {  	_ =	shalt  }
0x85: {  	_ =	shalt  }
0x86: {  	_ =	shalt  }
0x87: {  	_ =	shalt  }
.Lfunc_end0:
.L_simem_size_0:
called_computation_lowered:
.L_overlay_start_0:
0x88: {  	s2 =	sld [smem:$0x3FD9]  }
0x89: {  	s3 =	sld [smem:$0x3FFE];
	_ =	sdelay $0x1  }
0x8a: {  	s1 =	srdreg.scid  }
0x8b: {  	s0 =	sand.u32 $0x1, s1  }
0x8c: {  	s17 =	sshll.u32 s0, $0xA;
	s2 =	sadd.s32 s3, s2  }
0x8d: {  	s2 =	sadd.s32 s2, s17  }
0x8e: {  	[smem:$0x3FC1] =	sst s2  }
0x8f: {  	_ = 	snop  }
0x90: {  	s2 =	sld [smem:$0x3FD0];
	(tm) =	ssettm $0x1  }
0x91: {  	s18 =	sld [smem:$0x3FFB];
	_ =	sdelay $0x3  }
0x92: {  	_ =	strace s18  }
0x93: {  	s3 =	sld [smem:$0x3FFC];
	_ =	sdelay $0x3  }
0x94: {  	_ =	strace s3  }
0x95: {  	s3 =	sld [smem:$0x3FFD];
	_ =	sdelay $0x3  }
0x96: {  	_ =	strace s3  }
0x97: {  	_ =	strace $0x8FFFFFFF  }
0x98: {  	s19 =	sld [smem:$0x3FDB];
	_ =	sdelay $0x1  }
0x99: {  	s4 =	simm.s32 $_scs_section_size  }
0x9a: {  	s5 =	simm.s32 $_size__tile_overlayer_lowered;
	s6 =	simm.s32 $_tile_overlayer_lowered  }
0x9b: {  	s22 =	simm.s32 $0x1BFF;
	s21 =	sshll.u32 s6, $0x1;
	s3 =	sadd.s32 s4, s19  }
0x9c: {  	s7 =	simm.s32 $0x0;
	s20 =	sshll.u32 s5, $0x1;
	s5 =	sadd.s32 s21, s3  }
0x9d: {  	[timem:s7], [sflag:s22] =	dma.local [hbm:s5], s20  }
0x9e: {  	_ =	swait.ge [sflag:s22], s20  }
0x9f: {  	s4 =	ssub.s32 $0x0, s20;
	[sflag:s22] =	ssyncset.done $0x0  }
0xa0: {  	[sflag:s22] =	ssyncadd.s32 s4;
	_ =	sdelay $0x1  }
0xa1: {  	s23 =	simm.s32 $0x1B8B  }
0xa2: {  	_ =	swait.ge [sflag:s23], $0x1  }
0xa3: {  	[sflag:s23] =	ssyncset.done $0x0  }
0xa4: {  	s25 =	simm.s32 $0x1B8E;
	s24 =	sld [smem:$0x3FFE];
	[sflag:s23] =	ssyncadd.s32 $0xFFFFFFFF  }
0xa5: {  	s26 =	simm.s32 $execute0_lowered;
	[smem:$0x3FD2] =	sst s25  }
0xa6: {  	s5 =	sshll.u32 s26, $0x1;
	_ =	strace $0x80000046;
	[dreg:$0x1] =	wrdreg $0xFFFFFFFF  }
0xa7: {  	s28 =	simm.s32 $_size_execute0_lowered;
	s3 =	sadd.s32 s3, s5;
	[dreg:$0x0] =	wrdreg $0x0  }
0xa8: {  	s5 =	sshll.u32 s28, $0x1;
	[dreg:$0x2] =	wrdreg s3  }
0xa9: {  	[dreg:$0x3] =	wrdreg s5  }
0xaa: {  	[dreg:$0x4] =	wrdreg $0xC0  }
0xab: {  	_ =	task [dreg:s7], $0x5FFFF  }
0xac: {  	[dreg:$0x1] =	wrdreg $0xFFFFFFFF  }
0xad: {  	[dreg:$0x0] =	wrdreg $0x60  }
0xae: {  	[dreg:$0x2] =	wrdreg s24  }
0xaf: {  	[dreg:$0x3] =	wrdreg s2  }
0xb0: {  	[dreg:$0x4] =	wrdreg $0x34000  }
0xb1: {  	[dreg:$0x5] =	wrdreg $0x9  }
0xb2: {  	_ =	task.clear_ibuf [dreg:s7], $0x6FFFF;
	_ =	strace $0x90000046  }
0xb3: {  	s29 =	simm.s32 $0x9;
	_ =	strace $0x80000048  }
0xb4: {  	_ =	swait.ge [sflag:s29], $0x1  }
0xb5: {  	[sflag:s29] =	ssyncadd.s32 $0xFFFFFFFF  }
0xb6: {  	_ =	strace $0x90000048  }
0xb7: {  	_ =	sfence  }
0xb8: {  	s30 =	sld [smem:$0x0];
	_ =	sdelay $0x2  }
0xb9: {  	s31 =	sshll.u32 s1, $0xD;
	s1 =	sshrl.u32 s1, $0x2  }
0xba: {  	s3 =	sand.u32 $0x4000, s31;
	s1 =	sadd.s32 s1, s30  }
0xbb: {  	s0 =	sor.u32 s3, s0;
	s1 =	sshll.u32 s1, $0x11  }
0xbc: {  	s0 =	sor.u32 s1, s0  }
0xbd: {  	s0 =	sadd.s32 $0x8F2B, s0  }
0xbe: {  	[sflag:s0] =	ssyncadd.remote.s32 $0x1  }
0xbf: {  	_ =	sfence.sel $0xFFFF  }
0xc0: {  	[dreg:$0x0] =	wrdreg $0xFFFFFFFF;
	(pc) =	sbr.abs _section_cstart, $3  }
0xc1: {  	[dreg:$0x1] =	wrdreg $0xFFFFFFFF  }
0xc2: {  	_ =	task.clear_ibuf [dreg:s7], $0x2FFFF;
	_ =	strace $0x9FFFFFFF  }
0xc3: {  	(tm) =	ssettm $0x7FFFFFFF  }
tec
execute0_lowered:
.L_overlay_start_1:
0x0: {  	(tag) =	ssettag $0x1  }
0x1: {  	s10 =	rddreg [dreg:$0x0]  }
0x2: {  	s20 =	rddreg [dreg:$0x1]  }
0x3: {  	s2 =	rddreg [dreg:$0x2]  }
0x4: {  	s0 =	rddreg [dreg:$0x3];
	s1 =	stileid.u32  }
0x5: {  	s3 =	simm.s32 $0x0;
	s4 =	srdreg.scid;
	s21 =	smul.u32 $0x2800, s1  }
0x6: {  	[smem:$0x7FF] =	sst s3;
	s22 =	sand.u32 $0x1, s4;
	s4 =	sadd.s32 $0xAE00, s10  }
0x7: {  	s5 =	sshll.u32 s1, $0x6;
	_ =	strace $0x80000047;
	s6 =	sadd.s32 s21, s2  }
0x8: {  	s5 =	sor.u32 $0x1C01, s5;
	s7 =	sshrl.u32 s6, $0x3;
	s6 =	simm.s32 $0x1  }
0x9: {  	[spmem:s7], [sflag:s5] =	dma.local [hbm:s4], $0x500  }
0xa: {  	s8 =	sshll.u32 s22, $0x4;
	_ =	swait.ge [sflag:s6], $0x500  }
0xb: {  	s9 =	simm.s32 $0x1400;
	s8 =	sor.u32 s1, s8;
	[sflag:s6] =	ssyncset.done $0x0  }
0xc: {  	s11 =	smul.u32 $0x280, s8;
	s8 =	sadd.s32 $0xAA00, s10;
	[sflag:s6] =	ssyncadd.s32 $0xFFFFFB00  }
0xd: {  	[tilespmem:s9], [sflag:$0x1] =	stream.linear.gather [hbm4b:s8+s3], $0x2000, $0x38;
	[tilespmem:$0x5C00] =	vst v63  }
0xe: {  	_ =	swait.ge [sflag:s6], $0x2000  }
0xf: {  	s10 =	sadd.s32 s11, s10;
	[sflag:s6] =	ssyncset.done $0x0  }
0x10: {  	s10 =	sadd.s32 $0x5A00, s10;
	[sflag:s6] =	ssyncadd.s32 $0xFFFFE000  }
0x11: {  	[tilespmem:s3], [sflag:$0x1] =	stream.linear.gather [hbm4b:s10+s3], $0x1400, $0x38;
	[tilespmem:$0x5C00] =	vst v63  }
0x12: {  	_ =	swait.ge [sflag:s6], $0x1400  }
0x13: {  	[sflag:s6] =	ssyncset.done $0x0  }
0x14: {  	[sflag:s6] =	ssyncadd.s32 $0xFFFFEC00  }
0x15: {  	s11 =	simm.s32 $0x200;
	[bflag:$0x0] =	sbarrier.arrive $0xFFFF  }
0x16: {  	[spmem:s2] =	stream.indirect.scatter.add.f32 [tilespmem:s9], [sflag:$0x1], $0x10, s3, s11, $0xb8;
	[tilespmem:$0x5C00] =	vst v63  }
0x17: {  	_ =	swait.ge [sflag:s6], $0x2000  }
0x18: {  	[sflag:s6] =	ssyncset.done $0x0  }
0x19: {  	[sflag:s6] =	ssyncadd.s32 $0xFFFFE000  }
0x1a: {  	[spmem:s2] =	stream.indirect.scatter.add.f32 [tilespmem:s9], [sflag:$0x1], $0x10, s11, s11, $0xb8;
	[tilespmem:$0x5C00] =	vst v63  }
0x1b: {  	_ =	swait.ge [sflag:s6], $0x2000  }
0x1c: {  	[sflag:s6] =	ssyncset.done $0x0  }
0x1d: {  	s12 =	simm.s32 $0x400;
	[sflag:s6] =	ssyncadd.s32 $0xFFFFE000  }
0x1e: {  	[spmem:s2] =	stream.indirect.scatter.add.f32 [tilespmem:s9], [sflag:$0x1], $0x10, s12, s11, $0xb8;
	[tilespmem:$0x5C00] =	vst v63  }
0x1f: {  	_ =	swait.ge [sflag:s6], $0x2000  }
0x20: {  	[sflag:s6] =	ssyncset.done $0x0  }
0x21: {  	s13 =	simm.s32 $0x600;
	[sflag:s6] =	ssyncadd.s32 $0xFFFFE000  }
0x22: {  	[spmem:s2] =	stream.indirect.scatter.add.f32 [tilespmem:s9], [sflag:$0x1], $0x10, s13, s11, $0xb8;
	[tilespmem:$0x5C00] =	vst v63  }
0x23: {  	_ =	swait.ge [sflag:s6], $0x2000  }
0x24: {  	[sflag:s6] =	ssyncset.done $0x0  }
0x25: {  	s14 =	simm.s32 $0x800;
	[sflag:s6] =	ssyncadd.s32 $0xFFFFE000  }
0x26: {  	[spmem:s2] =	stream.indirect.scatter.add.f32 [tilespmem:s9], [sflag:$0x1], $0x10, s14, s11, $0xb8;
	[tilespmem:$0x5C00] =	vst v63  }
0x27: {  	_ =	swait.ge [sflag:s6], $0x2000  }
0x28: {  	[sflag:s6] =	ssyncset.done $0x0  }
0x29: {  	s15 =	simm.s32 $0xA00;
	[sflag:s6] =	ssyncadd.s32 $0xFFFFE000  }
0x2a: {  	[spmem:s2] =	stream.indirect.scatter.add.f32 [tilespmem:s9], [sflag:$0x1], $0x10, s15, s11, $0xb8;
	[tilespmem:$0x5C00] =	vst v63  }
0x2b: {  	_ =	swait.ge [sflag:s6], $0x2000  }
0x2c: {  	[sflag:s6] =	ssyncset.done $0x0  }
0x2d: {  	s16 =	simm.s32 $0xC00;
	[sflag:s6] =	ssyncadd.s32 $0xFFFFE000  }
0x2e: {  	[spmem:s2] =	stream.indirect.scatter.add.f32 [tilespmem:s9], [sflag:$0x1], $0x10, s16, s11, $0xb8;
	[tilespmem:$0x5C00] =	vst v63  }
0x2f: {  	_ =	swait.ge [sflag:s6], $0x2000  }
0x30: {  	[sflag:s6] =	ssyncset.done $0x0  }
0x31: {  	s17 =	simm.s32 $0xE00;
	[sflag:s6] =	ssyncadd.s32 $0xFFFFE000  }
0x32: {  	[spmem:s2] =	stream.indirect.scatter.add.f32 [tilespmem:s9], [sflag:$0x1], $0x10, s17, s11, $0xb8;
	[tilespmem:$0x5C00] =	vst v63  }
0x33: {  	_ =	swait.ge [sflag:s6], $0x2000  }
0x34: {  	[sflag:s6] =	ssyncset.done $0x0  }
0x35: {  	s18 =	simm.s32 $0x1000;
	[sflag:s6] =	ssyncadd.s32 $0xFFFFE000  }
0x36: {  	[spmem:s2] =	stream.indirect.scatter.add.f32 [tilespmem:s9], [sflag:$0x1], $0x10, s18, s11, $0xb8;
	[tilespmem:$0x5C00] =	vst v63  }
0x37: {  	s23 =	smul.u32 $0x28000, s22;
	s22 =	ssub.s32 $0x2, s22;
	_ =	swait.ge [sflag:s6], $0x2000  }
0x38: {  	s30 =	sshrl.u32 s22, $0x1;
	[sflag:s6] =	ssyncset.done $0x0  }
0x39: {  	s19 =	simm.s32 $0x1200;
	s22 =	ssub.s32 s22, s30;
	[sflag:s6] =	ssyncadd.s32 $0xFFFFE000  }
0x3a: {  	[spmem:s2] =	stream.indirect.scatter.add.f32 [tilespmem:s9], [sflag:$0x1], $0x10, s19, s11, $0xb8;
	[tilespmem:$0x5C00] =	vst v63  }
0x3b: {  	s31 =	smax.u32 s22, $0x1;
	_ =	swait.ge [sflag:s6], $0x2000  }
0x3c: {  	s21 =	sadd.s32 s21, s23;
	p0 =	sne.s32 s31, $0x1;
	[sflag:s6] =	ssyncset.done $0x0  }
.Ltmp0:
0x3d: {  	s21 =	sshrl.u32 s21, $0x3;
	[sflag:s6] =	ssyncadd.s32 $0xFFFFE000;
	(pc) =	sbr.rel @!p0 .LBB2_2-.Ltmp0, $4  }
0x3e: {  	s20 =	sadd.s32 s20, s21;
	[bflag:$0x0] =	sbarrier.arrive $0xFFFF  }
0x3f: {  	[hbm:s20], [sflag:s5] =	dma.local [spmem:s7], $0x500  }
0x40: {  	_ =	swait.ge [sflag:s6], $0x500  }
0x41: {  	s21 =	sadd.s32 $0xFFFFFFFF, s31;
	[sflag:s6] =	ssyncset.done $0x0  }
.LBB2_1:
0x42: {  	p0 =	sne.s32 s21, $0x1;
	s21 =	sadd.s32 $0xFFFFFFFF, s21;
	[sflag:s6] =	ssyncadd.s32 $0xFFFFFB00  }
0x43: {  	[spmem:s7], [sflag:s5] =	dma.local [hbm:s4], $0x500  }
0x44: {  	_ =	swait.ge [sflag:s6], $0x500  }
0x45: {  	[sflag:s6] =	ssyncset.done $0x0  }
0x46: {  	[sflag:s6] =	ssyncadd.s32 $0xFFFFFB00  }
0x47: {  	[tilespmem:s9], [sflag:$0x1] =	stream.linear.gather [hbm4b:s8+s3], $0x2000, $0x38;
	[tilespmem:$0x5C00] =	vst v63  }
0x48: {  	_ =	swait.ge [sflag:s6], $0x2000  }
0x49: {  	[sflag:s6] =	ssyncset.done $0x0  }
0x4a: {  	[sflag:s6] =	ssyncadd.s32 $0xFFFFE000  }
0x4b: {  	[tilespmem:s3], [sflag:$0x1] =	stream.linear.gather [hbm4b:s10+s3], $0x1400, $0x38;
	[tilespmem:$0x5C00] =	vst v63  }
0x4c: {  	_ =	swait.ge [sflag:s6], $0x1400  }
0x4d: {  	[sflag:s6] =	ssyncset.done $0x0  }
0x4e: {  	[sflag:s6] =	ssyncadd.s32 $0xFFFFEC00  }
0x4f: {  	[bflag:$0x0] =	sbarrier.arrive $0xFFFF  }
0x50: {  	[spmem:s2] =	stream.indirect.scatter.add.f32 [tilespmem:s9], [sflag:$0x1], $0x10, s3, s11, $0xb8;
	[tilespmem:$0x5C00] =	vst v63  }
0x51: {  	_ =	swait.ge [sflag:s6], $0x2000  }
0x52: {  	[sflag:s6] =	ssyncset.done $0x0  }
0x53: {  	[sflag:s6] =	ssyncadd.s32 $0xFFFFE000  }
0x54: {  	[spmem:s2] =	stream.indirect.scatter.add.f32 [tilespmem:s9], [sflag:$0x1], $0x10, s11, s11, $0xb8;
	[tilespmem:$0x5C00] =	vst v63  }
0x55: {  	_ =	swait.ge [sflag:s6], $0x2000  }
0x56: {  	[sflag:s6] =	ssyncset.done $0x0  }
0x57: {  	[sflag:s6] =	ssyncadd.s32 $0xFFFFE000  }
0x58: {  	[spmem:s2] =	stream.indirect.scatter.add.f32 [tilespmem:s9], [sflag:$0x1], $0x10, s12, s11, $0xb8;
	[tilespmem:$0x5C00] =	vst v63  }
0x59: {  	_ =	swait.ge [sflag:s6], $0x2000  }
0x5a: {  	[sflag:s6] =	ssyncset.done $0x0  }
0x5b: {  	[sflag:s6] =	ssyncadd.s32 $0xFFFFE000  }
0x5c: {  	[spmem:s2] =	stream.indirect.scatter.add.f32 [tilespmem:s9], [sflag:$0x1], $0x10, s13, s11, $0xb8;
	[tilespmem:$0x5C00] =	vst v63  }
0x5d: {  	_ =	swait.ge [sflag:s6], $0x2000  }
0x5e: {  	[sflag:s6] =	ssyncset.done $0x0  }
0x5f: {  	[sflag:s6] =	ssyncadd.s32 $0xFFFFE000  }
0x60: {  	[spmem:s2] =	stream.indirect.scatter.add.f32 [tilespmem:s9], [sflag:$0x1], $0x10, s14, s11, $0xb8;
	[tilespmem:$0x5C00] =	vst v63  }
0x61: {  	_ =	swait.ge [sflag:s6], $0x2000  }
0x62: {  	[sflag:s6] =	ssyncset.done $0x0  }
0x63: {  	[sflag:s6] =	ssyncadd.s32 $0xFFFFE000  }
0x64: {  	[spmem:s2] =	stream.indirect.scatter.add.f32 [tilespmem:s9], [sflag:$0x1], $0x10, s15, s11, $0xb8;
	[tilespmem:$0x5C00] =	vst v63  }
0x65: {  	_ =	swait.ge [sflag:s6], $0x2000  }
0x66: {  	[sflag:s6] =	ssyncset.done $0x0  }
0x67: {  	[sflag:s6] =	ssyncadd.s32 $0xFFFFE000  }
0x68: {  	[spmem:s2] =	stream.indirect.scatter.add.f32 [tilespmem:s9], [sflag:$0x1], $0x10, s16, s11, $0xb8;
	[tilespmem:$0x5C00] =	vst v63  }
0x69: {  	_ =	swait.ge [sflag:s6], $0x2000  }
0x6a: {  	[sflag:s6] =	ssyncset.done $0x0  }
0x6b: {  	[sflag:s6] =	ssyncadd.s32 $0xFFFFE000  }
0x6c: {  	[spmem:s2] =	stream.indirect.scatter.add.f32 [tilespmem:s9], [sflag:$0x1], $0x10, s17, s11, $0xb8;
	[tilespmem:$0x5C00] =	vst v63  }
0x6d: {  	_ =	swait.ge [sflag:s6], $0x2000  }
0x6e: {  	[sflag:s6] =	ssyncset.done $0x0  }
0x6f: {  	[sflag:s6] =	ssyncadd.s32 $0xFFFFE000  }
0x70: {  	[spmem:s2] =	stream.indirect.scatter.add.f32 [tilespmem:s9], [sflag:$0x1], $0x10, s18, s11, $0xb8;
	[tilespmem:$0x5C00] =	vst v63  }
0x71: {  	_ =	swait.ge [sflag:s6], $0x2000  }
0x72: {  	[sflag:s6] =	ssyncset.done $0x0  }
0x73: {  	[sflag:s6] =	ssyncadd.s32 $0xFFFFE000  }
0x74: {  	[spmem:s2] =	stream.indirect.scatter.add.f32 [tilespmem:s9], [sflag:$0x1], $0x10, s19, s11, $0xb8;
	[tilespmem:$0x5C00] =	vst v63  }
0x75: {  	_ =	swait.ge [sflag:s6], $0x2000  }
0x76: {  	[sflag:s6] =	ssyncset.done $0x0  }
.Ltmp1:
0x77: {  	[sflag:s6] =	ssyncadd.s32 $0xFFFFE000;
	(pc) =	sbr.rel @p0 .LBB2_1-.Ltmp1, $4  }
0x78: {  	[bflag:$0x0] =	sbarrier.arrive $0xFFFF  }
0x79: {  	[hbm:s20], [sflag:s5] =	dma.local [spmem:s7], $0x500  }
0x7a: {  	_ =	swait.ge [sflag:s6], $0x500  }
0x7b: {  	[sflag:s6] =	ssyncset.done $0x0  }
.LBB2_2:
0x7c: {  	[sflag:s6] =	ssyncadd.s32 $0xFFFFFB00  }
0x7d: {  	_ =	sfence.sel $0x180000  }
0x7e: {  	[bflag:$0x0] =	sbarrier.arrive $0xFFFF  }
0x7f: {  	p0 =	sne.s32 s1, $0x0;
	_ =	strace $0x90000047  }
0x80: {  	s0 =	sadd.s32 @!p0 $0x100000, s0;
	[bflag:$0x2] =	sbarrier.arrive $0xFFFF  }
0x81: {  	[sflag:s0] =	ssyncadd.tile.s32 @!p0 $0x1;
	_ =	shalt  }
.Lfunc_end2:
_tile_overlayer_lowered:
.L_overlay_start_2:
0x82: {  	(tag) =	ssettag $0x2  }
0x83: {  	s0 =	rddreg [dreg:$0x0];
	s2 =	stileid.u32  }
0x84: {  	s1 =	rddreg [dreg:$0x1];
	p0 =	sne.s32 s2, $0x0  }
0x85: {  	s3 =	rddreg [dreg:$0x2];
	[bflag:$0x3] =	sbarrier.arrive $0xFFFF;
	s2 =	simm.s32 @!p0 $0x1C01  }
0x86: {  	[timem:s3], [sflag:s2] =	dma.local @!p0 [hbm:s0], s1  }
0x87: {  	s0 =	simm.s32 @!p0 $0x1  }
0x88: {  	_ =	swait.ge @!p0 [sflag:s0], s1  }
0x89: {  	s1 =	ssub.s32 @!p0 $0x0, s1;
	[sflag:s0] =	ssyncset.done @!p0 $0x0  }
0x8a: {  	[sflag:s0] =	ssyncadd.s32 @!p0 s1  }
0x8b: {  	[bflag:$0x3] =	sbarrier.arrive $0xFFFF  }
0x8c: {  	_ =	shalt  }

// kernel: kernel.15.cloned.1.call-start
scs
__scs_entry_jumppad:
0x0: {  	(pc) =	sbr.rel $0x88, $3  }
0x1: {  	(tag) =	ssettag $0x0;
	lr =	simm.s32 $0x1  }
0x2: {  	[smem:$0x3F9A] =	sst lr;
	_ =	strace $0xD0000000  }
0x3: {  	_ = 	snop  }
0x4: {  	_ = 	snop  }
0x5: {  	_ = 	snop  }
0x6: {  	_ = 	snop  }
0x7: {  	_ = 	snop  }
__scs_overlays_trampoline_lowered:
0x8: {  	[smem:$0x3FA9] =	sst s0  }
0x9: {  	[smem:$0x3FAA] =	sst s1  }
0xa: {  	[smem:$0x3FAB] =	sst s2  }
0xb: {  	[smem:$0x3FAC] =	sst s3  }
0xc: {  	[smem:$0x3FAD] =	sst s4  }
0xd: {  	[smem:$0x3FAE] =	sst s5  }
0xe: {  	[smem:$0x3FAF] =	sst s6  }
0xf: {  	[smem:$0x3FB0] =	sst s7  }
0x10: {  	[smem:$0x3FB1] =	sst s8  }
0x11: {  	[smem:$0x3FB2] =	sst s9;
	s0 =	simm.s32 @!p0 $0x0  }
0x12: {  	s1 =	sld [smem:$0x3F98];
	s0 =	simm.s32 @p0 $0x1  }
0x13: {  	[smem:$0x3FB3] =	sst s0;
	s0 =	simm.s32 @!p1 $0x0  }
0x14: {  	s2 =	sld [smem:$0x3F97];
	s0 =	simm.s32 @p1 $0x1  }
0x15: {  	[smem:$0x3FB4] =	sst s0;
	s0 =	simm.s32 @!p2 $0x0  }
0x16: {  	s3 =	sld [smem:$0x3FDB];
	s0 =	simm.s32 @p2 $0x1  }
0x17: {  	s4 =	simm.s32 $0x1BF5;
	[smem:$0x3FB6] =	sst s0  }
0x18: {  	s0 =	sld [smem:$0x3F99];
	_ =	swait.ge [sflag:s4], $0x0  }
0x19: {  	s7 =	sld [smem:$0x3F9A]  }
0x1a: {  	s8 =	sadd.s32 $0xFFFFE003, lr  }
0x1b: {  	s9 =	sadd.s32 $0xFFFFFEF7, lr;
	s5 =	simm.s32 $0xFFFFFFFF;
	p2 =	slt.u32 s8, $0xFFFFF086  }
0x1c: {  	p1 =	slt.u32 s9, $0xF7A;
	s5 =	simm.s32 @!p2 $0x0  }
0x1d: {  	s5 =	simm.s32 @p1 $0x1;
	p0 =	seq.s32 s7, s2  }
0x1e: {  	s7 =	smul.u32 @!p0 $0xF7A, s2;
	p2 =	seq.s32 @!p0 s5, $0x0  }
0x1f: {  	s9 =	smul.u32 $0xF7A, s1;
	s8 =	simm.s32 @!p0 $0x1BF5;
	p2 =	por !p2, p0  }
0x20: {  	[sflag:s8] =	ssyncset.s32 @!p0 $0xFFFFF086;
	s6 =	sadd.s32 @!p0 s3, s7;
	s7 =	simm.s32 @!p0 $0x108  }
0x21: {  	s3 =	sadd.s32 s3, s9;
	s6 =	sadd.s32 @!p0 $0x88, s6;
	s7 =	simm.s32 @p2 $0x1082  }
0x22: {  	[simem:s7], [sflag:s8] =	dma.local @!p0 [hbm:s6], $0xF7A  }
0x23: {  	s9 =	sor.u32 $0xD0000000, s2;
	s6 =	simm.s32 $0x108;
	_ =	swait.ge @!p0 [sflag:s8], $0x0  }
0x24: {  	s3 =	sadd.s32 $0x88, s3;
	s6 =	simm.s32 @!p1 $0x1082;
	[sflag:s4] =	ssyncset.s32 $0xFFFFF086  }
0x25: {  	[simem:s6], [sflag:s4] =	dma.local [hbm:s3], $0xF7A  }
0x26: {  	[smem:$0x3F9A] =	sst s1;
	(tag) =	ssettag s2;
	_ =	strace s9  }
0x27: {  	s1 =	sld [smem:$0x3FAA]  }
0x28: {  	s2 =	sld [smem:$0x3FAB]  }
0x29: {  	s4 =	sld [smem:$0x3FAD]  }
0x2a: {  	p0 =	seq.s32 s5, $0x0;
	s5 =	sld [smem:$0x3FAE]  }
0x2b: {  	s6 =	sld [smem:$0x3FAF]  }
0x2c: {  	s7 =	sld [smem:$0x3FB0]  }
0x2d: {  	s3 =	simm.s32 $0x108;
	s8 =	sld [smem:$0x3FB1]  }
0x2e: {  	s3 =	simm.s32 @!p0 $0x1082;
	s9 =	sld [smem:$0x3FB2]  }
0x2f: {  	lr =	sadd.s32 s0, s3;
	s0 =	sld [smem:$0x3FA9]  }
0x30: {  	s3 =	sld [smem:$0x3FAC]  }
0x31: {  	[smem:$0x3FB5] =	sst s10  }
0x32: {  	s10 =	sld [smem:$0x3FB3];
	_ =	sdelay $0x3  }
0x33: {  	p0 =	seq.s32 s10, $0x1;
	s10 =	sld [smem:$0x3FB5];
	_ =	sdelay $0x3  }
0x34: {  	[smem:$0x3FB5] =	sst s10  }
0x35: {  	s10 =	sld [smem:$0x3FB4];
	_ =	sdelay $0x3  }
0x36: {  	p1 =	seq.s32 s10, $0x1;
	s10 =	sld [smem:$0x3FB5];
	_ =	sdelay $0x3  }
0x37: {  	[smem:$0x3FB5] =	sst s10  }
0x38: {  	s10 =	sld [smem:$0x3FB6]  }
0x39: {  	_ = 	snop;
	(pc) =	sbr.ind lr, $3  }
0x3a: {  	_ = 	snop  }
0x3b: {  	_ = 	snop  }
0x3c: {  	p2 =	seq.s32 s10, $0x1;
	s10 =	sld [smem:$0x3FB5]  }
0x3d: {  	_ =	shalt  }
0x3e: {  	_ =	shalt  }
0x3f: {  	_ =	shalt  }
0x40: {  	_ =	shalt  }
0x41: {  	_ =	shalt  }
0x42: {  	_ =	shalt  }
0x43: {  	_ =	shalt  }
0x44: {  	_ =	shalt  }
0x45: {  	_ =	shalt  }
0x46: {  	_ =	shalt  }
0x47: {  	_ =	shalt  }
0x48: {  	_ =	shalt  }
0x49: {  	_ =	shalt  }
0x4a: {  	_ =	shalt  }
0x4b: {  	_ =	shalt  }
0x4c: {  	_ =	shalt  }
0x4d: {  	_ =	shalt  }
0x4e: {  	_ =	shalt  }
0x4f: {  	_ =	shalt  }
0x50: {  	_ =	shalt  }
0x51: {  	_ =	shalt  }
0x52: {  	_ =	shalt  }
0x53: {  	_ =	shalt  }
0x54: {  	_ =	shalt  }
0x55: {  	_ =	shalt  }
0x56: {  	_ =	shalt  }
0x57: {  	_ =	shalt  }
0x58: {  	_ =	shalt  }
0x59: {  	_ =	shalt  }
0x5a: {  	_ =	shalt  }
0x5b: {  	_ =	shalt  }
0x5c: {  	_ =	shalt  }
0x5d: {  	_ =	shalt  }
0x5e: {  	_ =	shalt  }
0x5f: {  	_ =	shalt  }
0x60: {  	_ =	shalt  }
0x61: {  	_ =	shalt  }
0x62: {  	_ =	shalt  }
0x63: {  	_ =	shalt  }
0x64: {  	_ =	shalt  }
0x65: {  	_ =	shalt  }
0x66: {  	_ =	shalt  }
0x67: {  	_ =	shalt  }
0x68: {  	_ =	shalt  }
0x69: {  	_ =	shalt  }
0x6a: {  	_ =	shalt  }
0x6b: {  	_ =	shalt  }
0x6c: {  	_ =	shalt  }
0x6d: {  	_ =	shalt  }
0x6e: {  	_ =	shalt  }
0x6f: {  	_ =	shalt  }
0x70: {  	_ =	shalt  }
0x71: {  	_ =	shalt  }
0x72: {  	_ =	shalt  }
0x73: {  	_ =	shalt  }
0x74: {  	_ =	shalt  }
0x75: {  	_ =	shalt  }
0x76: {  	_ =	shalt  }
0x77: {  	_ =	shalt  }
0x78: {  	_ =	shalt  }
0x79: {  	_ =	shalt  }
0x7a: {  	_ =	shalt  }
0x7b: {  	_ =	shalt  }
0x7c: {  	_ =	shalt  }
0x7d: {  	_ =	shalt  }
0x7e: {  	_ =	shalt  }
0x7f: {  	_ =	shalt  }
0x80: {  	_ =	shalt  }
0x81: {  	_ =	shalt  }
0x82: {  	_ =	shalt  }
0x83: {  	_ =	shalt  }
0x84: {  	_ =	shalt  }
0x85: {  	_ =	shalt  }
0x86: {  	_ =	shalt  }
0x87: {  	_ =	shalt  }
.Lfunc_end0:
.L_simem_size_0:
called_computation.1_lowered:
.L_overlay_start_0:
0x88: {  	s2 =	sld [smem:$0x3FD9]  }
0x89: {  	s3 =	sld [smem:$0x3FFE];
	_ =	sdelay $0x1  }
0x8a: {  	s1 =	srdreg.scid  }
0x8b: {  	s0 =	sand.u32 $0x1, s1  }
0x8c: {  	s17 =	sshll.u32 s0, $0xA;
	s2 =	sadd.s32 s3, s2  }
0x8d: {  	s2 =	sadd.s32 s2, s17  }
0x8e: {  	[smem:$0x3FC1] =	sst s2  }
0x8f: {  	_ = 	snop  }
0x90: {  	s2 =	sld [smem:$0x3FD0];
	(tm) =	ssettm $0x1  }
0x91: {  	s18 =	sld [smem:$0x3FFB];
	_ =	sdelay $0x3  }
0x92: {  	_ =	strace s18  }
0x93: {  	s3 =	sld [smem:$0x3FFC];
	_ =	sdelay $0x3  }
0x94: {  	_ =	strace s3  }
0x95: {  	s3 =	sld [smem:$0x3FFD];
	_ =	sdelay $0x3  }
0x96: {  	_ =	strace s3  }
0x97: {  	_ =	strace $0x8FFFFFFF  }
0x98: {  	s19 =	sld [smem:$0x3FDB];
	_ =	sdelay $0x1  }
0x99: {  	s4 =	simm.s32 $_scs_section_size  }
0x9a: {  	s5 =	simm.s32 $_size__tile_overlayer_lowered;
	s6 =	simm.s32 $_tile_overlayer_lowered  }
0x9b: {  	s22 =	simm.s32 $0x1BFF;
	s21 =	sshll.u32 s6, $0x1;
	s3 =	sadd.s32 s4, s19  }
0x9c: {  	s7 =	simm.s32 $0x0;
	s20 =	sshll.u32 s5, $0x1;
	s5 =	sadd.s32 s21, s3  }
0x9d: {  	[timem:s7], [sflag:s22] =	dma.local [hbm:s5], s20  }
0x9e: {  	_ =	swait.ge [sflag:s22], s20  }
0x9f: {  	s4 =	ssub.s32 $0x0, s20;
	[sflag:s22] =	ssyncset.done $0x0  }
0xa0: {  	[sflag:s22] =	ssyncadd.s32 s4;
	_ =	sdelay $0x1  }
0xa1: {  	s23 =	simm.s32 $0x1B8B  }
0xa2: {  	_ =	swait.ge [sflag:s23], $0x1  }
0xa3: {  	[sflag:s23] =	ssyncset.done $0x0  }
0xa4: {  	s25 =	simm.s32 $0x1B8E;
	s24 =	sld [smem:$0x3FFE];
	[sflag:s23] =	ssyncadd.s32 $0xFFFFFFFF  }
0xa5: {  	s26 =	simm.s32 $execute0_lowered;
	[smem:$0x3FD2] =	sst s25  }
0xa6: {  	s5 =	sshll.u32 s26, $0x1;
	_ =	strace $0x80000049;
	[dreg:$0x1] =	wrdreg $0xFFFFFFFF  }
0xa7: {  	s28 =	simm.s32 $_size_execute0_lowered;
	s3 =	sadd.s32 s3, s5;
	[dreg:$0x0] =	wrdreg $0x0  }
0xa8: {  	s5 =	sshll.u32 s28, $0x1;
	[dreg:$0x2] =	wrdreg s3  }
0xa9: {  	[dreg:$0x3] =	wrdreg s5  }
0xaa: {  	[dreg:$0x4] =	wrdreg $0xC0  }
0xab: {  	_ =	task [dreg:s7], $0x5FFFF  }
0xac: {  	[dreg:$0x1] =	wrdreg $0xFFFFFFFF  }
0xad: {  	[dreg:$0x0] =	wrdreg $0x60  }
0xae: {  	[dreg:$0x2] =	wrdreg s24  }
0xaf: {  	[dreg:$0x3] =	wrdreg s2  }
0xb0: {  	[dreg:$0x4] =	wrdreg $0x88000  }
0xb1: {  	[dreg:$0x5] =	wrdreg $0x9  }
0xb2: {  	_ =	task.clear_ibuf [dreg:s7], $0x6FFFF;
	_ =	strace $0x90000049  }
0xb3: {  	s29 =	simm.s32 $0x9;
	_ =	strace $0x8000004B  }
0xb4: {  	_ =	swait.ge [sflag:s29], $0x1  }
0xb5: {  	[sflag:s29] =	ssyncadd.s32 $0xFFFFFFFF  }
0xb6: {  	_ =	strace $0x9000004B  }
0xb7: {  	_ =	sfence  }
0xb8: {  	s30 =	sld [smem:$0x0];
	_ =	sdelay $0x2  }
0xb9: {  	s31 =	sshll.u32 s1, $0xD;
	s1 =	sshrl.u32 s1, $0x2  }
0xba: {  	s3 =	sand.u32 $0x4000, s31;
	s1 =	sadd.s32 s1, s30  }
0xbb: {  	s0 =	sor.u32 s3, s0;
	s1 =	sshll.u32 s1, $0x11  }
0xbc: {  	s0 =	sor.u32 s1, s0  }
0xbd: {  	s0 =	sadd.s32 $0x8F2B, s0  }
0xbe: {  	[sflag:s0] =	ssyncadd.remote.s32 $0x1  }
0xbf: {  	_ =	sfence.sel $0xFFFF  }
0xc0: {  	[dreg:$0x0] =	wrdreg $0xFFFFFFFF;
	(pc) =	sbr.abs _section_cstart, $3  }
0xc1: {  	[dreg:$0x1] =	wrdreg $0xFFFFFFFF  }
0xc2: {  	_ =	task.clear_ibuf [dreg:s7], $0x2FFFF;
	_ =	strace $0x9FFFFFFF  }
0xc3: {  	(tm) =	ssettm $0x7FFFFFFF  }
tec
execute0_lowered:
.L_overlay_start_1:
0x0: {  	(tag) =	ssettag $0x1  }
0x1: {  	s2 =	srdreg.scid  }
0x2: {  	s9 =	rddreg [dreg:$0x0];
	s31 =	sand.u32 $0x1, s2  }
0x3: {  	s1 =	rddreg [dreg:$0x1];
	s0 =	stileid.u32;
	s25 =	sshll.u32 s31, $0x4  }
0x4: {  	s3 =	simm.s32 $0x0;
	[dreg:$0x4] =	wrdreg s1;
	s1 =	sor.u32 s0, s25  }
0x5: {  	[smem:$0x7FF] =	sst s3;
	s4 =	smul.u32 $0x280, s1  }
0x6: {  	s2 =	rddreg [dreg:$0x2];
	_ =	strace $0x8000004A;
	s1 =	smul.u32 $0x7800, s0  }
0x7: {  	s26 =	sshll.u32 s0, $0x6;
	s8 =	rddreg [dreg:$0x4];
	s7 =	sadd.s32 s4, s9  }
0x8: {  	s5 =	sadd.s32 s1, s2;
	s4 =	sor.u32 $0x1C02, s26;
	s6 =	sadd.s32 $0xB400, s7  }
0x9: {  	[dreg:$0x5] =	wrdreg s6;
	s6 =	sshrl.u32 s5, $0x3;
	s5 =	simm.s32 $0x2  }
0xa: {  	[spmem:s6], [sflag:s4] =	dma.local [hbm:s8], $0xF00  }
0xb: {  	_ =	swait.ge [sflag:s5], $0xF00  }
0xc: {  	[sflag:s5] =	ssyncset.done $0x0  }
0xd: {  	s0 =	rddreg [dreg:$0x5];
	[sflag:s5] =	ssyncadd.s32 $0xFFFFF100  }
0xe: {  	[tilespmem:s3], [sflag:$0x2] =	stream.linear.gather [hbm4b:s0+s3], $0x1400, $0x38;
	[tilespmem:$0x10000] =	vst v63  }
0xf: {  	_ =	swait.ge [sflag:s5], $0x1400  }
0x10: {  	[sflag:s5] =	ssyncset.done $0x0  }
0x11: {  	s7 =	sadd.s32 $0x5A00, s7;
	s8 =	simm.s32 $0x1400;
	[sflag:s5] =	ssyncadd.s32 $0xFFFFEC00  }
0x12: {  	[tilespmem:s8], [sflag:$0x2] =	stream.linear.gather [hbm4b:s7+s3], $0x1400, $0x38;
	[tilespmem:$0x10000] =	vst v63  }
0x13: {  	_ =	swait.ge [sflag:s5], $0x1400  }
0x14: {  	[sflag:s5] =	ssyncset.done $0x0  }
0x15: {  	s10 =	simm.s32 $0x200;
	s11 =	simm.s32 $0x2800;
	[sflag:s5] =	ssyncadd.s32 $0xFFFFEC00  }
0x16: {  	s12 =	simm.s32 $0x1;
	s9 =	sadd.s32 $0xFCC00, s9;
	[bflag:$0x0] =	sbarrier.arrive $0xFFFF  }
0x17: {  	[tilespmem:s11], [sflag:$0x1] =	stream.indirect.gather [hbm4b:s9+s10], $0x30, s3, s10, $0xb8;
	[tilespmem:$0x10000] =	vst v63  }
0x18: {  	_ =	swait.ge [sflag:s12], $0x6000  }
0x19: {  	[sflag:s12] =	ssyncset.done $0x0  }
0x1a: {  	[sflag:s12] =	ssyncadd.s32 $0xFFFFA000  }
0x1b: {  	[spmem:s2] =	stream.indirect.scatter.add.f32 [tilespmem:s11], [sflag:$0x2], $0x30, s8, s10, $0xb8;
	[tilespmem:$0x10000] =	vst v63  }
0x1c: {  	_ =	swait.ge [sflag:s5], $0x6000  }
0x1d: {  	[sflag:s5] =	ssyncset.done $0x0  }
0x1e: {  	[sflag:s5] =	ssyncadd.s32 $0xFFFFA000  }
0x1f: {  	[tilespmem:s11], [sflag:$0x1] =	stream.indirect.gather [hbm4b:s9+s10], $0x30, s10, s10, $0xb8;
	[tilespmem:$0x10000] =	vst v63  }
0x20: {  	_ =	swait.ge [sflag:s12], $0x6000  }
0x21: {  	[sflag:s12] =	ssyncset.done $0x0  }
0x22: {  	s13 =	simm.s32 $0x1600;
	[sflag:s12] =	ssyncadd.s32 $0xFFFFA000  }
0x23: {  	[spmem:s2] =	stream.indirect.scatter.add.f32 [tilespmem:s11], [sflag:$0x2], $0x30, s13, s10, $0xb8;
	[tilespmem:$0x10000] =	vst v63  }
0x24: {  	_ =	swait.ge [sflag:s5], $0x6000  }
0x25: {  	[sflag:s5] =	ssyncset.done $0x0  }
0x26: {  	s14 =	simm.s32 $0x400;
	[sflag:s5] =	ssyncadd.s32 $0xFFFFA000  }
0x27: {  	[tilespmem:s11], [sflag:$0x1] =	stream.indirect.gather [hbm4b:s9+s10], $0x30, s14, s10, $0xb8;
	[tilespmem:$0x10000] =	vst v63  }
0x28: {  	_ =	swait.ge [sflag:s12], $0x6000  }
0x29: {  	[sflag:s12] =	ssyncset.done $0x0  }
0x2a: {  	s15 =	simm.s32 $0x1800;
	[sflag:s12] =	ssyncadd.s32 $0xFFFFA000  }
0x2b: {  	[spmem:s2] =	stream.indirect.scatter.add.f32 [tilespmem:s11], [sflag:$0x2], $0x30, s15, s10, $0xb8;
	[tilespmem:$0x10000] =	vst v63  }
0x2c: {  	_ =	swait.ge [sflag:s5], $0x6000  }
0x2d: {  	[sflag:s5] =	ssyncset.done $0x0  }
0x2e: {  	s16 =	simm.s32 $0x600;
	[sflag:s5] =	ssyncadd.s32 $0xFFFFA000  }
0x2f: {  	[tilespmem:s11], [sflag:$0x1] =	stream.indirect.gather [hbm4b:s9+s10], $0x30, s16, s10, $0xb8;
	[tilespmem:$0x10000] =	vst v63  }
0x30: {  	_ =	swait.ge [sflag:s12], $0x6000  }
0x31: {  	[sflag:s12] =	ssyncset.done $0x0  }
0x32: {  	s17 =	simm.s32 $0x1A00;
	[sflag:s12] =	ssyncadd.s32 $0xFFFFA000  }
0x33: {  	[spmem:s2] =	stream.indirect.scatter.add.f32 [tilespmem:s11], [sflag:$0x2], $0x30, s17, s10, $0xb8;
	[tilespmem:$0x10000] =	vst v63  }
0x34: {  	_ =	swait.ge [sflag:s5], $0x6000  }
0x35: {  	[sflag:s5] =	ssyncset.done $0x0  }
0x36: {  	s18 =	simm.s32 $0x800;
	[sflag:s5] =	ssyncadd.s32 $0xFFFFA000  }
0x37: {  	[tilespmem:s11], [sflag:$0x1] =	stream.indirect.gather [hbm4b:s9+s10], $0x30, s18, s10, $0xb8;
	[tilespmem:$0x10000] =	vst v63  }
0x38: {  	_ =	swait.ge [sflag:s12], $0x6000  }
0x39: {  	[sflag:s12] =	ssyncset.done $0x0  }
0x3a: {  	s19 =	simm.s32 $0x1C00;
	[sflag:s12] =	ssyncadd.s32 $0xFFFFA000  }
0x3b: {  	[spmem:s2] =	stream.indirect.scatter.add.f32 [tilespmem:s11], [sflag:$0x2], $0x30, s19, s10, $0xb8;
	[tilespmem:$0x10000] =	vst v63  }
0x3c: {  	_ =	swait.ge [sflag:s5], $0x6000  }
0x3d: {  	[sflag:s5] =	ssyncset.done $0x0  }
0x3e: {  	s20 =	simm.s32 $0xA00;
	[sflag:s5] =	ssyncadd.s32 $0xFFFFA000  }
0x3f: {  	[tilespmem:s11], [sflag:$0x1] =	stream.indirect.gather [hbm4b:s9+s10], $0x30, s20, s10, $0xb8;
	[tilespmem:$0x10000] =	vst v63  }
0x40: {  	_ =	swait.ge [sflag:s12], $0x6000  }
0x41: {  	[sflag:s12] =	ssyncset.done $0x0  }
0x42: {  	s21 =	simm.s32 $0x1E00;
	[sflag:s12] =	ssyncadd.s32 $0xFFFFA000  }
0x43: {  	[spmem:s2] =	stream.indirect.scatter.add.f32 [tilespmem:s11], [sflag:$0x2], $0x30, s21, s10, $0xb8;
	[tilespmem:$0x10000] =	vst v63  }
0x44: {  	_ =	swait.ge [sflag:s5], $0x6000  }
0x45: {  	[sflag:s5] =	ssyncset.done $0x0  }
0x46: {  	s22 =	simm.s32 $0xC00;
	[sflag:s5] =	ssyncadd.s32 $0xFFFFA000  }
0x47: {  	[tilespmem:s11], [sflag:$0x1] =	stream.indirect.gather [hbm4b:s9+s10], $0x30, s22, s10, $0xb8;
	[tilespmem:$0x10000] =	vst v63  }
0x48: {  	_ =	swait.ge [sflag:s12], $0x6000  }
0x49: {  	[sflag:s12] =	ssyncset.done $0x0  }
0x4a: {  	s23 =	simm.s32 $0x2000;
	[sflag:s12] =	ssyncadd.s32 $0xFFFFA000  }
0x4b: {  	[spmem:s2] =	stream.indirect.scatter.add.f32 [tilespmem:s11], [sflag:$0x2], $0x30, s23, s10, $0xb8;
	[tilespmem:$0x10000] =	vst v63  }
0x4c: {  	_ =	swait.ge [sflag:s5], $0x6000  }
0x4d: {  	[sflag:s5] =	ssyncset.done $0x0  }
0x4e: {  	s24 =	simm.s32 $0xE00;
	[sflag:s5] =	ssyncadd.s32 $0xFFFFA000  }
0x4f: {  	[tilespmem:s11], [sflag:$0x1] =	stream.indirect.gather [hbm4b:s9+s10], $0x30, s24, s10, $0xb8;
	[tilespmem:$0x10000] =	vst v63  }
0x50: {  	_ =	swait.ge [sflag:s12], $0x6000  }
0x51: {  	[sflag:s12] =	ssyncset.done $0x0  }
0x52: {  	s25 =	simm.s32 $0x2200;
	[sflag:s12] =	ssyncadd.s32 $0xFFFFA000  }
0x53: {  	[spmem:s2] =	stream.indirect.scatter.add.f32 [tilespmem:s11], [sflag:$0x2], $0x30, s25, s10, $0xb8;
	[tilespmem:$0x10000] =	vst v63  }
0x54: {  	_ =	swait.ge [sflag:s5], $0x6000  }
0x55: {  	[sflag:s5] =	ssyncset.done $0x0  }
0x56: {  	s26 =	simm.s32 $0x1000;
	[sflag:s5] =	ssyncadd.s32 $0xFFFFA000  }
0x57: {  	[tilespmem:s11], [sflag:$0x1] =	stream.indirect.gather [hbm4b:s9+s10], $0x30, s26, s10, $0xb8;
	[tilespmem:$0x10000] =	vst v63  }
0x58: {  	_ =	swait.ge [sflag:s12], $0x6000  }
0x59: {  	[sflag:s12] =	ssyncset.done $0x0  }
0x5a: {  	s28 =	simm.s32 $0x2400;
	[sflag:s12] =	ssyncadd.s32 $0xFFFFA000  }
0x5b: {  	[spmem:s2] =	stream.indirect.scatter.add.f32 [tilespmem:s11], [sflag:$0x2], $0x30, s28, s10, $0xb8;
	[tilespmem:$0x10000] =	vst v63  }
0x5c: {  	_ =	swait.ge [sflag:s5], $0x6000  }
0x5d: {  	[sflag:s5] =	ssyncset.done $0x0  }
0x5e: {  	s29 =	simm.s32 $0x1200;
	s0 =	smul.u32 $0x78000, s31;
	[sflag:s5] =	ssyncadd.s32 $0xFFFFA000  }
0x5f: {  	[tilespmem:s11], [sflag:$0x1] =	stream.indirect.gather [hbm4b:s9+s10], $0x30, s29, s10, $0xb8;
	[tilespmem:$0x10000] =	vst v63  }
0x60: {  	_ =	swait.ge [sflag:s12], $0x6000  }
0x61: {  	s30 =	simm.s32 $0x2600;
	s0 =	sadd.s32 s1, s0;
	[sflag:s12] =	ssyncset.done $0x0  }
0x62: {  	s1 =	ssub.s32 $0x2, s31;
	s0 =	sshrl.u32 s0, $0x3;
	[sflag:s12] =	ssyncadd.s32 $0xFFFFA000  }
0x63: {  	[spmem:s2] =	stream.indirect.scatter.add.f32 [tilespmem:s11], [sflag:$0x2], $0x30, s30, s10, $0xb8;
	[tilespmem:$0x10000] =	vst v63  }
0x64: {  	_ =	swait.ge [sflag:s5], $0x6000;
	[dreg:$0x6] =	wrdreg s0;
	s0 =	sshrl.u32 s1, $0x1  }
0x65: {  	[dreg:$0x7] =	wrdreg s0  }
0x66: {  	[sflag:s5] =	ssyncset.done $0x0;
	s31 =	rddreg [dreg:$0x6]  }
0x67: {  	s0 =	rddreg [dreg:$0x0]  }
0x68: {  	s0 =	sadd.s32 s31, s0;
	s31 =	rddreg [dreg:$0x7]  }
0x69: {  	s1 =	ssub.s32 s1, s31  }
0x6a: {  	s1 =	smax.u32 s1, $0x1  }
0x6b: {  	p0 =	sne.s32 s1, $0x1  }
.Ltmp0:
0x6c: {  	_ = 	snop;
	(pc) =	sbr.rel @!p0 .LBB2_2-.Ltmp0, $4  }
0x6d: {  	[sflag:s5] =	ssyncadd.s32 $0xFFFFA000  }
0x6e: {  	[bflag:$0x0] =	sbarrier.arrive $0xFFFF;
	s31 =	sadd.s32 $0x10B800, s0  }
0x6f: {  	[hbm:s31], [sflag:s4] =	dma.local [spmem:s6], $0xF00  }
0x70: {  	s0 =	sadd.s32 $0xFFFFFFFF, s1;
	_ =	swait.ge [sflag:s5], $0xF00  }
.LBB2_1:
0x71: {  	[sflag:s5] =	ssyncset.done $0x0  }
0x72: {  	s1 =	rddreg [dreg:$0x4];
	[sflag:s5] =	ssyncadd.s32 $0xFFFFF100  }
0x73: {  	[spmem:s6], [sflag:s4] =	dma.local [hbm:s1], $0xF00  }
0x74: {  	_ =	swait.ge [sflag:s5], $0xF00  }
0x75: {  	[sflag:s5] =	ssyncset.done $0x0  }
0x76: {  	s1 =	rddreg [dreg:$0x5];
	[sflag:s5] =	ssyncadd.s32 $0xFFFFF100  }
0x77: {  	[tilespmem:s3], [sflag:$0x2] =	stream.linear.gather [hbm4b:s1+s3], $0x1400, $0x38;
	[tilespmem:$0x10000] =	vst v63  }
0x78: {  	_ =	swait.ge [sflag:s5], $0x1400  }
0x79: {  	[sflag:s5] =	ssyncset.done $0x0  }
0x7a: {  	[sflag:s5] =	ssyncadd.s32 $0xFFFFEC00  }
0x7b: {  	[tilespmem:s8], [sflag:$0x2] =	stream.linear.gather [hbm4b:s7+s3], $0x1400, $0x38;
	[tilespmem:$0x10000] =	vst v63  }
0x7c: {  	_ =	swait.ge [sflag:s5], $0x1400  }
0x7d: {  	[sflag:s5] =	ssyncset.done $0x0  }
0x7e: {  	[sflag:s5] =	ssyncadd.s32 $0xFFFFEC00  }
0x7f: {  	[bflag:$0x0] =	sbarrier.arrive $0xFFFF  }
0x80: {  	[tilespmem:s11], [sflag:$0x1] =	stream.indirect.gather [hbm4b:s9+s10], $0x30, s3, s10, $0xb8;
	[tilespmem:$0x10000] =	vst v63  }
0x81: {  	_ =	swait.ge [sflag:s12], $0x6000  }
0x82: {  	[sflag:s12] =	ssyncset.done $0x0  }
0x83: {  	[sflag:s12] =	ssyncadd.s32 $0xFFFFA000  }
0x84: {  	[spmem:s2] =	stream.indirect.scatter.add.f32 [tilespmem:s11], [sflag:$0x2], $0x30, s8, s10, $0xb8;
	[tilespmem:$0x10000] =	vst v63  }
0x85: {  	_ =	swait.ge [sflag:s5], $0x6000  }
0x86: {  	[sflag:s5] =	ssyncset.done $0x0  }
0x87: {  	[sflag:s5] =	ssyncadd.s32 $0xFFFFA000  }
0x88: {  	[tilespmem:s11], [sflag:$0x1] =	stream.indirect.gather [hbm4b:s9+s10], $0x30, s10, s10, $0xb8;
	[tilespmem:$0x10000] =	vst v63  }
0x89: {  	_ =	swait.ge [sflag:s12], $0x6000  }
0x8a: {  	[sflag:s12] =	ssyncset.done $0x0  }
0x8b: {  	[sflag:s12] =	ssyncadd.s32 $0xFFFFA000  }
0x8c: {  	[spmem:s2] =	stream.indirect.scatter.add.f32 [tilespmem:s11], [sflag:$0x2], $0x30, s13, s10, $0xb8;
	[tilespmem:$0x10000] =	vst v63  }
0x8d: {  	_ =	swait.ge [sflag:s5], $0x6000  }
0x8e: {  	[sflag:s5] =	ssyncset.done $0x0  }
0x8f: {  	[sflag:s5] =	ssyncadd.s32 $0xFFFFA000  }
0x90: {  	[tilespmem:s11], [sflag:$0x1] =	stream.indirect.gather [hbm4b:s9+s10], $0x30, s14, s10, $0xb8;
	[tilespmem:$0x10000] =	vst v63  }
0x91: {  	_ =	swait.ge [sflag:s12], $0x6000  }
0x92: {  	[sflag:s12] =	ssyncset.done $0x0  }
0x93: {  	[sflag:s12] =	ssyncadd.s32 $0xFFFFA000  }
0x94: {  	[spmem:s2] =	stream.indirect.scatter.add.f32 [tilespmem:s11], [sflag:$0x2], $0x30, s15, s10, $0xb8;
	[tilespmem:$0x10000] =	vst v63  }
0x95: {  	_ =	swait.ge [sflag:s5], $0x6000  }
0x96: {  	[sflag:s5] =	ssyncset.done $0x0  }
0x97: {  	[sflag:s5] =	ssyncadd.s32 $0xFFFFA000  }
0x98: {  	[tilespmem:s11], [sflag:$0x1] =	stream.indirect.gather [hbm4b:s9+s10], $0x30, s16, s10, $0xb8;
	[tilespmem:$0x10000] =	vst v63  }
0x99: {  	_ =	swait.ge [sflag:s12], $0x6000  }
0x9a: {  	[sflag:s12] =	ssyncset.done $0x0  }
0x9b: {  	[sflag:s12] =	ssyncadd.s32 $0xFFFFA000  }
0x9c: {  	[spmem:s2] =	stream.indirect.scatter.add.f32 [tilespmem:s11], [sflag:$0x2], $0x30, s17, s10, $0xb8;
	[tilespmem:$0x10000] =	vst v63  }
0x9d: {  	_ =	swait.ge [sflag:s5], $0x6000  }
0x9e: {  	[sflag:s5] =	ssyncset.done $0x0  }
0x9f: {  	[sflag:s5] =	ssyncadd.s32 $0xFFFFA000  }
0xa0: {  	[tilespmem:s11], [sflag:$0x1] =	stream.indirect.gather [hbm4b:s9+s10], $0x30, s18, s10, $0xb8;
	[tilespmem:$0x10000] =	vst v63  }
0xa1: {  	_ =	swait.ge [sflag:s12], $0x6000  }
0xa2: {  	[sflag:s12] =	ssyncset.done $0x0  }
0xa3: {  	[sflag:s12] =	ssyncadd.s32 $0xFFFFA000  }
0xa4: {  	[spmem:s2] =	stream.indirect.scatter.add.f32 [tilespmem:s11], [sflag:$0x2], $0x30, s19, s10, $0xb8;
	[tilespmem:$0x10000] =	vst v63  }
0xa5: {  	_ =	swait.ge [sflag:s5], $0x6000  }
0xa6: {  	[sflag:s5] =	ssyncset.done $0x0  }
0xa7: {  	[sflag:s5] =	ssyncadd.s32 $0xFFFFA000  }
0xa8: {  	[tilespmem:s11], [sflag:$0x1] =	stream.indirect.gather [hbm4b:s9+s10], $0x30, s20, s10, $0xb8;
	[tilespmem:$0x10000] =	vst v63  }
0xa9: {  	_ =	swait.ge [sflag:s12], $0x6000  }
0xaa: {  	[sflag:s12] =	ssyncset.done $0x0  }
0xab: {  	[sflag:s12] =	ssyncadd.s32 $0xFFFFA000  }
0xac: {  	[spmem:s2] =	stream.indirect.scatter.add.f32 [tilespmem:s11], [sflag:$0x2], $0x30, s21, s10, $0xb8;
	[tilespmem:$0x10000] =	vst v63  }
0xad: {  	_ =	swait.ge [sflag:s5], $0x6000  }
0xae: {  	[sflag:s5] =	ssyncset.done $0x0  }
0xaf: {  	[sflag:s5] =	ssyncadd.s32 $0xFFFFA000  }
0xb0: {  	[tilespmem:s11], [sflag:$0x1] =	stream.indirect.gather [hbm4b:s9+s10], $0x30, s22, s10, $0xb8;
	[tilespmem:$0x10000] =	vst v63  }
0xb1: {  	_ =	swait.ge [sflag:s12], $0x6000  }
0xb2: {  	[sflag:s12] =	ssyncset.done $0x0  }
0xb3: {  	[sflag:s12] =	ssyncadd.s32 $0xFFFFA000  }
0xb4: {  	[spmem:s2] =	stream.indirect.scatter.add.f32 [tilespmem:s11], [sflag:$0x2], $0x30, s23, s10, $0xb8;
	[tilespmem:$0x10000] =	vst v63  }
0xb5: {  	_ =	swait.ge [sflag:s5], $0x6000  }
0xb6: {  	[sflag:s5] =	ssyncset.done $0x0  }
0xb7: {  	[sflag:s5] =	ssyncadd.s32 $0xFFFFA000  }
0xb8: {  	[tilespmem:s11], [sflag:$0x1] =	stream.indirect.gather [hbm4b:s9+s10], $0x30, s24, s10, $0xb8;
	[tilespmem:$0x10000] =	vst v63  }
0xb9: {  	_ =	swait.ge [sflag:s12], $0x6000  }
0xba: {  	[sflag:s12] =	ssyncset.done $0x0  }
0xbb: {  	[sflag:s12] =	ssyncadd.s32 $0xFFFFA000  }
0xbc: {  	[spmem:s2] =	stream.indirect.scatter.add.f32 [tilespmem:s11], [sflag:$0x2], $0x30, s25, s10, $0xb8;
	[tilespmem:$0x10000] =	vst v63  }
0xbd: {  	_ =	swait.ge [sflag:s5], $0x6000  }
0xbe: {  	[sflag:s5] =	ssyncset.done $0x0  }
0xbf: {  	[sflag:s5] =	ssyncadd.s32 $0xFFFFA000  }
0xc0: {  	[tilespmem:s11], [sflag:$0x1] =	stream.indirect.gather [hbm4b:s9+s10], $0x30, s26, s10, $0xb8;
	[tilespmem:$0x10000] =	vst v63  }
0xc1: {  	_ =	swait.ge [sflag:s12], $0x6000  }
0xc2: {  	[sflag:s12] =	ssyncset.done $0x0  }
0xc3: {  	[sflag:s12] =	ssyncadd.s32 $0xFFFFA000  }
0xc4: {  	[spmem:s2] =	stream.indirect.scatter.add.f32 [tilespmem:s11], [sflag:$0x2], $0x30, s28, s10, $0xb8;
	[tilespmem:$0x10000] =	vst v63  }
0xc5: {  	_ =	swait.ge [sflag:s5], $0x6000  }
0xc6: {  	[sflag:s5] =	ssyncset.done $0x0  }
0xc7: {  	[sflag:s5] =	ssyncadd.s32 $0xFFFFA000  }
0xc8: {  	[tilespmem:s11], [sflag:$0x1] =	stream.indirect.gather [hbm4b:s9+s10], $0x30, s29, s10, $0xb8;
	[tilespmem:$0x10000] =	vst v63  }
0xc9: {  	_ =	swait.ge [sflag:s12], $0x6000  }
0xca: {  	[sflag:s12] =	ssyncset.done $0x0  }
0xcb: {  	[sflag:s12] =	ssyncadd.s32 $0xFFFFA000  }
0xcc: {  	[spmem:s2] =	stream.indirect.scatter.add.f32 [tilespmem:s11], [sflag:$0x2], $0x30, s30, s10, $0xb8;
	[tilespmem:$0x10000] =	vst v63  }
0xcd: {  	p0 =	sne.s32 s0, $0x1;
	_ =	swait.ge [sflag:s5], $0x6000  }
.Ltmp1:
0xce: {  	[sflag:s5] =	ssyncset.done $0x0;
	(pc) =	sbr.rel @p0 .LBB2_1-.Ltmp1, $4  }
0xcf: {  	[sflag:s5] =	ssyncadd.s32 $0xFFFFA000  }
0xd0: {  	[bflag:$0x0] =	sbarrier.arrive $0xFFFF  }
0xd1: {  	[hbm:s31], [sflag:s4] =	dma.local [spmem:s6], $0xF00  }
0xd2: {  	s0 =	sadd.s32 $0xFFFFFFFF, s0;
	_ =	swait.ge [sflag:s5], $0xF00  }
.LBB2_2:
0xd3: {  	[sflag:s5] =	ssyncset.done $0x0  }
0xd4: {  	[sflag:s5] =	ssyncadd.s32 $0xFFFFF100  }
0xd5: {  	_ =	sfence.sel $0x180000  }
0xd6: {  	[bflag:$0x0] =	sbarrier.arrive $0xFFFF  }
0xd7: {  	_ =	strace $0x9000004A  }
0xd8: {  	s0 =	stileid.u32;
	[bflag:$0x2] =	sbarrier.arrive $0xFFFF  }
0xd9: {  	p0 =	sne.s32 s0, $0x0;
	s0 =	rddreg [dreg:$0x3]  }
0xda: {  	s0 =	sadd.s32 @!p0 $0x100000, s0  }
0xdb: {  	[sflag:s0] =	ssyncadd.tile.s32 @!p0 $0x1;
	_ =	shalt  }
.Lfunc_end2:
_tile_overlayer_lowered:
.L_overlay_start_2:
0xdc: {  	(tag) =	ssettag $0x2  }
0xdd: {  	s0 =	rddreg [dreg:$0x0];
	s2 =	stileid.u32  }
0xde: {  	s1 =	rddreg [dreg:$0x1];
	p0 =	sne.s32 s2, $0x0  }
0xdf: {  	s3 =	rddreg [dreg:$0x2];
	[bflag:$0x3] =	sbarrier.arrive $0xFFFF;
	s2 =	simm.s32 @!p0 $0x1C02  }
0xe0: {  	[timem:s3], [sflag:s2] =	dma.local @!p0 [hbm:s0], s1  }
0xe1: {  	s0 =	simm.s32 @!p0 $0x2  }
0xe2: {  	_ =	swait.ge @!p0 [sflag:s0], s1  }
0xe3: {  	s1 =	ssub.s32 @!p0 $0x0, s1;
	[sflag:s0] =	ssyncset.done @!p0 $0x0  }
0xe4: {  	[sflag:s0] =	ssyncadd.s32 @!p0 s1  }
0xe5: {  	[bflag:$0x3] =	sbarrier.arrive $0xFFFF  }
0xe6: {  	_ =	shalt  }

// kernel: kernel.18.cloned.1.call-start
scs
__scs_entry_jumppad:
0x0: {  	(pc) =	sbr.rel $0x88, $3  }
0x1: {  	(tag) =	ssettag $0x0;
	lr =	simm.s32 $0x1  }
0x2: {  	[smem:$0x3F9A] =	sst lr;
	_ =	strace $0xD0000000  }
0x3: {  	_ = 	snop  }
0x4: {  	_ = 	snop  }
0x5: {  	_ = 	snop  }
0x6: {  	_ = 	snop  }
0x7: {  	_ = 	snop  }
__scs_overlays_trampoline_lowered:
0x8: {  	[smem:$0x3FA9] =	sst s0  }
0x9: {  	[smem:$0x3FAA] =	sst s1  }
0xa: {  	[smem:$0x3FAB] =	sst s2  }
0xb: {  	[smem:$0x3FAC] =	sst s3  }
0xc: {  	[smem:$0x3FAD] =	sst s4  }
0xd: {  	[smem:$0x3FAE] =	sst s5  }
0xe: {  	[smem:$0x3FAF] =	sst s6  }
0xf: {  	[smem:$0x3FB0] =	sst s7  }
0x10: {  	[smem:$0x3FB1] =	sst s8  }
0x11: {  	[smem:$0x3FB2] =	sst s9;
	s0 =	simm.s32 @!p0 $0x0  }
0x12: {  	s1 =	sld [smem:$0x3F98];
	s0 =	simm.s32 @p0 $0x1  }
0x13: {  	[smem:$0x3FB3] =	sst s0;
	s0 =	simm.s32 @!p1 $0x0  }
0x14: {  	s2 =	sld [smem:$0x3F97];
	s0 =	simm.s32 @p1 $0x1  }
0x15: {  	[smem:$0x3FB4] =	sst s0;
	s0 =	simm.s32 @!p2 $0x0  }
0x16: {  	s3 =	sld [smem:$0x3FDB];
	s0 =	simm.s32 @p2 $0x1  }
0x17: {  	s4 =	simm.s32 $0x1BF5;
	[smem:$0x3FB6] =	sst s0  }
0x18: {  	s0 =	sld [smem:$0x3F99];
	_ =	swait.ge [sflag:s4], $0x0  }
0x19: {  	s7 =	sld [smem:$0x3F9A]  }
0x1a: {  	s8 =	sadd.s32 $0xFFFFE003, lr  }
0x1b: {  	s9 =	sadd.s32 $0xFFFFFEF7, lr;
	s5 =	simm.s32 $0xFFFFFFFF;
	p2 =	slt.u32 s8, $0xFFFFF086  }
0x1c: {  	p1 =	slt.u32 s9, $0xF7A;
	s5 =	simm.s32 @!p2 $0x0  }
0x1d: {  	s5 =	simm.s32 @p1 $0x1;
	p0 =	seq.s32 s7, s2  }
0x1e: {  	s7 =	smul.u32 @!p0 $0xF7A, s2;
	p2 =	seq.s32 @!p0 s5, $0x0  }
0x1f: {  	s9 =	smul.u32 $0xF7A, s1;
	s8 =	simm.s32 @!p0 $0x1BF5;
	p2 =	por !p2, p0  }
0x20: {  	[sflag:s8] =	ssyncset.s32 @!p0 $0xFFFFF086;
	s6 =	sadd.s32 @!p0 s3, s7;
	s7 =	simm.s32 @!p0 $0x108  }
0x21: {  	s3 =	sadd.s32 s3, s9;
	s6 =	sadd.s32 @!p0 $0x88, s6;
	s7 =	simm.s32 @p2 $0x1082  }
0x22: {  	[simem:s7], [sflag:s8] =	dma.local @!p0 [hbm:s6], $0xF7A  }
0x23: {  	s9 =	sor.u32 $0xD0000000, s2;
	s6 =	simm.s32 $0x108;
	_ =	swait.ge @!p0 [sflag:s8], $0x0  }
0x24: {  	s3 =	sadd.s32 $0x88, s3;
	s6 =	simm.s32 @!p1 $0x1082;
	[sflag:s4] =	ssyncset.s32 $0xFFFFF086  }
0x25: {  	[simem:s6], [sflag:s4] =	dma.local [hbm:s3], $0xF7A  }
0x26: {  	[smem:$0x3F9A] =	sst s1;
	(tag) =	ssettag s2;
	_ =	strace s9  }
0x27: {  	s1 =	sld [smem:$0x3FAA]  }
0x28: {  	s2 =	sld [smem:$0x3FAB]  }
0x29: {  	s4 =	sld [smem:$0x3FAD]  }
0x2a: {  	p0 =	seq.s32 s5, $0x0;
	s5 =	sld [smem:$0x3FAE]  }
0x2b: {  	s6 =	sld [smem:$0x3FAF]  }
0x2c: {  	s7 =	sld [smem:$0x3FB0]  }
0x2d: {  	s3 =	simm.s32 $0x108;
	s8 =	sld [smem:$0x3FB1]  }
0x2e: {  	s3 =	simm.s32 @!p0 $0x1082;
	s9 =	sld [smem:$0x3FB2]  }
0x2f: {  	lr =	sadd.s32 s0, s3;
	s0 =	sld [smem:$0x3FA9]  }
0x30: {  	s3 =	sld [smem:$0x3FAC]  }
0x31: {  	[smem:$0x3FB5] =	sst s10  }
0x32: {  	s10 =	sld [smem:$0x3FB3];
	_ =	sdelay $0x3  }
0x33: {  	p0 =	seq.s32 s10, $0x1;
	s10 =	sld [smem:$0x3FB5];
	_ =	sdelay $0x3  }
0x34: {  	[smem:$0x3FB5] =	sst s10  }
0x35: {  	s10 =	sld [smem:$0x3FB4];
	_ =	sdelay $0x3  }
0x36: {  	p1 =	seq.s32 s10, $0x1;
	s10 =	sld [smem:$0x3FB5];
	_ =	sdelay $0x3  }
0x37: {  	[smem:$0x3FB5] =	sst s10  }
0x38: {  	s10 =	sld [smem:$0x3FB6]  }
0x39: {  	_ = 	snop;
	(pc) =	sbr.ind lr, $3  }
0x3a: {  	_ = 	snop  }
0x3b: {  	_ = 	snop  }
0x3c: {  	p2 =	seq.s32 s10, $0x1;
	s10 =	sld [smem:$0x3FB5]  }
0x3d: {  	_ =	shalt  }
0x3e: {  	_ =	shalt  }
0x3f: {  	_ =	shalt  }
0x40: {  	_ =	shalt  }
0x41: {  	_ =	shalt  }
0x42: {  	_ =	shalt  }
0x43: {  	_ =	shalt  }
0x44: {  	_ =	shalt  }
0x45: {  	_ =	shalt  }
0x46: {  	_ =	shalt  }
0x47: {  	_ =	shalt  }
0x48: {  	_ =	shalt  }
0x49: {  	_ =	shalt  }
0x4a: {  	_ =	shalt  }
0x4b: {  	_ =	shalt  }
0x4c: {  	_ =	shalt  }
0x4d: {  	_ =	shalt  }
0x4e: {  	_ =	shalt  }
0x4f: {  	_ =	shalt  }
0x50: {  	_ =	shalt  }
0x51: {  	_ =	shalt  }
0x52: {  	_ =	shalt  }
0x53: {  	_ =	shalt  }
0x54: {  	_ =	shalt  }
0x55: {  	_ =	shalt  }
0x56: {  	_ =	shalt  }
0x57: {  	_ =	shalt  }
0x58: {  	_ =	shalt  }
0x59: {  	_ =	shalt  }
0x5a: {  	_ =	shalt  }
0x5b: {  	_ =	shalt  }
0x5c: {  	_ =	shalt  }
0x5d: {  	_ =	shalt  }
0x5e: {  	_ =	shalt  }
0x5f: {  	_ =	shalt  }
0x60: {  	_ =	shalt  }
0x61: {  	_ =	shalt  }
0x62: {  	_ =	shalt  }
0x63: {  	_ =	shalt  }
0x64: {  	_ =	shalt  }
0x65: {  	_ =	shalt  }
0x66: {  	_ =	shalt  }
0x67: {  	_ =	shalt  }
0x68: {  	_ =	shalt  }
0x69: {  	_ =	shalt  }
0x6a: {  	_ =	shalt  }
0x6b: {  	_ =	shalt  }
0x6c: {  	_ =	shalt  }
0x6d: {  	_ =	shalt  }
0x6e: {  	_ =	shalt  }
0x6f: {  	_ =	shalt  }
0x70: {  	_ =	shalt  }
0x71: {  	_ =	shalt  }
0x72: {  	_ =	shalt  }
0x73: {  	_ =	shalt  }
0x74: {  	_ =	shalt  }
0x75: {  	_ =	shalt  }
0x76: {  	_ =	shalt  }
0x77: {  	_ =	shalt  }
0x78: {  	_ =	shalt  }
0x79: {  	_ =	shalt  }
0x7a: {  	_ =	shalt  }
0x7b: {  	_ =	shalt  }
0x7c: {  	_ =	shalt  }
0x7d: {  	_ =	shalt  }
0x7e: {  	_ =	shalt  }
0x7f: {  	_ =	shalt  }
0x80: {  	_ =	shalt  }
0x81: {  	_ =	shalt  }
0x82: {  	_ =	shalt  }
0x83: {  	_ =	shalt  }
0x84: {  	_ =	shalt  }
0x85: {  	_ =	shalt  }
0x86: {  	_ =	shalt  }
0x87: {  	_ =	shalt  }
.Lfunc_end0:
.L_simem_size_0:
called_computation.2_lowered:
.L_overlay_start_0:
0x88: {  	s2 =	sld [smem:$0x3FD9]  }
0x89: {  	s3 =	sld [smem:$0x3FFE];
	_ =	sdelay $0x1  }
0x8a: {  	s1 =	srdreg.scid  }
0x8b: {  	s0 =	sand.u32 $0x1, s1  }
0x8c: {  	s17 =	sshll.u32 s0, $0xA;
	s2 =	sadd.s32 s3, s2  }
0x8d: {  	s2 =	sadd.s32 s2, s17  }
0x8e: {  	[smem:$0x3FC1] =	sst s2  }
0x8f: {  	_ = 	snop  }
0x90: {  	s2 =	sld [smem:$0x3FD0];
	(tm) =	ssettm $0x1  }
0x91: {  	s18 =	sld [smem:$0x3FFB];
	_ =	sdelay $0x3  }
0x92: {  	_ =	strace s18  }
0x93: {  	s3 =	sld [smem:$0x3FFC];
	_ =	sdelay $0x3  }
0x94: {  	_ =	strace s3  }
0x95: {  	s3 =	sld [smem:$0x3FFD];
	_ =	sdelay $0x3  }
0x96: {  	_ =	strace s3  }
0x97: {  	_ =	strace $0x8FFFFFFF  }
0x98: {  	s19 =	sld [smem:$0x3FDB];
	_ =	sdelay $0x1  }
0x99: {  	s4 =	simm.s32 $_scs_section_size  }
0x9a: {  	s5 =	simm.s32 $_size__tile_overlayer_lowered;
	s6 =	simm.s32 $_tile_overlayer_lowered  }
0x9b: {  	s22 =	simm.s32 $0x1BFF;
	s21 =	sshll.u32 s6, $0x1;
	s3 =	sadd.s32 s4, s19  }
0x9c: {  	s7 =	simm.s32 $0x0;
	s20 =	sshll.u32 s5, $0x1;
	s5 =	sadd.s32 s21, s3  }
0x9d: {  	[timem:s7], [sflag:s22] =	dma.local [hbm:s5], s20  }
0x9e: {  	_ =	swait.ge [sflag:s22], s20  }
0x9f: {  	s4 =	ssub.s32 $0x0, s20;
	[sflag:s22] =	ssyncset.done $0x0  }
0xa0: {  	[sflag:s22] =	ssyncadd.s32 s4;
	_ =	sdelay $0x1  }
0xa1: {  	s23 =	simm.s32 $0x1B8B  }
0xa2: {  	_ =	swait.ge [sflag:s23], $0x1  }
0xa3: {  	[sflag:s23] =	ssyncset.done $0x0  }
0xa4: {  	s25 =	simm.s32 $0x1B8E;
	s24 =	sld [smem:$0x3FFE];
	[sflag:s23] =	ssyncadd.s32 $0xFFFFFFFF  }
0xa5: {  	s26 =	simm.s32 $execute0_lowered;
	[smem:$0x3FD2] =	sst s25  }
0xa6: {  	s5 =	sshll.u32 s26, $0x1;
	_ =	strace $0x8000004C;
	[dreg:$0x1] =	wrdreg $0xFFFFFFFF  }
0xa7: {  	s28 =	simm.s32 $_size_execute0_lowered;
	s3 =	sadd.s32 s3, s5;
	[dreg:$0x0] =	wrdreg $0x0  }
0xa8: {  	s5 =	sshll.u32 s28, $0x1;
	[dreg:$0x2] =	wrdreg s3  }
0xa9: {  	[dreg:$0x3] =	wrdreg s5  }
0xaa: {  	[dreg:$0x4] =	wrdreg $0xC0  }
0xab: {  	_ =	task [dreg:s7], $0x5FFFF  }
0xac: {  	[dreg:$0x1] =	wrdreg $0xFFFFFFFF  }
0xad: {  	[dreg:$0x0] =	wrdreg $0x60  }
0xae: {  	[dreg:$0x2] =	wrdreg s24  }
0xaf: {  	[dreg:$0x3] =	wrdreg s2  }
0xb0: {  	[dreg:$0x4] =	wrdreg $0x88000  }
0xb1: {  	[dreg:$0x5] =	wrdreg $0x9  }
0xb2: {  	_ =	task.clear_ibuf [dreg:s7], $0x6FFFF;
	_ =	strace $0x9000004C  }
0xb3: {  	s29 =	simm.s32 $0x9;
	_ =	strace $0x8000004E  }
0xb4: {  	_ =	swait.ge [sflag:s29], $0x1  }
0xb5: {  	[sflag:s29] =	ssyncadd.s32 $0xFFFFFFFF  }
0xb6: {  	_ =	strace $0x9000004E  }
0xb7: {  	_ =	sfence  }
0xb8: {  	s30 =	sld [smem:$0x0];
	_ =	sdelay $0x2  }
0xb9: {  	s31 =	sshll.u32 s1, $0xD;
	s1 =	sshrl.u32 s1, $0x2  }
0xba: {  	s3 =	sand.u32 $0x4000, s31;
	s1 =	sadd.s32 s1, s30  }
0xbb: {  	s0 =	sor.u32 s3, s0;
	s1 =	sshll.u32 s1, $0x11  }
0xbc: {  	s0 =	sor.u32 s1, s0  }
0xbd: {  	s0 =	sadd.s32 $0x8F2B, s0  }
0xbe: {  	[sflag:s0] =	ssyncadd.remote.s32 $0x1  }
0xbf: {  	_ =	sfence.sel $0xFFFF  }
0xc0: {  	[dreg:$0x0] =	wrdreg $0xFFFFFFFF;
	(pc) =	sbr.abs _section_cstart, $3  }
0xc1: {  	[dreg:$0x1] =	wrdreg $0xFFFFFFFF  }
0xc2: {  	_ =	task.clear_ibuf [dreg:s7], $0x2FFFF;
	_ =	strace $0x9FFFFFFF  }
0xc3: {  	(tm) =	ssettm $0x7FFFFFFF  }
tec
execute0_lowered:
.L_overlay_start_1:
0x0: {  	(tag) =	ssettag $0x1  }
0x1: {  	s2 =	srdreg.scid  }
0x2: {  	s9 =	rddreg [dreg:$0x0];
	s31 =	sand.u32 $0x1, s2  }
0x3: {  	s1 =	rddreg [dreg:$0x1];
	s0 =	stileid.u32;
	s25 =	sshll.u32 s31, $0x4  }
0x4: {  	s3 =	simm.s32 $0x0;
	[dreg:$0x4] =	wrdreg s1;
	s1 =	sor.u32 s0, s25  }
0x5: {  	[smem:$0x7FF] =	sst s3;
	s4 =	smul.u32 $0x280, s1  }
0x6: {  	s2 =	rddreg [dreg:$0x2];
	_ =	strace $0x8000004D;
	s1 =	smul.u32 $0x7800, s0  }
0x7: {  	s26 =	sshll.u32 s0, $0x6;
	s8 =	rddreg [dreg:$0x4];
	s7 =	sadd.s32 s4, s9  }
0x8: {  	s5 =	sadd.s32 s1, s2;
	s4 =	sor.u32 $0x1C02, s26;
	s6 =	sadd.s32 $0xB400, s7  }
0x9: {  	[dreg:$0x5] =	wrdreg s6;
	s6 =	sshrl.u32 s5, $0x3;
	s5 =	simm.s32 $0x2  }
0xa: {  	[spmem:s6], [sflag:s4] =	dma.local [hbm:s8], $0xF00  }
0xb: {  	_ =	swait.ge [sflag:s5], $0xF00  }
0xc: {  	[sflag:s5] =	ssyncset.done $0x0  }
0xd: {  	s0 =	rddreg [dreg:$0x5];
	[sflag:s5] =	ssyncadd.s32 $0xFFFFF100  }
0xe: {  	[tilespmem:s3], [sflag:$0x2] =	stream.linear.gather [hbm4b:s0+s3], $0x1400, $0x38;
	[tilespmem:$0x10000] =	vst v63  }
0xf: {  	_ =	swait.ge [sflag:s5], $0x1400  }
0x10: {  	[sflag:s5] =	ssyncset.done $0x0  }
0x11: {  	s7 =	sadd.s32 $0x5A00, s7;
	s8 =	simm.s32 $0x1400;
	[sflag:s5] =	ssyncadd.s32 $0xFFFFEC00  }
0x12: {  	[tilespmem:s8], [sflag:$0x2] =	stream.linear.gather [hbm4b:s7+s3], $0x1400, $0x38;
	[tilespmem:$0x10000] =	vst v63  }
0x13: {  	_ =	swait.ge [sflag:s5], $0x1400  }
0x14: {  	[sflag:s5] =	ssyncset.done $0x0  }
0x15: {  	s10 =	simm.s32 $0x200;
	s11 =	simm.s32 $0x2800;
	[sflag:s5] =	ssyncadd.s32 $0xFFFFEC00  }
0x16: {  	s12 =	simm.s32 $0x1;
	s9 =	sadd.s32 $0x5E800, s9;
	[bflag:$0x0] =	sbarrier.arrive $0xFFFF  }
0x17: {  	[tilespmem:s11], [sflag:$0x1] =	stream.indirect.gather [hbm4b:s9+s10], $0x30, s3, s10, $0xb8;
	[tilespmem:$0x10000] =	vst v63  }
0x18: {  	_ =	swait.ge [sflag:s12], $0x6000  }
0x19: {  	[sflag:s12] =	ssyncset.done $0x0  }
0x1a: {  	[sflag:s12] =	ssyncadd.s32 $0xFFFFA000  }
0x1b: {  	[spmem:s2] =	stream.indirect.scatter.add.f32 [tilespmem:s11], [sflag:$0x2], $0x30, s8, s10, $0xb8;
	[tilespmem:$0x10000] =	vst v63  }
0x1c: {  	_ =	swait.ge [sflag:s5], $0x6000  }
0x1d: {  	[sflag:s5] =	ssyncset.done $0x0  }
0x1e: {  	[sflag:s5] =	ssyncadd.s32 $0xFFFFA000  }
0x1f: {  	[tilespmem:s11], [sflag:$0x1] =	stream.indirect.gather [hbm4b:s9+s10], $0x30, s10, s10, $0xb8;
	[tilespmem:$0x10000] =	vst v63  }
0x20: {  	_ =	swait.ge [sflag:s12], $0x6000  }
0x21: {  	[sflag:s12] =	ssyncset.done $0x0  }
0x22: {  	s13 =	simm.s32 $0x1600;
	[sflag:s12] =	ssyncadd.s32 $0xFFFFA000  }
0x23: {  	[spmem:s2] =	stream.indirect.scatter.add.f32 [tilespmem:s11], [sflag:$0x2], $0x30, s13, s10, $0xb8;
	[tilespmem:$0x10000] =	vst v63  }
0x24: {  	_ =	swait.ge [sflag:s5], $0x6000  }
0x25: {  	[sflag:s5] =	ssyncset.done $0x0  }
0x26: {  	s14 =	simm.s32 $0x400;
	[sflag:s5] =	ssyncadd.s32 $0xFFFFA000  }
0x27: {  	[tilespmem:s11], [sflag:$0x1] =	stream.indirect.gather [hbm4b:s9+s10], $0x30, s14, s10, $0xb8;
	[tilespmem:$0x10000] =	vst v63  }
0x28: {  	_ =	swait.ge [sflag:s12], $0x6000  }
0x29: {  	[sflag:s12] =	ssyncset.done $0x0  }
0x2a: {  	s15 =	simm.s32 $0x1800;
	[sflag:s12] =	ssyncadd.s32 $0xFFFFA000  }
0x2b: {  	[spmem:s2] =	stream.indirect.scatter.add.f32 [tilespmem:s11], [sflag:$0x2], $0x30, s15, s10, $0xb8;
	[tilespmem:$0x10000] =	vst v63  }
0x2c: {  	_ =	swait.ge [sflag:s5], $0x6000  }
0x2d: {  	[sflag:s5] =	ssyncset.done $0x0  }
0x2e: {  	s16 =	simm.s32 $0x600;
	[sflag:s5] =	ssyncadd.s32 $0xFFFFA000  }
0x2f: {  	[tilespmem:s11], [sflag:$0x1] =	stream.indirect.gather [hbm4b:s9+s10], $0x30, s16, s10, $0xb8;
	[tilespmem:$0x10000] =	vst v63  }
0x30: {  	_ =	swait.ge [sflag:s12], $0x6000  }
0x31: {  	[sflag:s12] =	ssyncset.done $0x0  }
0x32: {  	s17 =	simm.s32 $0x1A00;
	[sflag:s12] =	ssyncadd.s32 $0xFFFFA000  }
0x33: {  	[spmem:s2] =	stream.indirect.scatter.add.f32 [tilespmem:s11], [sflag:$0x2], $0x30, s17, s10, $0xb8;
	[tilespmem:$0x10000] =	vst v63  }
0x34: {  	_ =	swait.ge [sflag:s5], $0x6000  }
0x35: {  	[sflag:s5] =	ssyncset.done $0x0  }
0x36: {  	s18 =	simm.s32 $0x800;
	[sflag:s5] =	ssyncadd.s32 $0xFFFFA000  }
0x37: {  	[tilespmem:s11], [sflag:$0x1] =	stream.indirect.gather [hbm4b:s9+s10], $0x30, s18, s10, $0xb8;
	[tilespmem:$0x10000] =	vst v63  }
0x38: {  	_ =	swait.ge [sflag:s12], $0x6000  }
0x39: {  	[sflag:s12] =	ssyncset.done $0x0  }
0x3a: {  	s19 =	simm.s32 $0x1C00;
	[sflag:s12] =	ssyncadd.s32 $0xFFFFA000  }
0x3b: {  	[spmem:s2] =	stream.indirect.scatter.add.f32 [tilespmem:s11], [sflag:$0x2], $0x30, s19, s10, $0xb8;
	[tilespmem:$0x10000] =	vst v63  }
0x3c: {  	_ =	swait.ge [sflag:s5], $0x6000  }
0x3d: {  	[sflag:s5] =	ssyncset.done $0x0  }
0x3e: {  	s20 =	simm.s32 $0xA00;
	[sflag:s5] =	ssyncadd.s32 $0xFFFFA000  }
0x3f: {  	[tilespmem:s11], [sflag:$0x1] =	stream.indirect.gather [hbm4b:s9+s10], $0x30, s20, s10, $0xb8;
	[tilespmem:$0x10000] =	vst v63  }
0x40: {  	_ =	swait.ge [sflag:s12], $0x6000  }
0x41: {  	[sflag:s12] =	ssyncset.done $0x0  }
0x42: {  	s21 =	simm.s32 $0x1E00;
	[sflag:s12] =	ssyncadd.s32 $0xFFFFA000  }
0x43: {  	[spmem:s2] =	stream.indirect.scatter.add.f32 [tilespmem:s11], [sflag:$0x2], $0x30, s21, s10, $0xb8;
	[tilespmem:$0x10000] =	vst v63  }
0x44: {  	_ =	swait.ge [sflag:s5], $0x6000  }
0x45: {  	[sflag:s5] =	ssyncset.done $0x0  }
0x46: {  	s22 =	simm.s32 $0xC00;
	[sflag:s5] =	ssyncadd.s32 $0xFFFFA000  }
0x47: {  	[tilespmem:s11], [sflag:$0x1] =	stream.indirect.gather [hbm4b:s9+s10], $0x30, s22, s10, $0xb8;
	[tilespmem:$0x10000] =	vst v63  }
0x48: {  	_ =	swait.ge [sflag:s12], $0x6000  }
0x49: {  	[sflag:s12] =	ssyncset.done $0x0  }
0x4a: {  	s23 =	simm.s32 $0x2000;
	[sflag:s12] =	ssyncadd.s32 $0xFFFFA000  }
0x4b: {  	[spmem:s2] =	stream.indirect.scatter.add.f32 [tilespmem:s11], [sflag:$0x2], $0x30, s23, s10, $0xb8;
	[tilespmem:$0x10000] =	vst v63  }
0x4c: {  	_ =	swait.ge [sflag:s5], $0x6000  }
0x4d: {  	[sflag:s5] =	ssyncset.done $0x0  }
0x4e: {  	s24 =	simm.s32 $0xE00;
	[sflag:s5] =	ssyncadd.s32 $0xFFFFA000  }
0x4f: {  	[tilespmem:s11], [sflag:$0x1] =	stream.indirect.gather [hbm4b:s9+s10], $0x30, s24, s10, $0xb8;
	[tilespmem:$0x10000] =	vst v63  }
0x50: {  	_ =	swait.ge [sflag:s12], $0x6000  }
0x51: {  	[sflag:s12] =	ssyncset.done $0x0  }
0x52: {  	s25 =	simm.s32 $0x2200;
	[sflag:s12] =	ssyncadd.s32 $0xFFFFA000  }
0x53: {  	[spmem:s2] =	stream.indirect.scatter.add.f32 [tilespmem:s11], [sflag:$0x2], $0x30, s25, s10, $0xb8;
	[tilespmem:$0x10000] =	vst v63  }
0x54: {  	_ =	swait.ge [sflag:s5], $0x6000  }
0x55: {  	[sflag:s5] =	ssyncset.done $0x0  }
0x56: {  	s26 =	simm.s32 $0x1000;
	[sflag:s5] =	ssyncadd.s32 $0xFFFFA000  }
0x57: {  	[tilespmem:s11], [sflag:$0x1] =	stream.indirect.gather [hbm4b:s9+s10], $0x30, s26, s10, $0xb8;
	[tilespmem:$0x10000] =	vst v63  }
0x58: {  	_ =	swait.ge [sflag:s12], $0x6000  }
0x59: {  	[sflag:s12] =	ssyncset.done $0x0  }
0x5a: {  	s28 =	simm.s32 $0x2400;
	[sflag:s12] =	ssyncadd.s32 $0xFFFFA000  }
0x5b: {  	[spmem:s2] =	stream.indirect.scatter.add.f32 [tilespmem:s11], [sflag:$0x2], $0x30, s28, s10, $0xb8;
	[tilespmem:$0x10000] =	vst v63  }
0x5c: {  	_ =	swait.ge [sflag:s5], $0x6000  }
0x5d: {  	[sflag:s5] =	ssyncset.done $0x0  }
0x5e: {  	s29 =	simm.s32 $0x1200;
	s0 =	smul.u32 $0x78000, s31;
	[sflag:s5] =	ssyncadd.s32 $0xFFFFA000  }
0x5f: {  	[tilespmem:s11], [sflag:$0x1] =	stream.indirect.gather [hbm4b:s9+s10], $0x30, s29, s10, $0xb8;
	[tilespmem:$0x10000] =	vst v63  }
0x60: {  	_ =	swait.ge [sflag:s12], $0x6000  }
0x61: {  	s30 =	simm.s32 $0x2600;
	s0 =	sadd.s32 s1, s0;
	[sflag:s12] =	ssyncset.done $0x0  }
0x62: {  	s1 =	ssub.s32 $0x2, s31;
	s0 =	sshrl.u32 s0, $0x3;
	[sflag:s12] =	ssyncadd.s32 $0xFFFFA000  }
0x63: {  	[spmem:s2] =	stream.indirect.scatter.add.f32 [tilespmem:s11], [sflag:$0x2], $0x30, s30, s10, $0xb8;
	[tilespmem:$0x10000] =	vst v63  }
0x64: {  	_ =	swait.ge [sflag:s5], $0x6000;
	[dreg:$0x6] =	wrdreg s0;
	s0 =	sshrl.u32 s1, $0x1  }
0x65: {  	[dreg:$0x7] =	wrdreg s0  }
0x66: {  	[sflag:s5] =	ssyncset.done $0x0;
	s31 =	rddreg [dreg:$0x6]  }
0x67: {  	s0 =	rddreg [dreg:$0x0]  }
0x68: {  	s0 =	sadd.s32 s31, s0;
	s31 =	rddreg [dreg:$0x7]  }
0x69: {  	s1 =	ssub.s32 s1, s31  }
0x6a: {  	s1 =	smax.u32 s1, $0x1  }
0x6b: {  	p0 =	sne.s32 s1, $0x1  }
.Ltmp0:
0x6c: {  	_ = 	snop;
	(pc) =	sbr.rel @!p0 .LBB2_2-.Ltmp0, $4  }
0x6d: {  	[sflag:s5] =	ssyncadd.s32 $0xFFFFA000  }
0x6e: {  	[bflag:$0x0] =	sbarrier.arrive $0xFFFF;
	s31 =	sadd.s32 $0x6D400, s0  }
0x6f: {  	[hbm:s31], [sflag:s4] =	dma.local [spmem:s6], $0xF00  }
0x70: {  	s0 =	sadd.s32 $0xFFFFFFFF, s1;
	_ =	swait.ge [sflag:s5], $0xF00  }
.LBB2_1:
0x71: {  	[sflag:s5] =	ssyncset.done $0x0  }
0x72: {  	s1 =	rddreg [dreg:$0x4];
	[sflag:s5] =	ssyncadd.s32 $0xFFFFF100  }
0x73: {  	[spmem:s6], [sflag:s4] =	dma.local [hbm:s1], $0xF00  }
0x74: {  	_ =	swait.ge [sflag:s5], $0xF00  }
0x75: {  	[sflag:s5] =	ssyncset.done $0x0  }
0x76: {  	s1 =	rddreg [dreg:$0x5];
	[sflag:s5] =	ssyncadd.s32 $0xFFFFF100  }
0x77: {  	[tilespmem:s3], [sflag:$0x2] =	stream.linear.gather [hbm4b:s1+s3], $0x1400, $0x38;
	[tilespmem:$0x10000] =	vst v63  }
0x78: {  	_ =	swait.ge [sflag:s5], $0x1400  }
0x79: {  	[sflag:s5] =	ssyncset.done $0x0  }
0x7a: {  	[sflag:s5] =	ssyncadd.s32 $0xFFFFEC00  }
0x7b: {  	[tilespmem:s8], [sflag:$0x2] =	stream.linear.gather [hbm4b:s7+s3], $0x1400, $0x38;
	[tilespmem:$0x10000] =	vst v63  }
0x7c: {  	_ =	swait.ge [sflag:s5], $0x1400  }
0x7d: {  	[sflag:s5] =	ssyncset.done $0x0  }
0x7e: {  	[sflag:s5] =	ssyncadd.s32 $0xFFFFEC00  }
0x7f: {  	[bflag:$0x0] =	sbarrier.arrive $0xFFFF  }
0x80: {  	[tilespmem:s11], [sflag:$0x1] =	stream.indirect.gather [hbm4b:s9+s10], $0x30, s3, s10, $0xb8;
	[tilespmem:$0x10000] =	vst v63  }
0x81: {  	_ =	swait.ge [sflag:s12], $0x6000  }
0x82: {  	[sflag:s12] =	ssyncset.done $0x0  }
0x83: {  	[sflag:s12] =	ssyncadd.s32 $0xFFFFA000  }
0x84: {  	[spmem:s2] =	stream.indirect.scatter.add.f32 [tilespmem:s11], [sflag:$0x2], $0x30, s8, s10, $0xb8;
	[tilespmem:$0x10000] =	vst v63  }
0x85: {  	_ =	swait.ge [sflag:s5], $0x6000  }
0x86: {  	[sflag:s5] =	ssyncset.done $0x0  }
0x87: {  	[sflag:s5] =	ssyncadd.s32 $0xFFFFA000  }
0x88: {  	[tilespmem:s11], [sflag:$0x1] =	stream.indirect.gather [hbm4b:s9+s10], $0x30, s10, s10, $0xb8;
	[tilespmem:$0x10000] =	vst v63  }
0x89: {  	_ =	swait.ge [sflag:s12], $0x6000  }
0x8a: {  	[sflag:s12] =	ssyncset.done $0x0  }
0x8b: {  	[sflag:s12] =	ssyncadd.s32 $0xFFFFA000  }
0x8c: {  	[spmem:s2] =	stream.indirect.scatter.add.f32 [tilespmem:s11], [sflag:$0x2], $0x30, s13, s10, $0xb8;
	[tilespmem:$0x10000] =	vst v63  }
0x8d: {  	_ =	swait.ge [sflag:s5], $0x6000  }
0x8e: {  	[sflag:s5] =	ssyncset.done $0x0  }
0x8f: {  	[sflag:s5] =	ssyncadd.s32 $0xFFFFA000  }
0x90: {  	[tilespmem:s11], [sflag:$0x1] =	stream.indirect.gather [hbm4b:s9+s10], $0x30, s14, s10, $0xb8;
	[tilespmem:$0x10000] =	vst v63  }
0x91: {  	_ =	swait.ge [sflag:s12], $0x6000  }
0x92: {  	[sflag:s12] =	ssyncset.done $0x0  }
0x93: {  	[sflag:s12] =	ssyncadd.s32 $0xFFFFA000  }
0x94: {  	[spmem:s2] =	stream.indirect.scatter.add.f32 [tilespmem:s11], [sflag:$0x2], $0x30, s15, s10, $0xb8;
	[tilespmem:$0x10000] =	vst v63  }
0x95: {  	_ =	swait.ge [sflag:s5], $0x6000  }
0x96: {  	[sflag:s5] =	ssyncset.done $0x0  }
0x97: {  	[sflag:s5] =	ssyncadd.s32 $0xFFFFA000  }
0x98: {  	[tilespmem:s11], [sflag:$0x1] =	stream.indirect.gather [hbm4b:s9+s10], $0x30, s16, s10, $0xb8;
	[tilespmem:$0x10000] =	vst v63  }
0x99: {  	_ =	swait.ge [sflag:s12], $0x6000  }
0x9a: {  	[sflag:s12] =	ssyncset.done $0x0  }
0x9b: {  	[sflag:s12] =	ssyncadd.s32 $0xFFFFA000  }
0x9c: {  	[spmem:s2] =	stream.indirect.scatter.add.f32 [tilespmem:s11], [sflag:$0x2], $0x30, s17, s10, $0xb8;
	[tilespmem:$0x10000] =	vst v63  }
0x9d: {  	_ =	swait.ge [sflag:s5], $0x6000  }
0x9e: {  	[sflag:s5] =	ssyncset.done $0x0  }
0x9f: {  	[sflag:s5] =	ssyncadd.s32 $0xFFFFA000  }
0xa0: {  	[tilespmem:s11], [sflag:$0x1] =	stream.indirect.gather [hbm4b:s9+s10], $0x30, s18, s10, $0xb8;
	[tilespmem:$0x10000] =	vst v63  }
0xa1: {  	_ =	swait.ge [sflag:s12], $0x6000  }
0xa2: {  	[sflag:s12] =	ssyncset.done $0x0  }
0xa3: {  	[sflag:s12] =	ssyncadd.s32 $0xFFFFA000  }
0xa4: {  	[spmem:s2] =	stream.indirect.scatter.add.f32 [tilespmem:s11], [sflag:$0x2], $0x30, s19, s10, $0xb8;
	[tilespmem:$0x10000] =	vst v63  }
0xa5: {  	_ =	swait.ge [sflag:s5], $0x6000  }
0xa6: {  	[sflag:s5] =	ssyncset.done $0x0  }
0xa7: {  	[sflag:s5] =	ssyncadd.s32 $0xFFFFA000  }
0xa8: {  	[tilespmem:s11], [sflag:$0x1] =	stream.indirect.gather [hbm4b:s9+s10], $0x30, s20, s10, $0xb8;
	[tilespmem:$0x10000] =	vst v63  }
0xa9: {  	_ =	swait.ge [sflag:s12], $0x6000  }
0xaa: {  	[sflag:s12] =	ssyncset.done $0x0  }
0xab: {  	[sflag:s12] =	ssyncadd.s32 $0xFFFFA000  }
0xac: {  	[spmem:s2] =	stream.indirect.scatter.add.f32 [tilespmem:s11], [sflag:$0x2], $0x30, s21, s10, $0xb8;
	[tilespmem:$0x10000] =	vst v63  }
0xad: {  	_ =	swait.ge [sflag:s5], $0x6000  }
0xae: {  	[sflag:s5] =	ssyncset.done $0x0  }
0xaf: {  	[sflag:s5] =	ssyncadd.s32 $0xFFFFA000  }
0xb0: {  	[tilespmem:s11], [sflag:$0x1] =	stream.indirect.gather [hbm4b:s9+s10], $0x30, s22, s10, $0xb8;
	[tilespmem:$0x10000] =	vst v63  }
0xb1: {  	_ =	swait.ge [sflag:s12], $0x6000  }
0xb2: {  	[sflag:s12] =	ssyncset.done $0x0  }
0xb3: {  	[sflag:s12] =	ssyncadd.s32 $0xFFFFA000  }
0xb4: {  	[spmem:s2] =	stream.indirect.scatter.add.f32 [tilespmem:s11], [sflag:$0x2], $0x30, s23, s10, $0xb8;
	[tilespmem:$0x10000] =	vst v63  }
0xb5: {  	_ =	swait.ge [sflag:s5], $0x6000  }
0xb6: {  	[sflag:s5] =	ssyncset.done $0x0  }
0xb7: {  	[sflag:s5] =	ssyncadd.s32 $0xFFFFA000  }
0xb8: {  	[tilespmem:s11], [sflag:$0x1] =	stream.indirect.gather [hbm4b:s9+s10], $0x30, s24, s10, $0xb8;
	[tilespmem:$0x10000] =	vst v63  }
0xb9: {  	_ =	swait.ge [sflag:s12], $0x6000  }
0xba: {  	[sflag:s12] =	ssyncset.done $0x0  }
0xbb: {  	[sflag:s12] =	ssyncadd.s32 $0xFFFFA000  }
0xbc: {  	[spmem:s2] =	stream.indirect.scatter.add.f32 [tilespmem:s11], [sflag:$0x2], $0x30, s25, s10, $0xb8;
	[tilespmem:$0x10000] =	vst v63  }
0xbd: {  	_ =	swait.ge [sflag:s5], $0x6000  }
0xbe: {  	[sflag:s5] =	ssyncset.done $0x0  }
0xbf: {  	[sflag:s5] =	ssyncadd.s32 $0xFFFFA000  }
0xc0: {  	[tilespmem:s11], [sflag:$0x1] =	stream.indirect.gather [hbm4b:s9+s10], $0x30, s26, s10, $0xb8;
	[tilespmem:$0x10000] =	vst v63  }
0xc1: {  	_ =	swait.ge [sflag:s12], $0x6000  }
0xc2: {  	[sflag:s12] =	ssyncset.done $0x0  }
0xc3: {  	[sflag:s12] =	ssyncadd.s32 $0xFFFFA000  }
0xc4: {  	[spmem:s2] =	stream.indirect.scatter.add.f32 [tilespmem:s11], [sflag:$0x2], $0x30, s28, s10, $0xb8;
	[tilespmem:$0x10000] =	vst v63  }
0xc5: {  	_ =	swait.ge [sflag:s5], $0x6000  }
0xc6: {  	[sflag:s5] =	ssyncset.done $0x0  }
0xc7: {  	[sflag:s5] =	ssyncadd.s32 $0xFFFFA000  }
0xc8: {  	[tilespmem:s11], [sflag:$0x1] =	stream.indirect.gather [hbm4b:s9+s10], $0x30, s29, s10, $0xb8;
	[tilespmem:$0x10000] =	vst v63  }
0xc9: {  	_ =	swait.ge [sflag:s12], $0x6000  }
0xca: {  	[sflag:s12] =	ssyncset.done $0x0  }
0xcb: {  	[sflag:s12] =	ssyncadd.s32 $0xFFFFA000  }
0xcc: {  	[spmem:s2] =	stream.indirect.scatter.add.f32 [tilespmem:s11], [sflag:$0x2], $0x30, s30, s10, $0xb8;
	[tilespmem:$0x10000] =	vst v63  }
0xcd: {  	p0 =	sne.s32 s0, $0x1;
	_ =	swait.ge [sflag:s5], $0x6000  }
.Ltmp1:
0xce: {  	[sflag:s5] =	ssyncset.done $0x0;
	(pc) =	sbr.rel @p0 .LBB2_1-.Ltmp1, $4  }
0xcf: {  	[sflag:s5] =	ssyncadd.s32 $0xFFFFA000  }
0xd0: {  	[bflag:$0x0] =	sbarrier.arrive $0xFFFF  }
0xd1: {  	[hbm:s31], [sflag:s4] =	dma.local [spmem:s6], $0xF00  }
0xd2: {  	s0 =	sadd.s32 $0xFFFFFFFF, s0;
	_ =	swait.ge [sflag:s5], $0xF00  }
.LBB2_2:
0xd3: {  	[sflag:s5] =	ssyncset.done $0x0  }
0xd4: {  	[sflag:s5] =	ssyncadd.s32 $0xFFFFF100  }
0xd5: {  	_ =	sfence.sel $0x180000  }
0xd6: {  	[bflag:$0x0] =	sbarrier.arrive $0xFFFF  }
0xd7: {  	_ =	strace $0x9000004D  }
0xd8: {  	s0 =	stileid.u32;
	[bflag:$0x2] =	sbarrier.arrive $0xFFFF  }
0xd9: {  	p0 =	sne.s32 s0, $0x0;
	s0 =	rddreg [dreg:$0x3]  }
0xda: {  	s0 =	sadd.s32 @!p0 $0x100000, s0  }
0xdb: {  	[sflag:s0] =	ssyncadd.tile.s32 @!p0 $0x1;
	_ =	shalt  }
.Lfunc_end2:
_tile_overlayer_lowered:
.L_overlay_start_2:
0xdc: {  	(tag) =	ssettag $0x2  }
0xdd: {  	s0 =	rddreg [dreg:$0x0];
	s2 =	stileid.u32  }
0xde: {  	s1 =	rddreg [dreg:$0x1];
	p0 =	sne.s32 s2, $0x0  }
0xdf: {  	s3 =	rddreg [dreg:$0x2];
	[bflag:$0x3] =	sbarrier.arrive $0xFFFF;
	s2 =	simm.s32 @!p0 $0x1C02  }
0xe0: {  	[timem:s3], [sflag:s2] =	dma.local @!p0 [hbm:s0], s1  }
0xe1: {  	s0 =	simm.s32 @!p0 $0x2  }
0xe2: {  	_ =	swait.ge @!p0 [sflag:s0], s1  }
0xe3: {  	s1 =	ssub.s32 @!p0 $0x0, s1;
	[sflag:s0] =	ssyncset.done @!p0 $0x0  }
0xe4: {  	[sflag:s0] =	ssyncadd.s32 @!p0 s1  }
0xe5: {  	[bflag:$0x3] =	sbarrier.arrive $0xFFFF  }
0xe6: {  	_ =	shalt  }

// kernel: kernel.21.cloned.1.call-start
scs
__scs_entry_jumppad:
0x0: {  	(pc) =	sbr.rel $0x88, $3  }
0x1: {  	(tag) =	ssettag $0x0;
	lr =	simm.s32 $0x1  }
0x2: {  	[smem:$0x3F9A] =	sst lr;
	_ =	strace $0xD0000000  }
0x3: {  	_ = 	snop  }
0x4: {  	_ = 	snop  }
0x5: {  	_ = 	snop  }
0x6: {  	_ = 	snop  }
0x7: {  	_ = 	snop  }
__scs_overlays_trampoline_lowered:
0x8: {  	[smem:$0x3FA9] =	sst s0  }
0x9: {  	[smem:$0x3FAA] =	sst s1  }
0xa: {  	[smem:$0x3FAB] =	sst s2  }
0xb: {  	[smem:$0x3FAC] =	sst s3  }
0xc: {  	[smem:$0x3FAD] =	sst s4  }
0xd: {  	[smem:$0x3FAE] =	sst s5  }
0xe: {  	[smem:$0x3FAF] =	sst s6  }
0xf: {  	[smem:$0x3FB0] =	sst s7  }
0x10: {  	[smem:$0x3FB1] =	sst s8  }
0x11: {  	[smem:$0x3FB2] =	sst s9;
	s0 =	simm.s32 @!p0 $0x0  }
0x12: {  	s1 =	sld [smem:$0x3F98];
	s0 =	simm.s32 @p0 $0x1  }
0x13: {  	[smem:$0x3FB3] =	sst s0;
	s0 =	simm.s32 @!p1 $0x0  }
0x14: {  	s2 =	sld [smem:$0x3F97];
	s0 =	simm.s32 @p1 $0x1  }
0x15: {  	[smem:$0x3FB4] =	sst s0;
	s0 =	simm.s32 @!p2 $0x0  }
0x16: {  	s3 =	sld [smem:$0x3FDB];
	s0 =	simm.s32 @p2 $0x1  }
0x17: {  	s4 =	simm.s32 $0x1BF5;
	[smem:$0x3FB6] =	sst s0  }
0x18: {  	s0 =	sld [smem:$0x3F99];
	_ =	swait.ge [sflag:s4], $0x0  }
0x19: {  	s7 =	sld [smem:$0x3F9A]  }
0x1a: {  	s8 =	sadd.s32 $0xFFFFE003, lr  }
0x1b: {  	s9 =	sadd.s32 $0xFFFFFEF7, lr;
	s5 =	simm.s32 $0xFFFFFFFF;
	p2 =	slt.u32 s8, $0xFFFFF086  }
0x1c: {  	p1 =	slt.u32 s9, $0xF7A;
	s5 =	simm.s32 @!p2 $0x0  }
0x1d: {  	s5 =	simm.s32 @p1 $0x1;
	p0 =	seq.s32 s7, s2  }
0x1e: {  	s7 =	smul.u32 @!p0 $0xF7A, s2;
	p2 =	seq.s32 @!p0 s5, $0x0  }
0x1f: {  	s9 =	smul.u32 $0xF7A, s1;
	s8 =	simm.s32 @!p0 $0x1BF5;
	p2 =	por !p2, p0  }
0x20: {  	[sflag:s8] =	ssyncset.s32 @!p0 $0xFFFFF086;
	s6 =	sadd.s32 @!p0 s3, s7;
	s7 =	simm.s32 @!p0 $0x108  }
0x21: {  	s3 =	sadd.s32 s3, s9;
	s6 =	sadd.s32 @!p0 $0x88, s6;
	s7 =	simm.s32 @p2 $0x1082  }
0x22: {  	[simem:s7], [sflag:s8] =	dma.local @!p0 [hbm:s6], $0xF7A  }
0x23: {  	s9 =	sor.u32 $0xD0000000, s2;
	s6 =	simm.s32 $0x108;
	_ =	swait.ge @!p0 [sflag:s8], $0x0  }
0x24: {  	s3 =	sadd.s32 $0x88, s3;
	s6 =	simm.s32 @!p1 $0x1082;
	[sflag:s4] =	ssyncset.s32 $0xFFFFF086  }
0x25: {  	[simem:s6], [sflag:s4] =	dma.local [hbm:s3], $0xF7A  }
0x26: {  	[smem:$0x3F9A] =	sst s1;
	(tag) =	ssettag s2;
	_ =	strace s9  }
0x27: {  	s1 =	sld [smem:$0x3FAA]  }
0x28: {  	s2 =	sld [smem:$0x3FAB]  }
0x29: {  	s4 =	sld [smem:$0x3FAD]  }
0x2a: {  	p0 =	seq.s32 s5, $0x0;
	s5 =	sld [smem:$0x3FAE]  }
0x2b: {  	s6 =	sld [smem:$0x3FAF]  }
0x2c: {  	s7 =	sld [smem:$0x3FB0]  }
0x2d: {  	s3 =	simm.s32 $0x108;
	s8 =	sld [smem:$0x3FB1]  }
0x2e: {  	s3 =	simm.s32 @!p0 $0x1082;
	s9 =	sld [smem:$0x3FB2]  }
0x2f: {  	lr =	sadd.s32 s0, s3;
	s0 =	sld [smem:$0x3FA9]  }
0x30: {  	s3 =	sld [smem:$0x3FAC]  }
0x31: {  	[smem:$0x3FB5] =	sst s10  }
0x32: {  	s10 =	sld [smem:$0x3FB3];
	_ =	sdelay $0x3  }
0x33: {  	p0 =	seq.s32 s10, $0x1;
	s10 =	sld [smem:$0x3FB5];
	_ =	sdelay $0x3  }
0x34: {  	[smem:$0x3FB5] =	sst s10  }
0x35: {  	s10 =	sld [smem:$0x3FB4];
	_ =	sdelay $0x3  }
0x36: {  	p1 =	seq.s32 s10, $0x1;
	s10 =	sld [smem:$0x3FB5];
	_ =	sdelay $0x3  }
0x37: {  	[smem:$0x3FB5] =	sst s10  }
0x38: {  	s10 =	sld [smem:$0x3FB6]  }
0x39: {  	_ = 	snop;
	(pc) =	sbr.ind lr, $3  }
0x3a: {  	_ = 	snop  }
0x3b: {  	_ = 	snop  }
0x3c: {  	p2 =	seq.s32 s10, $0x1;
	s10 =	sld [smem:$0x3FB5]  }
0x3d: {  	_ =	shalt  }
0x3e: {  	_ =	shalt  }
0x3f: {  	_ =	shalt  }
0x40: {  	_ =	shalt  }
0x41: {  	_ =	shalt  }
0x42: {  	_ =	shalt  }
0x43: {  	_ =	shalt  }
0x44: {  	_ =	shalt  }
0x45: {  	_ =	shalt  }
0x46: {  	_ =	shalt  }
0x47: {  	_ =	shalt  }
0x48: {  	_ =	shalt  }
0x49: {  	_ =	shalt  }
0x4a: {  	_ =	shalt  }
0x4b: {  	_ =	shalt  }
0x4c: {  	_ =	shalt  }
0x4d: {  	_ =	shalt  }
0x4e: {  	_ =	shalt  }
0x4f: {  	_ =	shalt  }
0x50: {  	_ =	shalt  }
0x51: {  	_ =	shalt  }
0x52: {  	_ =	shalt  }
0x53: {  	_ =	shalt  }
0x54: {  	_ =	shalt  }
0x55: {  	_ =	shalt  }
0x56: {  	_ =	shalt  }
0x57: {  	_ =	shalt  }
0x58: {  	_ =	shalt  }
0x59: {  	_ =	shalt  }
0x5a: {  	_ =	shalt  }
0x5b: {  	_ =	shalt  }
0x5c: {  	_ =	shalt  }
0x5d: {  	_ =	shalt  }
0x5e: {  	_ =	shalt  }
0x5f: {  	_ =	shalt  }
0x60: {  	_ =	shalt  }
0x61: {  	_ =	shalt  }
0x62: {  	_ =	shalt  }
0x63: {  	_ =	shalt  }
0x64: {  	_ =	shalt  }
0x65: {  	_ =	shalt  }
0x66: {  	_ =	shalt  }
0x67: {  	_ =	shalt  }
0x68: {  	_ =	shalt  }
0x69: {  	_ =	shalt  }
0x6a: {  	_ =	shalt  }
0x6b: {  	_ =	shalt  }
0x6c: {  	_ =	shalt  }
0x6d: {  	_ =	shalt  }
0x6e: {  	_ =	shalt  }
0x6f: {  	_ =	shalt  }
0x70: {  	_ =	shalt  }
0x71: {  	_ =	shalt  }
0x72: {  	_ =	shalt  }
0x73: {  	_ =	shalt  }
0x74: {  	_ =	shalt  }
0x75: {  	_ =	shalt  }
0x76: {  	_ =	shalt  }
0x77: {  	_ =	shalt  }
0x78: {  	_ =	shalt  }
0x79: {  	_ =	shalt  }
0x7a: {  	_ =	shalt  }
0x7b: {  	_ =	shalt  }
0x7c: {  	_ =	shalt  }
0x7d: {  	_ =	shalt  }
0x7e: {  	_ =	shalt  }
0x7f: {  	_ =	shalt  }
0x80: {  	_ =	shalt  }
0x81: {  	_ =	shalt  }
0x82: {  	_ =	shalt  }
0x83: {  	_ =	shalt  }
0x84: {  	_ =	shalt  }
0x85: {  	_ =	shalt  }
0x86: {  	_ =	shalt  }
0x87: {  	_ =	shalt  }
.Lfunc_end0:
.L_simem_size_0:
called_computation.3_lowered:
.L_overlay_start_0:
0x88: {  	s2 =	sld [smem:$0x3FD9]  }
0x89: {  	s3 =	sld [smem:$0x3FFE];
	_ =	sdelay $0x1  }
0x8a: {  	s1 =	srdreg.scid  }
0x8b: {  	s0 =	sand.u32 $0x1, s1  }
0x8c: {  	s17 =	sshll.u32 s0, $0xA;
	s2 =	sadd.s32 s3, s2  }
0x8d: {  	s2 =	sadd.s32 s2, s17  }
0x8e: {  	[smem:$0x3FC1] =	sst s2  }
0x8f: {  	_ = 	snop  }
0x90: {  	s2 =	sld [smem:$0x3FD0];
	(tm) =	ssettm $0x1  }
0x91: {  	s18 =	sld [smem:$0x3FFB];
	_ =	sdelay $0x3  }
0x92: {  	_ =	strace s18  }
0x93: {  	s3 =	sld [smem:$0x3FFC];
	_ =	sdelay $0x3  }
0x94: {  	_ =	strace s3  }
0x95: {  	s3 =	sld [smem:$0x3FFD];
	_ =	sdelay $0x3  }
0x96: {  	_ =	strace s3  }
0x97: {  	_ =	strace $0x8FFFFFFF  }
0x98: {  	s19 =	sld [smem:$0x3FDB];
	_ =	sdelay $0x1  }
0x99: {  	s4 =	simm.s32 $_scs_section_size  }
0x9a: {  	s5 =	simm.s32 $_size__tile_overlayer_lowered;
	s6 =	simm.s32 $_tile_overlayer_lowered  }
0x9b: {  	s22 =	simm.s32 $0x1BFF;
	s21 =	sshll.u32 s6, $0x1;
	s3 =	sadd.s32 s4, s19  }
0x9c: {  	s7 =	simm.s32 $0x0;
	s20 =	sshll.u32 s5, $0x1;
	s5 =	sadd.s32 s21, s3  }
0x9d: {  	[timem:s7], [sflag:s22] =	dma.local [hbm:s5], s20  }
0x9e: {  	_ =	swait.ge [sflag:s22], s20  }
0x9f: {  	s4 =	ssub.s32 $0x0, s20;
	[sflag:s22] =	ssyncset.done $0x0  }
0xa0: {  	[sflag:s22] =	ssyncadd.s32 s4;
	_ =	sdelay $0x1  }
0xa1: {  	s23 =	simm.s32 $0x1B8B  }
0xa2: {  	_ =	swait.ge [sflag:s23], $0x1  }
0xa3: {  	[sflag:s23] =	ssyncset.done $0x0  }
0xa4: {  	s25 =	simm.s32 $0x1B8E;
	s24 =	sld [smem:$0x3FFE];
	[sflag:s23] =	ssyncadd.s32 $0xFFFFFFFF  }
0xa5: {  	s26 =	simm.s32 $execute0_lowered;
	[smem:$0x3FD2] =	sst s25  }
0xa6: {  	s5 =	sshll.u32 s26, $0x1;
	_ =	strace $0x8000004F;
	[dreg:$0x1] =	wrdreg $0xFFFFFFFF  }
0xa7: {  	s28 =	simm.s32 $_size_execute0_lowered;
	s3 =	sadd.s32 s3, s5;
	[dreg:$0x0] =	wrdreg $0x0  }
0xa8: {  	s5 =	sshll.u32 s28, $0x1;
	[dreg:$0x2] =	wrdreg s3  }
0xa9: {  	[dreg:$0x3] =	wrdreg s5  }
0xaa: {  	[dreg:$0x4] =	wrdreg $0xC0  }
0xab: {  	_ =	task [dreg:s7], $0x5FFFF  }
0xac: {  	[dreg:$0x1] =	wrdreg $0xFFFFFFFF  }
0xad: {  	[dreg:$0x0] =	wrdreg $0x60  }
0xae: {  	[dreg:$0x2] =	wrdreg s24  }
0xaf: {  	[dreg:$0x3] =	wrdreg s2  }
0xb0: {  	[dreg:$0x4] =	wrdreg $0x88000  }
0xb1: {  	[dreg:$0x5] =	wrdreg $0x9  }
0xb2: {  	_ =	task.clear_ibuf [dreg:s7], $0x6FFFF;
	_ =	strace $0x9000004F  }
0xb3: {  	s29 =	simm.s32 $0x9;
	_ =	strace $0x80000051  }
0xb4: {  	_ =	swait.ge [sflag:s29], $0x1  }
0xb5: {  	[sflag:s29] =	ssyncadd.s32 $0xFFFFFFFF  }
0xb6: {  	_ =	strace $0x90000051  }
0xb7: {  	_ =	sfence  }
0xb8: {  	s30 =	sld [smem:$0x0];
	_ =	sdelay $0x2  }
0xb9: {  	s31 =	sshll.u32 s1, $0xD;
	s1 =	sshrl.u32 s1, $0x2  }
0xba: {  	s3 =	sand.u32 $0x4000, s31;
	s1 =	sadd.s32 s1, s30  }
0xbb: {  	s0 =	sor.u32 s3, s0;
	s1 =	sshll.u32 s1, $0x11  }
0xbc: {  	s0 =	sor.u32 s1, s0  }
0xbd: {  	s0 =	sadd.s32 $0x8F2B, s0  }
0xbe: {  	[sflag:s0] =	ssyncadd.remote.s32 $0x1  }
0xbf: {  	_ =	sfence.sel $0xFFFF  }
0xc0: {  	[dreg:$0x0] =	wrdreg $0xFFFFFFFF;
	(pc) =	sbr.abs _section_cstart, $3  }
0xc1: {  	[dreg:$0x1] =	wrdreg $0xFFFFFFFF  }
0xc2: {  	_ =	task.clear_ibuf [dreg:s7], $0x2FFFF;
	_ =	strace $0x9FFFFFFF  }
0xc3: {  	(tm) =	ssettm $0x7FFFFFFF  }
tec
execute0_lowered:
.L_overlay_start_1:
0x0: {  	(tag) =	ssettag $0x1  }
0x1: {  	s2 =	srdreg.scid  }
0x2: {  	s9 =	rddreg [dreg:$0x0];
	s31 =	sand.u32 $0x1, s2  }
0x3: {  	s1 =	rddreg [dreg:$0x1];
	s0 =	stileid.u32;
	s25 =	sshll.u32 s31, $0x4  }
0x4: {  	s3 =	simm.s32 $0x0;
	[dreg:$0x4] =	wrdreg s1;
	s1 =	sor.u32 s0, s25  }
0x5: {  	[smem:$0x7FF] =	sst s3;
	s4 =	smul.u32 $0x280, s1  }
0x6: {  	s2 =	rddreg [dreg:$0x2];
	_ =	strace $0x80000050;
	s1 =	smul.u32 $0x7800, s0  }
0x7: {  	s26 =	sshll.u32 s0, $0x6;
	s8 =	rddreg [dreg:$0x4];
	s7 =	sadd.s32 s4, s9  }
0x8: {  	s5 =	sadd.s32 s1, s2;
	s4 =	sor.u32 $0x1C02, s26;
	s6 =	sadd.s32 $0xB400, s7  }
0x9: {  	[dreg:$0x5] =	wrdreg s6;
	s6 =	sshrl.u32 s5, $0x3;
	s5 =	simm.s32 $0x2  }
0xa: {  	[spmem:s6], [sflag:s4] =	dma.local [hbm:s8], $0xF00  }
0xb: {  	_ =	swait.ge [sflag:s5], $0xF00  }
0xc: {  	[sflag:s5] =	ssyncset.done $0x0  }
0xd: {  	s0 =	rddreg [dreg:$0x5];
	[sflag:s5] =	ssyncadd.s32 $0xFFFFF100  }
0xe: {  	[tilespmem:s3], [sflag:$0x2] =	stream.linear.gather [hbm4b:s0+s3], $0x1400, $0x38;
	[tilespmem:$0x10000] =	vst v63  }
0xf: {  	_ =	swait.ge [sflag:s5], $0x1400  }
0x10: {  	[sflag:s5] =	ssyncset.done $0x0  }
0x11: {  	s7 =	sadd.s32 $0x5A00, s7;
	s8 =	simm.s32 $0x1400;
	[sflag:s5] =	ssyncadd.s32 $0xFFFFEC00  }
0x12: {  	[tilespmem:s8], [sflag:$0x2] =	stream.linear.gather [hbm4b:s7+s3], $0x1400, $0x38;
	[tilespmem:$0x10000] =	vst v63  }
0x13: {  	_ =	swait.ge [sflag:s5], $0x1400  }
0x14: {  	[sflag:s5] =	ssyncset.done $0x0  }
0x15: {  	s10 =	simm.s32 $0x200;
	s11 =	simm.s32 $0x2800;
	[sflag:s5] =	ssyncadd.s32 $0xFFFFEC00  }
0x16: {  	s12 =	simm.s32 $0x1;
	s9 =	sadd.s32 $0x5E800, s9;
	[bflag:$0x0] =	sbarrier.arrive $0xFFFF  }
0x17: {  	[tilespmem:s11], [sflag:$0x1] =	stream.indirect.gather [hbm4b:s9+s10], $0x30, s3, s10, $0xb8;
	[tilespmem:$0x10000] =	vst v63  }
0x18: {  	_ =	swait.ge [sflag:s12], $0x6000  }
0x19: {  	[sflag:s12] =	ssyncset.done $0x0  }
0x1a: {  	[sflag:s12] =	ssyncadd.s32 $0xFFFFA000  }
0x1b: {  	[spmem:s2] =	stream.indirect.scatter.add.f32 [tilespmem:s11], [sflag:$0x2], $0x30, s8, s10, $0xb8;
	[tilespmem:$0x10000] =	vst v63  }
0x1c: {  	_ =	swait.ge [sflag:s5], $0x6000  }
0x1d: {  	[sflag:s5] =	ssyncset.done $0x0  }
0x1e: {  	[sflag:s5] =	ssyncadd.s32 $0xFFFFA000  }
0x1f: {  	[tilespmem:s11], [sflag:$0x1] =	stream.indirect.gather [hbm4b:s9+s10], $0x30, s10, s10, $0xb8;
	[tilespmem:$0x10000] =	vst v63  }
0x20: {  	_ =	swait.ge [sflag:s12], $0x6000  }
0x21: {  	[sflag:s12] =	ssyncset.done $0x0  }
0x22: {  	s13 =	simm.s32 $0x1600;
	[sflag:s12] =	ssyncadd.s32 $0xFFFFA000  }
0x23: {  	[spmem:s2] =	stream.indirect.scatter.add.f32 [tilespmem:s11], [sflag:$0x2], $0x30, s13, s10, $0xb8;
	[tilespmem:$0x10000] =	vst v63  }
0x24: {  	_ =	swait.ge [sflag:s5], $0x6000  }
0x25: {  	[sflag:s5] =	ssyncset.done $0x0  }
0x26: {  	s14 =	simm.s32 $0x400;
	[sflag:s5] =	ssyncadd.s32 $0xFFFFA000  }
0x27: {  	[tilespmem:s11], [sflag:$0x1] =	stream.indirect.gather [hbm4b:s9+s10], $0x30, s14, s10, $0xb8;
	[tilespmem:$0x10000] =	vst v63  }
0x28: {  	_ =	swait.ge [sflag:s12], $0x6000  }
0x29: {  	[sflag:s12] =	ssyncset.done $0x0  }
0x2a: {  	s15 =	simm.s32 $0x1800;
	[sflag:s12] =	ssyncadd.s32 $0xFFFFA000  }
0x2b: {  	[spmem:s2] =	stream.indirect.scatter.add.f32 [tilespmem:s11], [sflag:$0x2], $0x30, s15, s10, $0xb8;
	[tilespmem:$0x10000] =	vst v63  }
0x2c: {  	_ =	swait.ge [sflag:s5], $0x6000  }
0x2d: {  	[sflag:s5] =	ssyncset.done $0x0  }
0x2e: {  	s16 =	simm.s32 $0x600;
	[sflag:s5] =	ssyncadd.s32 $0xFFFFA000  }
0x2f: {  	[tilespmem:s11], [sflag:$0x1] =	stream.indirect.gather [hbm4b:s9+s10], $0x30, s16, s10, $0xb8;
	[tilespmem:$0x10000] =	vst v63  }
0x30: {  	_ =	swait.ge [sflag:s12], $0x6000  }
0x31: {  	[sflag:s12] =	ssyncset.done $0x0  }
0x32: {  	s17 =	simm.s32 $0x1A00;
	[sflag:s12] =	ssyncadd.s32 $0xFFFFA000  }
0x33: {  	[spmem:s2] =	stream.indirect.scatter.add.f32 [tilespmem:s11], [sflag:$0x2], $0x30, s17, s10, $0xb8;
	[tilespmem:$0x10000] =	vst v63  }
0x34: {  	_ =	swait.ge [sflag:s5], $0x6000  }
0x35: {  	[sflag:s5] =	ssyncset.done $0x0  }
0x36: {  	s18 =	simm.s32 $0x800;
	[sflag:s5] =	ssyncadd.s32 $0xFFFFA000  }
0x37: {  	[tilespmem:s11], [sflag:$0x1] =	stream.indirect.gather [hbm4b:s9+s10], $0x30, s18, s10, $0xb8;
	[tilespmem:$0x10000] =	vst v63  }
0x38: {  	_ =	swait.ge [sflag:s12], $0x6000  }
0x39: {  	[sflag:s12] =	ssyncset.done $0x0  }
0x3a: {  	s19 =	simm.s32 $0x1C00;
	[sflag:s12] =	ssyncadd.s32 $0xFFFFA000  }
0x3b: {  	[spmem:s2] =	stream.indirect.scatter.add.f32 [tilespmem:s11], [sflag:$0x2], $0x30, s19, s10, $0xb8;
	[tilespmem:$0x10000] =	vst v63  }
0x3c: {  	_ =	swait.ge [sflag:s5], $0x6000  }
0x3d: {  	[sflag:s5] =	ssyncset.done $0x0  }
0x3e: {  	s20 =	simm.s32 $0xA00;
	[sflag:s5] =	ssyncadd.s32 $0xFFFFA000  }
0x3f: {  	[tilespmem:s11], [sflag:$0x1] =	stream.indirect.gather [hbm4b:s9+s10], $0x30, s20, s10, $0xb8;
	[tilespmem:$0x10000] =	vst v63  }
0x40: {  	_ =	swait.ge [sflag:s12], $0x6000  }
0x41: {  	[sflag:s12] =	ssyncset.done $0x0  }
0x42: {  	s21 =	simm.s32 $0x1E00;
	[sflag:s12] =	ssyncadd.s32 $0xFFFFA000  }
0x43: {  	[spmem:s2] =	stream.indirect.scatter.add.f32 [tilespmem:s11], [sflag:$0x2], $0x30, s21, s10, $0xb8;
	[tilespmem:$0x10000] =	vst v63  }
0x44: {  	_ =	swait.ge [sflag:s5], $0x6000  }
0x45: {  	[sflag:s5] =	ssyncset.done $0x0  }
0x46: {  	s22 =	simm.s32 $0xC00;
	[sflag:s5] =	ssyncadd.s32 $0xFFFFA000  }
0x47: {  	[tilespmem:s11], [sflag:$0x1] =	stream.indirect.gather [hbm4b:s9+s10], $0x30, s22, s10, $0xb8;
	[tilespmem:$0x10000] =	vst v63  }
0x48: {  	_ =	swait.ge [sflag:s12], $0x6000  }
0x49: {  	[sflag:s12] =	ssyncset.done $0x0  }
0x4a: {  	s23 =	simm.s32 $0x2000;
	[sflag:s12] =	ssyncadd.s32 $0xFFFFA000  }
0x4b: {  	[spmem:s2] =	stream.indirect.scatter.add.f32 [tilespmem:s11], [sflag:$0x2], $0x30, s23, s10, $0xb8;
	[tilespmem:$0x10000] =	vst v63  }
0x4c: {  	_ =	swait.ge [sflag:s5], $0x6000  }
0x4d: {  	[sflag:s5] =	ssyncset.done $0x0  }
0x4e: {  	s24 =	simm.s32 $0xE00;
	[sflag:s5] =	ssyncadd.s32 $0xFFFFA000  }
0x4f: {  	[tilespmem:s11], [sflag:$0x1] =	stream.indirect.gather [hbm4b:s9+s10], $0x30, s24, s10, $0xb8;
	[tilespmem:$0x10000] =	vst v63  }
0x50: {  	_ =	swait.ge [sflag:s12], $0x6000  }
0x51: {  	[sflag:s12] =	ssyncset.done $0x0  }
0x52: {  	s25 =	simm.s32 $0x2200;
	[sflag:s12] =	ssyncadd.s32 $0xFFFFA000  }
0x53: {  	[spmem:s2] =	stream.indirect.scatter.add.f32 [tilespmem:s11], [sflag:$0x2], $0x30, s25, s10, $0xb8;
	[tilespmem:$0x10000] =	vst v63  }
0x54: {  	_ =	swait.ge [sflag:s5], $0x6000  }
0x55: {  	[sflag:s5] =	ssyncset.done $0x0  }
0x56: {  	s26 =	simm.s32 $0x1000;
	[sflag:s5] =	ssyncadd.s32 $0xFFFFA000  }
0x57: {  	[tilespmem:s11], [sflag:$0x1] =	stream.indirect.gather [hbm4b:s9+s10], $0x30, s26, s10, $0xb8;
	[tilespmem:$0x10000] =	vst v63  }
0x58: {  	_ =	swait.ge [sflag:s12], $0x6000  }
0x59: {  	[sflag:s12] =	ssyncset.done $0x0  }
0x5a: {  	s28 =	simm.s32 $0x2400;
	[sflag:s12] =	ssyncadd.s32 $0xFFFFA000  }
0x5b: {  	[spmem:s2] =	stream.indirect.scatter.add.f32 [tilespmem:s11], [sflag:$0x2], $0x30, s28, s10, $0xb8;
	[tilespmem:$0x10000] =	vst v63  }
0x5c: {  	_ =	swait.ge [sflag:s5], $0x6000  }
0x5d: {  	[sflag:s5] =	ssyncset.done $0x0  }
0x5e: {  	s29 =	simm.s32 $0x1200;
	s0 =	smul.u32 $0x78000, s31;
	[sflag:s5] =	ssyncadd.s32 $0xFFFFA000  }
0x5f: {  	[tilespmem:s11], [sflag:$0x1] =	stream.indirect.gather [hbm4b:s9+s10], $0x30, s29, s10, $0xb8;
	[tilespmem:$0x10000] =	vst v63  }
0x60: {  	_ =	swait.ge [sflag:s12], $0x6000  }
0x61: {  	s30 =	simm.s32 $0x2600;
	s0 =	sadd.s32 s1, s0;
	[sflag:s12] =	ssyncset.done $0x0  }
0x62: {  	s1 =	ssub.s32 $0x2, s31;
	s0 =	sshrl.u32 s0, $0x3;
	[sflag:s12] =	ssyncadd.s32 $0xFFFFA000  }
0x63: {  	[spmem:s2] =	stream.indirect.scatter.add.f32 [tilespmem:s11], [sflag:$0x2], $0x30, s30, s10, $0xb8;
	[tilespmem:$0x10000] =	vst v63  }
0x64: {  	_ =	swait.ge [sflag:s5], $0x6000;
	[dreg:$0x6] =	wrdreg s0;
	s0 =	sshrl.u32 s1, $0x1  }
0x65: {  	[dreg:$0x7] =	wrdreg s0  }
0x66: {  	[sflag:s5] =	ssyncset.done $0x0;
	s31 =	rddreg [dreg:$0x6]  }
0x67: {  	s0 =	rddreg [dreg:$0x0]  }
0x68: {  	s0 =	sadd.s32 s31, s0;
	s31 =	rddreg [dreg:$0x7]  }
0x69: {  	s1 =	ssub.s32 s1, s31  }
0x6a: {  	s1 =	smax.u32 s1, $0x1  }
0x6b: {  	p0 =	sne.s32 s1, $0x1  }
.Ltmp0:
0x6c: {  	_ = 	snop;
	(pc) =	sbr.rel @!p0 .LBB2_2-.Ltmp0, $4  }
0x6d: {  	[sflag:s5] =	ssyncadd.s32 $0xFFFFA000  }
0x6e: {  	[bflag:$0x0] =	sbarrier.arrive $0xFFFF;
	s31 =	sadd.s32 $0x6D400, s0  }
0x6f: {  	[hbm:s31], [sflag:s4] =	dma.local [spmem:s6], $0xF00  }
0x70: {  	s0 =	sadd.s32 $0xFFFFFFFF, s1;
	_ =	swait.ge [sflag:s5], $0xF00  }
.LBB2_1:
0x71: {  	[sflag:s5] =	ssyncset.done $0x0  }
0x72: {  	s1 =	rddreg [dreg:$0x4];
	[sflag:s5] =	ssyncadd.s32 $0xFFFFF100  }
0x73: {  	[spmem:s6], [sflag:s4] =	dma.local [hbm:s1], $0xF00  }
0x74: {  	_ =	swait.ge [sflag:s5], $0xF00  }
0x75: {  	[sflag:s5] =	ssyncset.done $0x0  }
0x76: {  	s1 =	rddreg [dreg:$0x5];
	[sflag:s5] =	ssyncadd.s32 $0xFFFFF100  }
0x77: {  	[tilespmem:s3], [sflag:$0x2] =	stream.linear.gather [hbm4b:s1+s3], $0x1400, $0x38;
	[tilespmem:$0x10000] =	vst v63  }
0x78: {  	_ =	swait.ge [sflag:s5], $0x1400  }
0x79: {  	[sflag:s5] =	ssyncset.done $0x0  }
0x7a: {  	[sflag:s5] =	ssyncadd.s32 $0xFFFFEC00  }
0x7b: {  	[tilespmem:s8], [sflag:$0x2] =	stream.linear.gather [hbm4b:s7+s3], $0x1400, $0x38;
	[tilespmem:$0x10000] =	vst v63  }
0x7c: {  	_ =	swait.ge [sflag:s5], $0x1400  }
0x7d: {  	[sflag:s5] =	ssyncset.done $0x0  }
0x7e: {  	[sflag:s5] =	ssyncadd.s32 $0xFFFFEC00  }
0x7f: {  	[bflag:$0x0] =	sbarrier.arrive $0xFFFF  }
0x80: {  	[tilespmem:s11], [sflag:$0x1] =	stream.indirect.gather [hbm4b:s9+s10], $0x30, s3, s10, $0xb8;
	[tilespmem:$0x10000] =	vst v63  }
0x81: {  	_ =	swait.ge [sflag:s12], $0x6000  }
0x82: {  	[sflag:s12] =	ssyncset.done $0x0  }
0x83: {  	[sflag:s12] =	ssyncadd.s32 $0xFFFFA000  }
0x84: {  	[spmem:s2] =	stream.indirect.scatter.add.f32 [tilespmem:s11], [sflag:$0x2], $0x30, s8, s10, $0xb8;
	[tilespmem:$0x10000] =	vst v63  }
0x85: {  	_ =	swait.ge [sflag:s5], $0x6000  }
0x86: {  	[sflag:s5] =	ssyncset.done $0x0  }
0x87: {  	[sflag:s5] =	ssyncadd.s32 $0xFFFFA000  }
0x88: {  	[tilespmem:s11], [sflag:$0x1] =	stream.indirect.gather [hbm4b:s9+s10], $0x30, s10, s10, $0xb8;
	[tilespmem:$0x10000] =	vst v63  }
0x89: {  	_ =	swait.ge [sflag:s12], $0x6000  }
0x8a: {  	[sflag:s12] =	ssyncset.done $0x0  }
0x8b: {  	[sflag:s12] =	ssyncadd.s32 $0xFFFFA000  }
0x8c: {  	[spmem:s2] =	stream.indirect.scatter.add.f32 [tilespmem:s11], [sflag:$0x2], $0x30, s13, s10, $0xb8;
	[tilespmem:$0x10000] =	vst v63  }
0x8d: {  	_ =	swait.ge [sflag:s5], $0x6000  }
0x8e: {  	[sflag:s5] =	ssyncset.done $0x0  }
0x8f: {  	[sflag:s5] =	ssyncadd.s32 $0xFFFFA000  }
0x90: {  	[tilespmem:s11], [sflag:$0x1] =	stream.indirect.gather [hbm4b:s9+s10], $0x30, s14, s10, $0xb8;
	[tilespmem:$0x10000] =	vst v63  }
0x91: {  	_ =	swait.ge [sflag:s12], $0x6000  }
0x92: {  	[sflag:s12] =	ssyncset.done $0x0  }
0x93: {  	[sflag:s12] =	ssyncadd.s32 $0xFFFFA000  }
0x94: {  	[spmem:s2] =	stream.indirect.scatter.add.f32 [tilespmem:s11], [sflag:$0x2], $0x30, s15, s10, $0xb8;
	[tilespmem:$0x10000] =	vst v63  }
0x95: {  	_ =	swait.ge [sflag:s5], $0x6000  }
0x96: {  	[sflag:s5] =	ssyncset.done $0x0  }
0x97: {  	[sflag:s5] =	ssyncadd.s32 $0xFFFFA000  }
0x98: {  	[tilespmem:s11], [sflag:$0x1] =	stream.indirect.gather [hbm4b:s9+s10], $0x30, s16, s10, $0xb8;
	[tilespmem:$0x10000] =	vst v63  }
0x99: {  	_ =	swait.ge [sflag:s12], $0x6000  }
0x9a: {  	[sflag:s12] =	ssyncset.done $0x0  }
0x9b: {  	[sflag:s12] =	ssyncadd.s32 $0xFFFFA000  }
0x9c: {  	[spmem:s2] =	stream.indirect.scatter.add.f32 [tilespmem:s11], [sflag:$0x2], $0x30, s17, s10, $0xb8;
	[tilespmem:$0x10000] =	vst v63  }
0x9d: {  	_ =	swait.ge [sflag:s5], $0x6000  }
0x9e: {  	[sflag:s5] =	ssyncset.done $0x0  }
0x9f: {  	[sflag:s5] =	ssyncadd.s32 $0xFFFFA000  }
0xa0: {  	[tilespmem:s11], [sflag:$0x1] =	stream.indirect.gather [hbm4b:s9+s10], $0x30, s18, s10, $0xb8;
	[tilespmem:$0x10000] =	vst v63  }
0xa1: {  	_ =	swait.ge [sflag:s12], $0x6000  }
0xa2: {  	[sflag:s12] =	ssyncset.done $0x0  }
0xa3: {  	[sflag:s12] =	ssyncadd.s32 $0xFFFFA000  }
0xa4: {  	[spmem:s2] =	stream.indirect.scatter.add.f32 [tilespmem:s11], [sflag:$0x2], $0x30, s19, s10, $0xb8;
	[tilespmem:$0x10000] =	vst v63  }
0xa5: {  	_ =	swait.ge [sflag:s5], $0x6000  }
0xa6: {  	[sflag:s5] =	ssyncset.done $0x0  }
0xa7: {  	[sflag:s5] =	ssyncadd.s32 $0xFFFFA000  }
0xa8: {  	[tilespmem:s11], [sflag:$0x1] =	stream.indirect.gather [hbm4b:s9+s10], $0x30, s20, s10, $0xb8;
	[tilespmem:$0x10000] =	vst v63  }
0xa9: {  	_ =	swait.ge [sflag:s12], $0x6000  }
0xaa: {  	[sflag:s12] =	ssyncset.done $0x0  }
0xab: {  	[sflag:s12] =	ssyncadd.s32 $0xFFFFA000  }
0xac: {  	[spmem:s2] =	stream.indirect.scatter.add.f32 [tilespmem:s11], [sflag:$0x2], $0x30, s21, s10, $0xb8;
	[tilespmem:$0x10000] =	vst v63  }
0xad: {  	_ =	swait.ge [sflag:s5], $0x6000  }
0xae: {  	[sflag:s5] =	ssyncset.done $0x0  }
0xaf: {  	[sflag:s5] =	ssyncadd.s32 $0xFFFFA000  }
0xb0: {  	[tilespmem:s11], [sflag:$0x1] =	stream.indirect.gather [hbm4b:s9+s10], $0x30, s22, s10, $0xb8;
	[tilespmem:$0x10000] =	vst v63  }
0xb1: {  	_ =	swait.ge [sflag:s12], $0x6000  }
0xb2: {  	[sflag:s12] =	ssyncset.done $0x0  }
0xb3: {  	[sflag:s12] =	ssyncadd.s32 $0xFFFFA000  }
0xb4: {  	[spmem:s2] =	stream.indirect.scatter.add.f32 [tilespmem:s11], [sflag:$0x2], $0x30, s23, s10, $0xb8;
	[tilespmem:$0x10000] =	vst v63  }
0xb5: {  	_ =	swait.ge [sflag:s5], $0x6000  }
0xb6: {  	[sflag:s5] =	ssyncset.done $0x0  }
0xb7: {  	[sflag:s5] =	ssyncadd.s32 $0xFFFFA000  }
0xb8: {  	[tilespmem:s11], [sflag:$0x1] =	stream.indirect.gather [hbm4b:s9+s10], $0x30, s24, s10, $0xb8;
	[tilespmem:$0x10000] =	vst v63  }
0xb9: {  	_ =	swait.ge [sflag:s12], $0x6000  }
0xba: {  	[sflag:s12] =	ssyncset.done $0x0  }
0xbb: {  	[sflag:s12] =	ssyncadd.s32 $0xFFFFA000  }
0xbc: {  	[spmem:s2] =	stream.indirect.scatter.add.f32 [tilespmem:s11], [sflag:$0x2], $0x30, s25, s10, $0xb8;
	[tilespmem:$0x10000] =	vst v63  }
0xbd: {  	_ =	swait.ge [sflag:s5], $0x6000  }
0xbe: {  	[sflag:s5] =	ssyncset.done $0x0  }
0xbf: {  	[sflag:s5] =	ssyncadd.s32 $0xFFFFA000  }
0xc0: {  	[tilespmem:s11], [sflag:$0x1] =	stream.indirect.gather [hbm4b:s9+s10], $0x30, s26, s10, $0xb8;
	[tilespmem:$0x10000] =	vst v63  }
0xc1: {  	_ =	swait.ge [sflag:s12], $0x6000  }
0xc2: {  	[sflag:s12] =	ssyncset.done $0x0  }
0xc3: {  	[sflag:s12] =	ssyncadd.s32 $0xFFFFA000  }
0xc4: {  	[spmem:s2] =	stream.indirect.scatter.add.f32 [tilespmem:s11], [sflag:$0x2], $0x30, s28, s10, $0xb8;
	[tilespmem:$0x10000] =	vst v63  }
0xc5: {  	_ =	swait.ge [sflag:s5], $0x6000  }
0xc6: {  	[sflag:s5] =	ssyncset.done $0x0  }
0xc7: {  	[sflag:s5] =	ssyncadd.s32 $0xFFFFA000  }
0xc8: {  	[tilespmem:s11], [sflag:$0x1] =	stream.indirect.gather [hbm4b:s9+s10], $0x30, s29, s10, $0xb8;
	[tilespmem:$0x10000] =	vst v63  }
0xc9: {  	_ =	swait.ge [sflag:s12], $0x6000  }
0xca: {  	[sflag:s12] =	ssyncset.done $0x0  }
0xcb: {  	[sflag:s12] =	ssyncadd.s32 $0xFFFFA000  }
0xcc: {  	[spmem:s2] =	stream.indirect.scatter.add.f32 [tilespmem:s11], [sflag:$0x2], $0x30, s30, s10, $0xb8;
	[tilespmem:$0x10000] =	vst v63  }
0xcd: {  	p0 =	sne.s32 s0, $0x1;
	_ =	swait.ge [sflag:s5], $0x6000  }
.Ltmp1:
0xce: {  	[sflag:s5] =	ssyncset.done $0x0;
	(pc) =	sbr.rel @p0 .LBB2_1-.Ltmp1, $4  }
0xcf: {  	[sflag:s5] =	ssyncadd.s32 $0xFFFFA000  }
0xd0: {  	[bflag:$0x0] =	sbarrier.arrive $0xFFFF  }
0xd1: {  	[hbm:s31], [sflag:s4] =	dma.local [spmem:s6], $0xF00  }
0xd2: {  	s0 =	sadd.s32 $0xFFFFFFFF, s0;
	_ =	swait.ge [sflag:s5], $0xF00  }
.LBB2_2:
0xd3: {  	[sflag:s5] =	ssyncset.done $0x0  }
0xd4: {  	[sflag:s5] =	ssyncadd.s32 $0xFFFFF100  }
0xd5: {  	_ =	sfence.sel $0x180000  }
0xd6: {  	[bflag:$0x0] =	sbarrier.arrive $0xFFFF  }
0xd7: {  	_ =	strace $0x90000050  }
0xd8: {  	s0 =	stileid.u32;
	[bflag:$0x2] =	sbarrier.arrive $0xFFFF  }
0xd9: {  	p0 =	sne.s32 s0, $0x0;
	s0 =	rddreg [dreg:$0x3]  }
0xda: {  	s0 =	sadd.s32 @!p0 $0x100000, s0  }
0xdb: {  	[sflag:s0] =	ssyncadd.tile.s32 @!p0 $0x1;
	_ =	shalt  }
.Lfunc_end2:
_tile_overlayer_lowered:
.L_overlay_start_2:
0xdc: {  	(tag) =	ssettag $0x2  }
0xdd: {  	s0 =	rddreg [dreg:$0x0];
	s2 =	stileid.u32  }
0xde: {  	s1 =	rddreg [dreg:$0x1];
	p0 =	sne.s32 s2, $0x0  }
0xdf: {  	s3 =	rddreg [dreg:$0x2];
	[bflag:$0x3] =	sbarrier.arrive $0xFFFF;
	s2 =	simm.s32 @!p0 $0x1C02  }
0xe0: {  	[timem:s3], [sflag:s2] =	dma.local @!p0 [hbm:s0], s1  }
0xe1: {  	s0 =	simm.s32 @!p0 $0x2  }
0xe2: {  	_ =	swait.ge @!p0 [sflag:s0], s1  }
0xe3: {  	s1 =	ssub.s32 @!p0 $0x0, s1;
	[sflag:s0] =	ssyncset.done @!p0 $0x0  }
0xe4: {  	[sflag:s0] =	ssyncadd.s32 @!p0 s1  }
0xe5: {  	[bflag:$0x3] =	sbarrier.arrive $0xFFFF  }
0xe6: {  	_ =	shalt  }

// kernel: kernel.24.cloned.1.call-start
scs
__scs_entry_jumppad:
0x0: {  	(pc) =	sbr.rel $0x88, $3  }
0x1: {  	(tag) =	ssettag $0x0;
	lr =	simm.s32 $0x1  }
0x2: {  	[smem:$0x3F9A] =	sst lr;
	_ =	strace $0xD0000000  }
0x3: {  	_ = 	snop  }
0x4: {  	_ = 	snop  }
0x5: {  	_ = 	snop  }
0x6: {  	_ = 	snop  }
0x7: {  	_ = 	snop  }
__scs_overlays_trampoline_lowered:
0x8: {  	[smem:$0x3FA9] =	sst s0  }
0x9: {  	[smem:$0x3FAA] =	sst s1  }
0xa: {  	[smem:$0x3FAB] =	sst s2  }
0xb: {  	[smem:$0x3FAC] =	sst s3  }
0xc: {  	[smem:$0x3FAD] =	sst s4  }
0xd: {  	[smem:$0x3FAE] =	sst s5  }
0xe: {  	[smem:$0x3FAF] =	sst s6  }
0xf: {  	[smem:$0x3FB0] =	sst s7  }
0x10: {  	[smem:$0x3FB1] =	sst s8  }
0x11: {  	[smem:$0x3FB2] =	sst s9;
	s0 =	simm.s32 @!p0 $0x0  }
0x12: {  	s1 =	sld [smem:$0x3F98];
	s0 =	simm.s32 @p0 $0x1  }
0x13: {  	[smem:$0x3FB3] =	sst s0;
	s0 =	simm.s32 @!p1 $0x0  }
0x14: {  	s2 =	sld [smem:$0x3F97];
	s0 =	simm.s32 @p1 $0x1  }
0x15: {  	[smem:$0x3FB4] =	sst s0;
	s0 =	simm.s32 @!p2 $0x0  }
0x16: {  	s3 =	sld [smem:$0x3FDB];
	s0 =	simm.s32 @p2 $0x1  }
0x17: {  	s4 =	simm.s32 $0x1BF5;
	[smem:$0x3FB6] =	sst s0  }
0x18: {  	s0 =	sld [smem:$0x3F99];
	_ =	swait.ge [sflag:s4], $0x0  }
0x19: {  	s7 =	sld [smem:$0x3F9A]  }
0x1a: {  	s8 =	sadd.s32 $0xFFFFE003, lr  }
0x1b: {  	s9 =	sadd.s32 $0xFFFFFEF7, lr;
	s5 =	simm.s32 $0xFFFFFFFF;
	p2 =	slt.u32 s8, $0xFFFFF086  }
0x1c: {  	p1 =	slt.u32 s9, $0xF7A;
	s5 =	simm.s32 @!p2 $0x0  }
0x1d: {  	s5 =	simm.s32 @p1 $0x1;
	p0 =	seq.s32 s7, s2  }
0x1e: {  	s7 =	smul.u32 @!p0 $0xF7A, s2;
	p2 =	seq.s32 @!p0 s5, $0x0  }
0x1f: {  	s9 =	smul.u32 $0xF7A, s1;
	s8 =	simm.s32 @!p0 $0x1BF5;
	p2 =	por !p2, p0  }
0x20: {  	[sflag:s8] =	ssyncset.s32 @!p0 $0xFFFFF086;
	s6 =	sadd.s32 @!p0 s3, s7;
	s7 =	simm.s32 @!p0 $0x108  }
0x21: {  	s3 =	sadd.s32 s3, s9;
	s6 =	sadd.s32 @!p0 $0x88, s6;
	s7 =	simm.s32 @p2 $0x1082  }
0x22: {  	[simem:s7], [sflag:s8] =	dma.local @!p0 [hbm:s6], $0xF7A  }
0x23: {  	s9 =	sor.u32 $0xD0000000, s2;
	s6 =	simm.s32 $0x108;
	_ =	swait.ge @!p0 [sflag:s8], $0x0  }
0x24: {  	s3 =	sadd.s32 $0x88, s3;
	s6 =	simm.s32 @!p1 $0x1082;
	[sflag:s4] =	ssyncset.s32 $0xFFFFF086  }
0x25: {  	[simem:s6], [sflag:s4] =	dma.local [hbm:s3], $0xF7A  }
0x26: {  	[smem:$0x3F9A] =	sst s1;
	(tag) =	ssettag s2;
	_ =	strace s9  }
0x27: {  	s1 =	sld [smem:$0x3FAA]  }
0x28: {  	s2 =	sld [smem:$0x3FAB]  }
0x29: {  	s4 =	sld [smem:$0x3FAD]  }
0x2a: {  	p0 =	seq.s32 s5, $0x0;
	s5 =	sld [smem:$0x3FAE]  }
0x2b: {  	s6 =	sld [smem:$0x3FAF]  }
0x2c: {  	s7 =	sld [smem:$0x3FB0]  }
0x2d: {  	s3 =	simm.s32 $0x108;
	s8 =	sld [smem:$0x3FB1]  }
0x2e: {  	s3 =	simm.s32 @!p0 $0x1082;
	s9 =	sld [smem:$0x3FB2]  }
0x2f: {  	lr =	sadd.s32 s0, s3;
	s0 =	sld [smem:$0x3FA9]  }
0x30: {  	s3 =	sld [smem:$0x3FAC]  }
0x31: {  	[smem:$0x3FB5] =	sst s10  }
0x32: {  	s10 =	sld [smem:$0x3FB3];
	_ =	sdelay $0x3  }
0x33: {  	p0 =	seq.s32 s10, $0x1;
	s10 =	sld [smem:$0x3FB5];
	_ =	sdelay $0x3  }
0x34: {  	[smem:$0x3FB5] =	sst s10  }
0x35: {  	s10 =	sld [smem:$0x3FB4];
	_ =	sdelay $0x3  }
0x36: {  	p1 =	seq.s32 s10, $0x1;
	s10 =	sld [smem:$0x3FB5];
	_ =	sdelay $0x3  }
0x37: {  	[smem:$0x3FB5] =	sst s10  }
0x38: {  	s10 =	sld [smem:$0x3FB6]  }
0x39: {  	_ = 	snop;
	(pc) =	sbr.ind lr, $3  }
0x3a: {  	_ = 	snop  }
0x3b: {  	_ = 	snop  }
0x3c: {  	p2 =	seq.s32 s10, $0x1;
	s10 =	sld [smem:$0x3FB5]  }
0x3d: {  	_ =	shalt  }
0x3e: {  	_ =	shalt  }
0x3f: {  	_ =	shalt  }
0x40: {  	_ =	shalt  }
0x41: {  	_ =	shalt  }
0x42: {  	_ =	shalt  }
0x43: {  	_ =	shalt  }
0x44: {  	_ =	shalt  }
0x45: {  	_ =	shalt  }
0x46: {  	_ =	shalt  }
0x47: {  	_ =	shalt  }
0x48: {  	_ =	shalt  }
0x49: {  	_ =	shalt  }
0x4a: {  	_ =	shalt  }
0x4b: {  	_ =	shalt  }
0x4c: {  	_ =	shalt  }
0x4d: {  	_ =	shalt  }
0x4e: {  	_ =	shalt  }
0x4f: {  	_ =	shalt  }
0x50: {  	_ =	shalt  }
0x51: {  	_ =	shalt  }
0x52: {  	_ =	shalt  }
0x53: {  	_ =	shalt  }
0x54: {  	_ =	shalt  }
0x55: {  	_ =	shalt  }
0x56: {  	_ =	shalt  }
0x57: {  	_ =	shalt  }
0x58: {  	_ =	shalt  }
0x59: {  	_ =	shalt  }
0x5a: {  	_ =	shalt  }
0x5b: {  	_ =	shalt  }
0x5c: {  	_ =	shalt  }
0x5d: {  	_ =	shalt  }
0x5e: {  	_ =	shalt  }
0x5f: {  	_ =	shalt  }
0x60: {  	_ =	shalt  }
0x61: {  	_ =	shalt  }
0x62: {  	_ =	shalt  }
0x63: {  	_ =	shalt  }
0x64: {  	_ =	shalt  }
0x65: {  	_ =	shalt  }
0x66: {  	_ =	shalt  }
0x67: {  	_ =	shalt  }
0x68: {  	_ =	shalt  }
0x69: {  	_ =	shalt  }
0x6a: {  	_ =	shalt  }
0x6b: {  	_ =	shalt  }
0x6c: {  	_ =	shalt  }
0x6d: {  	_ =	shalt  }
0x6e: {  	_ =	shalt  }
0x6f: {  	_ =	shalt  }
0x70: {  	_ =	shalt  }
0x71: {  	_ =	shalt  }
0x72: {  	_ =	shalt  }
0x73: {  	_ =	shalt  }
0x74: {  	_ =	shalt  }
0x75: {  	_ =	shalt  }
0x76: {  	_ =	shalt  }
0x77: {  	_ =	shalt  }
0x78: {  	_ =	shalt  }
0x79: {  	_ =	shalt  }
0x7a: {  	_ =	shalt  }
0x7b: {  	_ =	shalt  }
0x7c: {  	_ =	shalt  }
0x7d: {  	_ =	shalt  }
0x7e: {  	_ =	shalt  }
0x7f: {  	_ =	shalt  }
0x80: {  	_ =	shalt  }
0x81: {  	_ =	shalt  }
0x82: {  	_ =	shalt  }
0x83: {  	_ =	shalt  }
0x84: {  	_ =	shalt  }
0x85: {  	_ =	shalt  }
0x86: {  	_ =	shalt  }
0x87: {  	_ =	shalt  }
.Lfunc_end0:
.L_simem_size_0:
called_computation.4_lowered:
.L_overlay_start_0:
0x88: {  	s2 =	sld [smem:$0x3FD9]  }
0x89: {  	s3 =	sld [smem:$0x3FFE];
	_ =	sdelay $0x1  }
0x8a: {  	s1 =	srdreg.scid  }
0x8b: {  	s0 =	sand.u32 $0x1, s1  }
0x8c: {  	s17 =	sshll.u32 s0, $0xA;
	s2 =	sadd.s32 s3, s2  }
0x8d: {  	s2 =	sadd.s32 s2, s17  }
0x8e: {  	[smem:$0x3FC1] =	sst s2  }
0x8f: {  	_ = 	snop  }
0x90: {  	s2 =	sld [smem:$0x3FD0];
	(tm) =	ssettm $0x1  }
0x91: {  	s18 =	sld [smem:$0x3FFB];
	_ =	sdelay $0x3  }
0x92: {  	_ =	strace s18  }
0x93: {  	s3 =	sld [smem:$0x3FFC];
	_ =	sdelay $0x3  }
0x94: {  	_ =	strace s3  }
0x95: {  	s3 =	sld [smem:$0x3FFD];
	_ =	sdelay $0x3  }
0x96: {  	_ =	strace s3  }
0x97: {  	_ =	strace $0x8FFFFFFF  }
0x98: {  	s19 =	sld [smem:$0x3FDB];
	_ =	sdelay $0x1  }
0x99: {  	s4 =	simm.s32 $_scs_section_size  }
0x9a: {  	s5 =	simm.s32 $_size__tile_overlayer_lowered;
	s6 =	simm.s32 $_tile_overlayer_lowered  }
0x9b: {  	s22 =	simm.s32 $0x1BFF;
	s21 =	sshll.u32 s6, $0x1;
	s3 =	sadd.s32 s4, s19  }
0x9c: {  	s7 =	simm.s32 $0x0;
	s20 =	sshll.u32 s5, $0x1;
	s5 =	sadd.s32 s21, s3  }
0x9d: {  	[timem:s7], [sflag:s22] =	dma.local [hbm:s5], s20  }
0x9e: {  	_ =	swait.ge [sflag:s22], s20  }
0x9f: {  	s4 =	ssub.s32 $0x0, s20;
	[sflag:s22] =	ssyncset.done $0x0  }
0xa0: {  	[sflag:s22] =	ssyncadd.s32 s4;
	_ =	sdelay $0x1  }
0xa1: {  	s23 =	simm.s32 $0x1B8B  }
0xa2: {  	_ =	swait.ge [sflag:s23], $0x1  }
0xa3: {  	[sflag:s23] =	ssyncset.done $0x0  }
0xa4: {  	s25 =	simm.s32 $0x1B8E;
	s24 =	sld [smem:$0x3FFE];
	[sflag:s23] =	ssyncadd.s32 $0xFFFFFFFF  }
0xa5: {  	s26 =	simm.s32 $execute0_lowered;
	[smem:$0x3FD2] =	sst s25  }
0xa6: {  	s5 =	sshll.u32 s26, $0x1;
	_ =	strace $0x80000052;
	[dreg:$0x1] =	wrdreg $0xFFFFFFFF  }
0xa7: {  	s28 =	simm.s32 $_size_execute0_lowered;
	s3 =	sadd.s32 s3, s5;
	[dreg:$0x0] =	wrdreg $0x0  }
0xa8: {  	s5 =	sshll.u32 s28, $0x1;
	[dreg:$0x2] =	wrdreg s3  }
0xa9: {  	[dreg:$0x3] =	wrdreg s5  }
0xaa: {  	[dreg:$0x4] =	wrdreg $0xC0  }
0xab: {  	_ =	task [dreg:s7], $0x5FFFF  }
0xac: {  	[dreg:$0x1] =	wrdreg $0xFFFFFFFF  }
0xad: {  	[dreg:$0x0] =	wrdreg $0x60  }
0xae: {  	[dreg:$0x2] =	wrdreg s24  }
0xaf: {  	[dreg:$0x3] =	wrdreg s2  }
0xb0: {  	[dreg:$0x4] =	wrdreg $0x88000  }
0xb1: {  	[dreg:$0x5] =	wrdreg $0x9  }
0xb2: {  	_ =	task.clear_ibuf [dreg:s7], $0x6FFFF;
	_ =	strace $0x90000052  }
0xb3: {  	s29 =	simm.s32 $0x9;
	_ =	strace $0x80000054  }
0xb4: {  	_ =	swait.ge [sflag:s29], $0x1  }
0xb5: {  	[sflag:s29] =	ssyncadd.s32 $0xFFFFFFFF  }
0xb6: {  	_ =	strace $0x90000054  }
0xb7: {  	_ =	sfence  }
0xb8: {  	s30 =	sld [smem:$0x0];
	_ =	sdelay $0x2  }
0xb9: {  	s31 =	sshll.u32 s1, $0xD;
	s1 =	sshrl.u32 s1, $0x2  }
0xba: {  	s3 =	sand.u32 $0x4000, s31;
	s1 =	sadd.s32 s1, s30  }
0xbb: {  	s0 =	sor.u32 s3, s0;
	s1 =	sshll.u32 s1, $0x11  }
0xbc: {  	s0 =	sor.u32 s1, s0  }
0xbd: {  	s0 =	sadd.s32 $0x8F2B, s0  }
0xbe: {  	[sflag:s0] =	ssyncadd.remote.s32 $0x1  }
0xbf: {  	_ =	sfence.sel $0xFFFF  }
0xc0: {  	[dreg:$0x0] =	wrdreg $0xFFFFFFFF;
	(pc) =	sbr.abs _section_cstart, $3  }
0xc1: {  	[dreg:$0x1] =	wrdreg $0xFFFFFFFF  }
0xc2: {  	_ =	task.clear_ibuf [dreg:s7], $0x2FFFF;
	_ =	strace $0x9FFFFFFF  }
0xc3: {  	(tm) =	ssettm $0x7FFFFFFF  }
tec
execute0_lowered:
.L_overlay_start_1:
0x0: {  	(tag) =	ssettag $0x1  }
0x1: {  	s2 =	srdreg.scid  }
0x2: {  	s9 =	rddreg [dreg:$0x0];
	s31 =	sand.u32 $0x1, s2  }
0x3: {  	s1 =	rddreg [dreg:$0x1];
	s0 =	stileid.u32;
	s25 =	sshll.u32 s31, $0x4  }
0x4: {  	s3 =	simm.s32 $0x0;
	[dreg:$0x4] =	wrdreg s1;
	s1 =	sor.u32 s0, s25  }
0x5: {  	[smem:$0x7FF] =	sst s3;
	s4 =	smul.u32 $0x280, s1  }
0x6: {  	s2 =	rddreg [dreg:$0x2];
	_ =	strace $0x80000053;
	s1 =	smul.u32 $0x7800, s0  }
0x7: {  	s26 =	sshll.u32 s0, $0x6;
	s8 =	rddreg [dreg:$0x4];
	s7 =	sadd.s32 s4, s9  }
0x8: {  	s5 =	sadd.s32 s1, s2;
	s4 =	sor.u32 $0x1C02, s26;
	s6 =	sadd.s32 $0xB400, s7  }
0x9: {  	[dreg:$0x5] =	wrdreg s6;
	s6 =	sshrl.u32 s5, $0x3;
	s5 =	simm.s32 $0x2  }
0xa: {  	[spmem:s6], [sflag:s4] =	dma.local [hbm:s8], $0xF00  }
0xb: {  	_ =	swait.ge [sflag:s5], $0xF00  }
0xc: {  	[sflag:s5] =	ssyncset.done $0x0  }
0xd: {  	s0 =	rddreg [dreg:$0x5];
	[sflag:s5] =	ssyncadd.s32 $0xFFFFF100  }
0xe: {  	[tilespmem:s3], [sflag:$0x2] =	stream.linear.gather [hbm4b:s0+s3], $0x1400, $0x38;
	[tilespmem:$0x10000] =	vst v63  }
0xf: {  	_ =	swait.ge [sflag:s5], $0x1400  }
0x10: {  	[sflag:s5] =	ssyncset.done $0x0  }
0x11: {  	s7 =	sadd.s32 $0x5A00, s7;
	s8 =	simm.s32 $0x1400;
	[sflag:s5] =	ssyncadd.s32 $0xFFFFEC00  }
0x12: {  	[tilespmem:s8], [sflag:$0x2] =	stream.linear.gather [hbm4b:s7+s3], $0x1400, $0x38;
	[tilespmem:$0x10000] =	vst v63  }
0x13: {  	_ =	swait.ge [sflag:s5], $0x1400  }
0x14: {  	[sflag:s5] =	ssyncset.done $0x0  }
0x15: {  	s10 =	simm.s32 $0x200;
	s11 =	simm.s32 $0x2800;
	[sflag:s5] =	ssyncadd.s32 $0xFFFFEC00  }
0x16: {  	s12 =	simm.s32 $0x1;
	s9 =	sadd.s32 $0x37600, s9;
	[bflag:$0x0] =	sbarrier.arrive $0xFFFF  }
0x17: {  	[tilespmem:s11], [sflag:$0x1] =	stream.indirect.gather [hbm4b:s9+s10], $0x30, s3, s10, $0xb8;
	[tilespmem:$0x10000] =	vst v63  }
0x18: {  	_ =	swait.ge [sflag:s12], $0x6000  }
0x19: {  	[sflag:s12] =	ssyncset.done $0x0  }
0x1a: {  	[sflag:s12] =	ssyncadd.s32 $0xFFFFA000  }
0x1b: {  	[spmem:s2] =	stream.indirect.scatter.add.f32 [tilespmem:s11], [sflag:$0x2], $0x30, s8, s10, $0xb8;
	[tilespmem:$0x10000] =	vst v63  }
0x1c: {  	_ =	swait.ge [sflag:s5], $0x6000  }
0x1d: {  	[sflag:s5] =	ssyncset.done $0x0  }
0x1e: {  	[sflag:s5] =	ssyncadd.s32 $0xFFFFA000  }
0x1f: {  	[tilespmem:s11], [sflag:$0x1] =	stream.indirect.gather [hbm4b:s9+s10], $0x30, s10, s10, $0xb8;
	[tilespmem:$0x10000] =	vst v63  }
0x20: {  	_ =	swait.ge [sflag:s12], $0x6000  }
0x21: {  	[sflag:s12] =	ssyncset.done $0x0  }
0x22: {  	s13 =	simm.s32 $0x1600;
	[sflag:s12] =	ssyncadd.s32 $0xFFFFA000  }
0x23: {  	[spmem:s2] =	stream.indirect.scatter.add.f32 [tilespmem:s11], [sflag:$0x2], $0x30, s13, s10, $0xb8;
	[tilespmem:$0x10000] =	vst v63  }
0x24: {  	_ =	swait.ge [sflag:s5], $0x6000  }
0x25: {  	[sflag:s5] =	ssyncset.done $0x0  }
0x26: {  	s14 =	simm.s32 $0x400;
	[sflag:s5] =	ssyncadd.s32 $0xFFFFA000  }
0x27: {  	[tilespmem:s11], [sflag:$0x1] =	stream.indirect.gather [hbm4b:s9+s10], $0x30, s14, s10, $0xb8;
	[tilespmem:$0x10000] =	vst v63  }
0x28: {  	_ =	swait.ge [sflag:s12], $0x6000  }
0x29: {  	[sflag:s12] =	ssyncset.done $0x0  }
0x2a: {  	s15 =	simm.s32 $0x1800;
	[sflag:s12] =	ssyncadd.s32 $0xFFFFA000  }
0x2b: {  	[spmem:s2] =	stream.indirect.scatter.add.f32 [tilespmem:s11], [sflag:$0x2], $0x30, s15, s10, $0xb8;
	[tilespmem:$0x10000] =	vst v63  }
0x2c: {  	_ =	swait.ge [sflag:s5], $0x6000  }
0x2d: {  	[sflag:s5] =	ssyncset.done $0x0  }
0x2e: {  	s16 =	simm.s32 $0x600;
	[sflag:s5] =	ssyncadd.s32 $0xFFFFA000  }
0x2f: {  	[tilespmem:s11], [sflag:$0x1] =	stream.indirect.gather [hbm4b:s9+s10], $0x30, s16, s10, $0xb8;
	[tilespmem:$0x10000] =	vst v63  }
0x30: {  	_ =	swait.ge [sflag:s12], $0x6000  }
0x31: {  	[sflag:s12] =	ssyncset.done $0x0  }
0x32: {  	s17 =	simm.s32 $0x1A00;
	[sflag:s12] =	ssyncadd.s32 $0xFFFFA000  }
0x33: {  	[spmem:s2] =	stream.indirect.scatter.add.f32 [tilespmem:s11], [sflag:$0x2], $0x30, s17, s10, $0xb8;
	[tilespmem:$0x10000] =	vst v63  }
0x34: {  	_ =	swait.ge [sflag:s5], $0x6000  }
0x35: {  	[sflag:s5] =	ssyncset.done $0x0  }
0x36: {  	s18 =	simm.s32 $0x800;
	[sflag:s5] =	ssyncadd.s32 $0xFFFFA000  }
0x37: {  	[tilespmem:s11], [sflag:$0x1] =	stream.indirect.gather [hbm4b:s9+s10], $0x30, s18, s10, $0xb8;
	[tilespmem:$0x10000] =	vst v63  }
0x38: {  	_ =	swait.ge [sflag:s12], $0x6000  }
0x39: {  	[sflag:s12] =	ssyncset.done $0x0  }
0x3a: {  	s19 =	simm.s32 $0x1C00;
	[sflag:s12] =	ssyncadd.s32 $0xFFFFA000  }
0x3b: {  	[spmem:s2] =	stream.indirect.scatter.add.f32 [tilespmem:s11], [sflag:$0x2], $0x30, s19, s10, $0xb8;
	[tilespmem:$0x10000] =	vst v63  }
0x3c: {  	_ =	swait.ge [sflag:s5], $0x6000  }
0x3d: {  	[sflag:s5] =	ssyncset.done $0x0  }
0x3e: {  	s20 =	simm.s32 $0xA00;
	[sflag:s5] =	ssyncadd.s32 $0xFFFFA000  }
0x3f: {  	[tilespmem:s11], [sflag:$0x1] =	stream.indirect.gather [hbm4b:s9+s10], $0x30, s20, s10, $0xb8;
	[tilespmem:$0x10000] =	vst v63  }
0x40: {  	_ =	swait.ge [sflag:s12], $0x6000  }
0x41: {  	[sflag:s12] =	ssyncset.done $0x0  }
0x42: {  	s21 =	simm.s32 $0x1E00;
	[sflag:s12] =	ssyncadd.s32 $0xFFFFA000  }
0x43: {  	[spmem:s2] =	stream.indirect.scatter.add.f32 [tilespmem:s11], [sflag:$0x2], $0x30, s21, s10, $0xb8;
	[tilespmem:$0x10000] =	vst v63  }
0x44: {  	_ =	swait.ge [sflag:s5], $0x6000  }
0x45: {  	[sflag:s5] =	ssyncset.done $0x0  }
0x46: {  	s22 =	simm.s32 $0xC00;
	[sflag:s5] =	ssyncadd.s32 $0xFFFFA000  }
0x47: {  	[tilespmem:s11], [sflag:$0x1] =	stream.indirect.gather [hbm4b:s9+s10], $0x30, s22, s10, $0xb8;
	[tilespmem:$0x10000] =	vst v63  }
0x48: {  	_ =	swait.ge [sflag:s12], $0x6000  }
0x49: {  	[sflag:s12] =	ssyncset.done $0x0  }
0x4a: {  	s23 =	simm.s32 $0x2000;
	[sflag:s12] =	ssyncadd.s32 $0xFFFFA000  }
0x4b: {  	[spmem:s2] =	stream.indirect.scatter.add.f32 [tilespmem:s11], [sflag:$0x2], $0x30, s23, s10, $0xb8;
	[tilespmem:$0x10000] =	vst v63  }
0x4c: {  	_ =	swait.ge [sflag:s5], $0x6000  }
0x4d: {  	[sflag:s5] =	ssyncset.done $0x0  }
0x4e: {  	s24 =	simm.s32 $0xE00;
	[sflag:s5] =	ssyncadd.s32 $0xFFFFA000  }
0x4f: {  	[tilespmem:s11], [sflag:$0x1] =	stream.indirect.gather [hbm4b:s9+s10], $0x30, s24, s10, $0xb8;
	[tilespmem:$0x10000] =	vst v63  }
0x50: {  	_ =	swait.ge [sflag:s12], $0x6000  }
0x51: {  	[sflag:s12] =	ssyncset.done $0x0  }
0x52: {  	s25 =	simm.s32 $0x2200;
	[sflag:s12] =	ssyncadd.s32 $0xFFFFA000  }
0x53: {  	[spmem:s2] =	stream.indirect.scatter.add.f32 [tilespmem:s11], [sflag:$0x2], $0x30, s25, s10, $0xb8;
	[tilespmem:$0x10000] =	vst v63  }
0x54: {  	_ =	swait.ge [sflag:s5], $0x6000  }
0x55: {  	[sflag:s5] =	ssyncset.done $0x0  }
0x56: {  	s26 =	simm.s32 $0x1000;
	[sflag:s5] =	ssyncadd.s32 $0xFFFFA000  }
0x57: {  	[tilespmem:s11], [sflag:$0x1] =	stream.indirect.gather [hbm4b:s9+s10], $0x30, s26, s10, $0xb8;
	[tilespmem:$0x10000] =	vst v63  }
0x58: {  	_ =	swait.ge [sflag:s12], $0x6000  }
0x59: {  	[sflag:s12] =	ssyncset.done $0x0  }
0x5a: {  	s28 =	simm.s32 $0x2400;
	[sflag:s12] =	ssyncadd.s32 $0xFFFFA000  }
0x5b: {  	[spmem:s2] =	stream.indirect.scatter.add.f32 [tilespmem:s11], [sflag:$0x2], $0x30, s28, s10, $0xb8;
	[tilespmem:$0x10000] =	vst v63  }
0x5c: {  	_ =	swait.ge [sflag:s5], $0x6000  }
0x5d: {  	[sflag:s5] =	ssyncset.done $0x0  }
0x5e: {  	s29 =	simm.s32 $0x1200;
	s0 =	smul.u32 $0x78000, s31;
	[sflag:s5] =	ssyncadd.s32 $0xFFFFA000  }
0x5f: {  	[tilespmem:s11], [sflag:$0x1] =	stream.indirect.gather [hbm4b:s9+s10], $0x30, s29, s10, $0xb8;
	[tilespmem:$0x10000] =	vst v63  }
0x60: {  	_ =	swait.ge [sflag:s12], $0x6000  }
0x61: {  	s30 =	simm.s32 $0x2600;
	s0 =	sadd.s32 s1, s0;
	[sflag:s12] =	ssyncset.done $0x0  }
0x62: {  	s1 =	ssub.s32 $0x2, s31;
	s0 =	sshrl.u32 s0, $0x3;
	[sflag:s12] =	ssyncadd.s32 $0xFFFFA000  }
0x63: {  	[spmem:s2] =	stream.indirect.scatter.add.f32 [tilespmem:s11], [sflag:$0x2], $0x30, s30, s10, $0xb8;
	[tilespmem:$0x10000] =	vst v63  }
0x64: {  	_ =	swait.ge [sflag:s5], $0x6000;
	[dreg:$0x6] =	wrdreg s0;
	s0 =	sshrl.u32 s1, $0x1  }
0x65: {  	[dreg:$0x7] =	wrdreg s0  }
0x66: {  	[sflag:s5] =	ssyncset.done $0x0;
	s31 =	rddreg [dreg:$0x6]  }
0x67: {  	s0 =	rddreg [dreg:$0x0]  }
0x68: {  	s0 =	sadd.s32 s31, s0;
	s31 =	rddreg [dreg:$0x7]  }
0x69: {  	s1 =	ssub.s32 s1, s31  }
0x6a: {  	s1 =	smax.u32 s1, $0x1  }
0x6b: {  	p0 =	sne.s32 s1, $0x1  }
.Ltmp0:
0x6c: {  	_ = 	snop;
	(pc) =	sbr.rel @!p0 .LBB2_2-.Ltmp0, $4  }
0x6d: {  	[sflag:s5] =	ssyncadd.s32 $0xFFFFA000  }
0x6e: {  	[bflag:$0x0] =	sbarrier.arrive $0xFFFF;
	s31 =	sadd.s32 $0x46200, s0  }
0x6f: {  	[hbm:s31], [sflag:s4] =	dma.local [spmem:s6], $0xF00  }
0x70: {  	s0 =	sadd.s32 $0xFFFFFFFF, s1;
	_ =	swait.ge [sflag:s5], $0xF00  }
.LBB2_1:
0x71: {  	[sflag:s5] =	ssyncset.done $0x0  }
0x72: {  	s1 =	rddreg [dreg:$0x4];
	[sflag:s5] =	ssyncadd.s32 $0xFFFFF100  }
0x73: {  	[spmem:s6], [sflag:s4] =	dma.local [hbm:s1], $0xF00  }
0x74: {  	_ =	swait.ge [sflag:s5], $0xF00  }
0x75: {  	[sflag:s5] =	ssyncset.done $0x0  }
0x76: {  	s1 =	rddreg [dreg:$0x5];
	[sflag:s5] =	ssyncadd.s32 $0xFFFFF100  }
0x77: {  	[tilespmem:s3], [sflag:$0x2] =	stream.linear.gather [hbm4b:s1+s3], $0x1400, $0x38;
	[tilespmem:$0x10000] =	vst v63  }
0x78: {  	_ =	swait.ge [sflag:s5], $0x1400  }
0x79: {  	[sflag:s5] =	ssyncset.done $0x0  }
0x7a: {  	[sflag:s5] =	ssyncadd.s32 $0xFFFFEC00  }
0x7b: {  	[tilespmem:s8], [sflag:$0x2] =	stream.linear.gather [hbm4b:s7+s3], $0x1400, $0x38;
	[tilespmem:$0x10000] =	vst v63  }
0x7c: {  	_ =	swait.ge [sflag:s5], $0x1400  }
0x7d: {  	[sflag:s5] =	ssyncset.done $0x0  }
0x7e: {  	[sflag:s5] =	ssyncadd.s32 $0xFFFFEC00  }
0x7f: {  	[bflag:$0x0] =	sbarrier.arrive $0xFFFF  }
0x80: {  	[tilespmem:s11], [sflag:$0x1] =	stream.indirect.gather [hbm4b:s9+s10], $0x30, s3, s10, $0xb8;
	[tilespmem:$0x10000] =	vst v63  }
0x81: {  	_ =	swait.ge [sflag:s12], $0x6000  }
0x82: {  	[sflag:s12] =	ssyncset.done $0x0  }
0x83: {  	[sflag:s12] =	ssyncadd.s32 $0xFFFFA000  }
0x84: {  	[spmem:s2] =	stream.indirect.scatter.add.f32 [tilespmem:s11], [sflag:$0x2], $0x30, s8, s10, $0xb8;
	[tilespmem:$0x10000] =	vst v63  }
0x85: {  	_ =	swait.ge [sflag:s5], $0x6000  }
0x86: {  	[sflag:s5] =	ssyncset.done $0x0  }
0x87: {  	[sflag:s5] =	ssyncadd.s32 $0xFFFFA000  }
0x88: {  	[tilespmem:s11], [sflag:$0x1] =	stream.indirect.gather [hbm4b:s9+s10], $0x30, s10, s10, $0xb8;
	[tilespmem:$0x10000] =	vst v63  }
0x89: {  	_ =	swait.ge [sflag:s12], $0x6000  }
0x8a: {  	[sflag:s12] =	ssyncset.done $0x0  }
0x8b: {  	[sflag:s12] =	ssyncadd.s32 $0xFFFFA000  }
0x8c: {  	[spmem:s2] =	stream.indirect.scatter.add.f32 [tilespmem:s11], [sflag:$0x2], $0x30, s13, s10, $0xb8;
	[tilespmem:$0x10000] =	vst v63  }
0x8d: {  	_ =	swait.ge [sflag:s5], $0x6000  }
0x8e: {  	[sflag:s5] =	ssyncset.done $0x0  }
0x8f: {  	[sflag:s5] =	ssyncadd.s32 $0xFFFFA000  }
0x90: {  	[tilespmem:s11], [sflag:$0x1] =	stream.indirect.gather [hbm4b:s9+s10], $0x30, s14, s10, $0xb8;
	[tilespmem:$0x10000] =	vst v63  }
0x91: {  	_ =	swait.ge [sflag:s12], $0x6000  }
0x92: {  	[sflag:s12] =	ssyncset.done $0x0  }
0x93: {  	[sflag:s12] =	ssyncadd.s32 $0xFFFFA000  }
0x94: {  	[spmem:s2] =	stream.indirect.scatter.add.f32 [tilespmem:s11], [sflag:$0x2], $0x30, s15, s10, $0xb8;
	[tilespmem:$0x10000] =	vst v63  }
0x95: {  	_ =	swait.ge [sflag:s5], $0x6000  }
0x96: {  	[sflag:s5] =	ssyncset.done $0x0  }
0x97: {  	[sflag:s5] =	ssyncadd.s32 $0xFFFFA000  }
0x98: {  	[tilespmem:s11], [sflag:$0x1] =	stream.indirect.gather [hbm4b:s9+s10], $0x30, s16, s10, $0xb8;
	[tilespmem:$0x10000] =	vst v63  }
0x99: {  	_ =	swait.ge [sflag:s12], $0x6000  }
0x9a: {  	[sflag:s12] =	ssyncset.done $0x0  }
0x9b: {  	[sflag:s12] =	ssyncadd.s32 $0xFFFFA000  }
0x9c: {  	[spmem:s2] =	stream.indirect.scatter.add.f32 [tilespmem:s11], [sflag:$0x2], $0x30, s17, s10, $0xb8;
	[tilespmem:$0x10000] =	vst v63  }
0x9d: {  	_ =	swait.ge [sflag:s5], $0x6000  }
0x9e: {  	[sflag:s5] =	ssyncset.done $0x0  }
0x9f: {  	[sflag:s5] =	ssyncadd.s32 $0xFFFFA000  }
0xa0: {  	[tilespmem:s11], [sflag:$0x1] =	stream.indirect.gather [hbm4b:s9+s10], $0x30, s18, s10, $0xb8;
	[tilespmem:$0x10000] =	vst v63  }
0xa1: {  	_ =	swait.ge [sflag:s12], $0x6000  }
0xa2: {  	[sflag:s12] =	ssyncset.done $0x0  }
0xa3: {  	[sflag:s12] =	ssyncadd.s32 $0xFFFFA000  }
0xa4: {  	[spmem:s2] =	stream.indirect.scatter.add.f32 [tilespmem:s11], [sflag:$0x2], $0x30, s19, s10, $0xb8;
	[tilespmem:$0x10000] =	vst v63  }
0xa5: {  	_ =	swait.ge [sflag:s5], $0x6000  }
0xa6: {  	[sflag:s5] =	ssyncset.done $0x0  }
0xa7: {  	[sflag:s5] =	ssyncadd.s32 $0xFFFFA000  }
0xa8: {  	[tilespmem:s11], [sflag:$0x1] =	stream.indirect.gather [hbm4b:s9+s10], $0x30, s20, s10, $0xb8;
	[tilespmem:$0x10000] =	vst v63  }
0xa9: {  	_ =	swait.ge [sflag:s12], $0x6000  }
0xaa: {  	[sflag:s12] =	ssyncset.done $0x0  }
0xab: {  	[sflag:s12] =	ssyncadd.s32 $0xFFFFA000  }
0xac: {  	[spmem:s2] =	stream.indirect.scatter.add.f32 [tilespmem:s11], [sflag:$0x2], $0x30, s21, s10, $0xb8;
	[tilespmem:$0x10000] =	vst v63  }
0xad: {  	_ =	swait.ge [sflag:s5], $0x6000  }
0xae: {  	[sflag:s5] =	ssyncset.done $0x0  }
0xaf: {  	[sflag:s5] =	ssyncadd.s32 $0xFFFFA000  }
0xb0: {  	[tilespmem:s11], [sflag:$0x1] =	stream.indirect.gather [hbm4b:s9+s10], $0x30, s22, s10, $0xb8;
	[tilespmem:$0x10000] =	vst v63  }
0xb1: {  	_ =	swait.ge [sflag:s12], $0x6000  }
0xb2: {  	[sflag:s12] =	ssyncset.done $0x0  }
0xb3: {  	[sflag:s12] =	ssyncadd.s32 $0xFFFFA000  }
0xb4: {  	[spmem:s2] =	stream.indirect.scatter.add.f32 [tilespmem:s11], [sflag:$0x2], $0x30, s23, s10, $0xb8;
	[tilespmem:$0x10000] =	vst v63  }
0xb5: {  	_ =	swait.ge [sflag:s5], $0x6000  }
0xb6: {  	[sflag:s5] =	ssyncset.done $0x0  }
0xb7: {  	[sflag:s5] =	ssyncadd.s32 $0xFFFFA000  }
0xb8: {  	[tilespmem:s11], [sflag:$0x1] =	stream.indirect.gather [hbm4b:s9+s10], $0x30, s24, s10, $0xb8;
	[tilespmem:$0x10000] =	vst v63  }
0xb9: {  	_ =	swait.ge [sflag:s12], $0x6000  }
0xba: {  	[sflag:s12] =	ssyncset.done $0x0  }
0xbb: {  	[sflag:s12] =	ssyncadd.s32 $0xFFFFA000  }
0xbc: {  	[spmem:s2] =	stream.indirect.scatter.add.f32 [tilespmem:s11], [sflag:$0x2], $0x30, s25, s10, $0xb8;
	[tilespmem:$0x10000] =	vst v63  }
0xbd: {  	_ =	swait.ge [sflag:s5], $0x6000  }
0xbe: {  	[sflag:s5] =	ssyncset.done $0x0  }
0xbf: {  	[sflag:s5] =	ssyncadd.s32 $0xFFFFA000  }
0xc0: {  	[tilespmem:s11], [sflag:$0x1] =	stream.indirect.gather [hbm4b:s9+s10], $0x30, s26, s10, $0xb8;
	[tilespmem:$0x10000] =	vst v63  }
0xc1: {  	_ =	swait.ge [sflag:s12], $0x6000  }
0xc2: {  	[sflag:s12] =	ssyncset.done $0x0  }
0xc3: {  	[sflag:s12] =	ssyncadd.s32 $0xFFFFA000  }
0xc4: {  	[spmem:s2] =	stream.indirect.scatter.add.f32 [tilespmem:s11], [sflag:$0x2], $0x30, s28, s10, $0xb8;
	[tilespmem:$0x10000] =	vst v63  }
0xc5: {  	_ =	swait.ge [sflag:s5], $0x6000  }
0xc6: {  	[sflag:s5] =	ssyncset.done $0x0  }
0xc7: {  	[sflag:s5] =	ssyncadd.s32 $0xFFFFA000  }
0xc8: {  	[tilespmem:s11], [sflag:$0x1] =	stream.indirect.gather [hbm4b:s9+s10], $0x30, s29, s10, $0xb8;
	[tilespmem:$0x10000] =	vst v63  }
0xc9: {  	_ =	swait.ge [sflag:s12], $0x6000  }
0xca: {  	[sflag:s12] =	ssyncset.done $0x0  }
0xcb: {  	[sflag:s12] =	ssyncadd.s32 $0xFFFFA000  }
0xcc: {  	[spmem:s2] =	stream.indirect.scatter.add.f32 [tilespmem:s11], [sflag:$0x2], $0x30, s30, s10, $0xb8;
	[tilespmem:$0x10000] =	vst v63  }
0xcd: {  	p0 =	sne.s32 s0, $0x1;
	_ =	swait.ge [sflag:s5], $0x6000  }
.Ltmp1:
0xce: {  	[sflag:s5] =	ssyncset.done $0x0;
	(pc) =	sbr.rel @p0 .LBB2_1-.Ltmp1, $4  }
0xcf: {  	[sflag:s5] =	ssyncadd.s32 $0xFFFFA000  }
0xd0: {  	[bflag:$0x0] =	sbarrier.arrive $0xFFFF  }
0xd1: {  	[hbm:s31], [sflag:s4] =	dma.local [spmem:s6], $0xF00  }
0xd2: {  	s0 =	sadd.s32 $0xFFFFFFFF, s0;
	_ =	swait.ge [sflag:s5], $0xF00  }
.LBB2_2:
0xd3: {  	[sflag:s5] =	ssyncset.done $0x0  }
0xd4: {  	[sflag:s5] =	ssyncadd.s32 $0xFFFFF100  }
0xd5: {  	_ =	sfence.sel $0x180000  }
0xd6: {  	[bflag:$0x0] =	sbarrier.arrive $0xFFFF  }
0xd7: {  	_ =	strace $0x90000053  }
0xd8: {  	s0 =	stileid.u32;
	[bflag:$0x2] =	sbarrier.arrive $0xFFFF  }
0xd9: {  	p0 =	sne.s32 s0, $0x0;
	s0 =	rddreg [dreg:$0x3]  }
0xda: {  	s0 =	sadd.s32 @!p0 $0x100000, s0  }
0xdb: {  	[sflag:s0] =	ssyncadd.tile.s32 @!p0 $0x1;
	_ =	shalt  }
.Lfunc_end2:
_tile_overlayer_lowered:
.L_overlay_start_2:
0xdc: {  	(tag) =	ssettag $0x2  }
0xdd: {  	s0 =	rddreg [dreg:$0x0];
	s2 =	stileid.u32  }
0xde: {  	s1 =	rddreg [dreg:$0x1];
	p0 =	sne.s32 s2, $0x0  }
0xdf: {  	s3 =	rddreg [dreg:$0x2];
	[bflag:$0x3] =	sbarrier.arrive $0xFFFF;
	s2 =	simm.s32 @!p0 $0x1C02  }
0xe0: {  	[timem:s3], [sflag:s2] =	dma.local @!p0 [hbm:s0], s1  }
0xe1: {  	s0 =	simm.s32 @!p0 $0x2  }
0xe2: {  	_ =	swait.ge @!p0 [sflag:s0], s1  }
0xe3: {  	s1 =	ssub.s32 @!p0 $0x0, s1;
	[sflag:s0] =	ssyncset.done @!p0 $0x0  }
0xe4: {  	[sflag:s0] =	ssyncadd.s32 @!p0 s1  }
0xe5: {  	[bflag:$0x3] =	sbarrier.arrive $0xFFFF  }
0xe6: {  	_ =	shalt  }

</sc_bundles>
